<compile_context>
chip_gen: v7x
topology: tpu7x:2x2x1
jax: 0.10.2.dev20260603
libtpu: 0.0.44.dev20260713+nightly
codegen_flags: <defaults>
</compile_context>

<pallas_src>
import functools

import jax
import jax.numpy as jnp
from jax import lax
from jax.experimental import pallas as pl
from jax.experimental.pallas import tpu as pltpu
from jax.experimental.pallas import tpu_sc as plsc

_VOCAB = 100000
_DIM = 64
_B = 4096
_L = 200
_TAGS = 59
_TDIM = 4
_EDIM = _TDIM + 2
_EPAD = 8
_ODIM = _DIM + _EDIM
_EXT = _TAGS * 4

_WPAD = 128
_N = _B * _L
_LANES = 256
_ROWS = _N // _LANES
_NC = 2
_NS = 16
_NW = _NC * _NS
_ROWS_PER_W = _ROWS // _NW
_CHUNK_ROWS = 1
_CHUNK = _CHUNK_ROWS * _LANES
_STEPS = _ROWS_PER_W // _CHUNK_ROWS


def _sc_gather(word_table, ext_table, idx_all):
    mesh = plsc.VectorSubcoreMesh(core_axis_name="c", subcore_axis_name="s")

    @functools.partial(
        pl.kernel,
        mesh=mesh,
        compiler_params=pltpu.CompilerParams(
            use_tc_tiling_on_sc=False, needs_layout_passes=False),
        out_type=[jax.ShapeDtypeStruct((_N, _WPAD), jnp.float32),
                  jax.ShapeDtypeStruct((_EPAD, _L, _B), jnp.float32)],
        scratch_types=[
            pltpu.VMEM((_CHUNK_ROWS, 2 * _LANES), jnp.int32),
            pltpu.VMEM((_CHUNK_ROWS, 2 * _LANES), jnp.int32),
            pltpu.VMEM((_CHUNK, _WPAD), jnp.float32),
            pltpu.VMEM((_CHUNK, _WPAD), jnp.float32),
            pltpu.VMEM((_EPAD, 1, _CHUNK), jnp.float32),
            pltpu.VMEM((_EPAD, 1, _CHUNK), jnp.float32),
            pltpu.VMEM((_EXT * _EPAD,), jnp.float32),
            pltpu.SemaphoreType.DMA,
            pltpu.SemaphoreType.DMA,
            pltpu.SemaphoreType.DMA,
            pltpu.SemaphoreType.DMA,
        ],
    )
    def k(word_hbm, ext_hbm, idx_hbm, outw_hbm, oute_hbm,
          ibuf0, ibuf1, wbuf0, wbuf1, ebuf0, ebuf1, extv,
          gsem0, gsem1, ssem0, ssem1):
        wid = lax.axis_index("s") * _NC + lax.axis_index("c")
        row0 = wid * _ROWS_PER_W
        jblk0 = wid * _ROWS_PER_W // _L
        l0 = wid * _ROWS_PER_W % _L
        ibuf = (ibuf0, ibuf1)
        wbuf = (wbuf0, wbuf1)
        ebuf = (ebuf0, ebuf1)
        gsem = (gsem0, gsem1)
        ssem = (ssem0, ssem1)
        lane = lax.iota(jnp.int32, 16)

        def gather_copies(p):
            for b in range(_CHUNK_ROWS):
                yield pltpu.make_async_copy(
                    word_hbm.at[ibuf[p].at[b, pl.ds(0, _LANES)]],
                    wbuf[p].at[pl.ds(b * _LANES, _LANES)],
                    gsem[p])

        def ext_compute(p):
            for b in range(_CHUNK_ROWS):
                for g in range(_LANES // 16):
                    i0 = b * _LANES + g * 16
                    e8 = ibuf[p][b, pl.ds(_LANES + g * 16, 16)] * _EPAD
                    for c in range(_EDIM):
                        vals = plsc.load_gather(extv, [e8 + c])
                        ebuf[p][c, 0, pl.ds(i0, 16)] = vals

        def store_copies(p, r):
            l = l0 + lax.rem(r, _ROWS_PER_W)
            b0 = jblk0 * _LANES
            base = l * _B + b0
            yield pltpu.make_async_copy(
                wbuf[p], outw_hbm.at[pl.ds(base, _CHUNK)], ssem[p])
            yield pltpu.make_async_copy(
                ebuf[p],
                oute_hbm.at[:, pl.ds(l, 1), pl.ds(b0, _CHUNK)],
                ssem[p])

        pltpu.sync_copy(ext_hbm, extv)
        pltpu.sync_copy(idx_hbm.at[pl.ds(row0, _CHUNK_ROWS)], ibuf[0])
        for c in gather_copies(0):
            c.start()
        pltpu.sync_copy(
            idx_hbm.at[pl.ds(row0 + _CHUNK_ROWS, _CHUNK_ROWS)], ibuf[1])

        def step(j, p):
            r = row0 + j * _CHUNK_ROWS

            @pl.when(j >= 1)
            def _():
                for c in store_copies(1 - p, r):
                    c.wait()

            ext_compute(p)

            for c in gather_copies(p):
                c.wait()

            @pl.when(j + 1 < _STEPS)
            def _():
                for c in gather_copies(1 - p):
                    c.start()

            for c in store_copies(p, r):
                c.start()

            @pl.when(j + 2 < _STEPS)
            def _():
                pltpu.sync_copy(
                    idx_hbm.at[pl.ds(r + 2 * _CHUNK_ROWS, _CHUNK_ROWS)],
                    ibuf[p])

        def body(i, carry):
            step(2 * i, 0)
            step(2 * i + 1, 1)
            return carry

        lax.fori_loop(0, _STEPS // 2, body, 0)

        for c in store_copies(1, row0 + (_STEPS - 1) * _CHUNK_ROWS):
            c.wait()

    return k(word_table, ext_table, idx_all)


def _tc_prep(data_0, data_1, data_2, data_3):
    bb = _LANES

    def body(d0, d1, d2, d3, o):
        e = d1[...] * 4 + d2[...] * 2 + d3[...]
        o[0, :, 0:bb] = jnp.transpose(d0[...], (1, 0))
        o[0, :, bb:2 * bb] = jnp.transpose(e, (1, 0))

    out = pl.pallas_call(
        body,
        grid=(_B // bb,),
        in_specs=[pl.BlockSpec((bb, _L), lambda j: (j, 0))] * 4,
        out_specs=pl.BlockSpec((1, _L, 2 * _LANES), lambda j: (j, 0, 0)),
        out_shape=jax.ShapeDtypeStruct((_B // bb, _L, 2 * _LANES), jnp.int32),
    )(data_0, data_1, data_2, data_3)
    return out.reshape(_ROWS, 2 * _LANES)


def kernel(data_0, data_1, data_2, data_3, word_table, tag_table, is_content):
    s = jnp.asarray(is_content, jnp.float32)
    idx_all = _tc_prep(data_0, data_1, data_2, data_3)
    e = jnp.arange(_EXT, dtype=jnp.int32)
    ext = jnp.concatenate([
        jnp.repeat(tag_table, 4, axis=0),
        (((e >> 1) & 1).astype(jnp.float32) * s)[:, None],
        ((e & 1).astype(jnp.float32) * s)[:, None],
        jnp.zeros((_EXT, _EPAD - _EDIM), jnp.float32),
    ], axis=1)
    wt128 = jnp.pad(word_table, ((0, 0), (0, _WPAD - _DIM)))
    out_w, out_e = _sc_gather(wt128, ext.reshape(-1), idx_all)
    word_fm = jnp.transpose(
        out_w.reshape(_L, _B, _WPAD)[:, :, :_DIM], (2, 0, 1))
    out_fm = jnp.concatenate([word_fm, out_e[:_EDIM]], axis=0)
    return jnp.transpose(out_fm, (1, 2, 0))

# --- scband reference (transcript-rebuilt; emitter-appended) ---
"""Pipeline reference for scband-extend-embedding-52862457479938 (READ-ONLY COPY).

The authoritative reference and input builder live on the scoring server;
editing this copy changes nothing except your own understanding.
"""

import jax, jax.numpy as jnp
import numpy as np

VOCAB = 100000
DIM = 64
B = 4096
L = 200
TAGS = 59
TDIM = 4


def setup_inputs(seed: int = 0) -> dict:
    key = jax.random.key(seed)
    k0, k1, k2, k3, k4, k5 = jax.random.split(key, 6)
    data_0 = jax.random.randint(k0, (B, L), 0, VOCAB, dtype=jnp.int32)
    data_1 = jax.random.randint(k1, (B, L), 0, TAGS, dtype=jnp.int32)
    data_2 = jax.random.randint(k2, (B, L), 0, 2, dtype=jnp.int32)
    data_3 = jax.random.randint(k3, (B, L), 0, 2, dtype=jnp.int32)
    # learned params: user-supplied word embedding (_weight) and tag embedding
    # (default init with padding_idx=0 row zeroed)
    word_table = jax.random.normal(k4, (VOCAB, DIM), dtype=jnp.float32)
    tag_table = jax.random.normal(k5, (TAGS, TDIM), dtype=jnp.float32)
    tag_table = tag_table.at[0].set(0.0)
    return {
        "data_0": data_0,
        "data_1": data_1,
        "data_2": data_2,
        "data_3": data_3,
        "word_table": word_table,
        "tag_table": tag_table,
        "is_content": True,
    }


def reference(data_0, data_1, data_2, data_3, word_table, tag_table, is_content=True):
    # Embedding.forward: embedding(data[0]).transpose(0, 1) -> [L, B, DIM]
    word_embedding = jnp.transpose(jnp.take(word_table, data_0, axis=0), (1, 0, 2))
    # tag_embedding(data[1]).transpose(0, 1) -> [L, B, TDIM]
    tag_embedding = jnp.transpose(jnp.take(tag_table, data_1, axis=0), (1, 0, 2))
    content_scale = jnp.asarray(is_content, jnp.float32)
    is_in_title = jnp.transpose(data_2, (1, 0))[:, :, None].astype(jnp.float32) * content_scale
    is_in_question = jnp.transpose(data_3, (1, 0))[:, :, None].astype(jnp.float32) * content_scale
    result = jnp.concatenate([word_embedding, tag_embedding, is_in_title, is_in_question], axis=2)
    return result


if False:  # reference __main__ guard neutralized (emitter)
    out = reference(**setup_inputs())
    print(out.shape, out.dtype)

if __name__ == "__main__":
    import jax
    _d = setup_inputs()
    print(jax.jit(kernel)(*tuple(_d.values())))

</pallas_src>

<mosaic_0001>
#map = affine_map<(d0, d1) -> (0, 0)>
#map1 = affine_map<(d0, d1) -> (0)>
#map2 = affine_map<(d0, d1) -> (0, 0, 0)>
module attributes {stable_mosaic.version = 14 : i64} {
  func.func @k(%arg0: i32, %arg1: i32, %arg2: memref<100000x128xf32, #tpu.memory_space<hbm>>, %arg3: memref<1888xf32, #tpu.memory_space<hbm>>, %arg4: memref<3200x512xi32, #tpu.memory_space<hbm>>, %arg5: memref<819200x128xf32, #tpu.memory_space<hbm>>, %arg6: memref<8x200x4096xf32, #tpu.memory_space<hbm>>, %arg7: memref<1x512xi32, #tpu.memory_space<vmem>>, %arg8: memref<1x512xi32, #tpu.memory_space<vmem>>, %arg9: memref<256x128xf32, #tpu.memory_space<vmem>>, %arg10: memref<256x128xf32, #tpu.memory_space<vmem>>, %arg11: memref<8x1x256xf32, #tpu.memory_space<vmem>>, %arg12: memref<8x1x256xf32, #tpu.memory_space<vmem>>, %arg13: memref<1888xf32, #tpu.memory_space<vmem>>, %arg14: memref<!tpu.dma_semaphore, #tpu.memory_space<semaphore_mem>>, %arg15: memref<!tpu.dma_semaphore, #tpu.memory_space<semaphore_mem>>, %arg16: memref<!tpu.dma_semaphore, #tpu.memory_space<semaphore_mem>>, %arg17: memref<!tpu.dma_semaphore, #tpu.memory_space<semaphore_mem>>) attributes {dimension_semantics = [#tpu.dimension_semantics<core_parallel>, #tpu.dimension_semantics<subcore_parallel>], iteration_bounds = array<i64: 2, 16>, scalar_prefetch = 0 : i64, scratch_operands = 11 : i64, tpu.core_type = #tpu.core_type<sc_vector_subcore>, window_params = [{transform_indices = #map}, {transform_indices = #map1}, {transform_indices = #map}, {transform_indices = #map}, {transform_indices = #map2}]} {
    %mul3A = arith.constant 2 : i32
    %mul3A_0 = arith.muli %arg1, %mul3A : i32
    %add3A = arith.addi %mul3A_0, %arg0 : i32
    %mul3A_1 = arith.constant 100 : i32
    %mul3A_2 = arith.muli %add3A, %mul3A_1 : i32
    %mul3A_3 = arith.constant 100 : i32
    %mul3A_4 = arith.muli %add3A, %mul3A_3 : i32
    %jit3A = arith.constant 200 : i32
    %div3A = arith.divsi %mul3A_4, %jit3A : i32
    %sign3A = arith.constant 0 : i32
    %sign3A_5 = arith.cmpi sgt, %mul3A_4, %sign3A : i32
    %sign3A_6 = arith.extui %sign3A_5 : i1 to i32
    %sign3A_7 = arith.constant 0 : i32
    %sign3A_8 = arith.cmpi slt, %mul3A_4, %sign3A_7 : i32
    %sign3A_9 = arith.extui %sign3A_8 : i1 to i32
    %sign3A_10 = arith.subi %sign3A_6, %sign3A_9 : i32
    %sign3A_11 = arith.constant 0 : i32
    %sign3A_12 = arith.cmpi sgt, %jit3A, %sign3A_11 : i32
    %sign3A_13 = arith.extui %sign3A_12 : i1 to i32
    %sign3A_14 = arith.constant 0 : i32
    %sign3A_15 = arith.cmpi slt, %jit3A, %sign3A_14 : i32
    %sign3A_16 = arith.extui %sign3A_15 : i1 to i32
    %sign3A_17 = arith.subi %sign3A_13, %sign3A_16 : i32
    %ne3A = arith.cmpi ne, %sign3A_10, %sign3A_17 : i32
    %rem3A = arith.remsi %mul3A_4, %jit3A : i32
    %ne3A_18 = arith.constant 0 : i32
    %ne3A_19 = arith.cmpi ne, %rem3A, %ne3A_18 : i32
    %and3A = arith.andi %ne3A, %ne3A_19 : i1
    %sub3A = arith.constant 1 : i32
    %sub3A_20 = arith.subi %div3A, %sub3A : i32
    %select_n3A = arith.select %and3A, %sub3A_20, %div3A : i32
    %mul3A_21 = arith.constant 100 : i32
    %mul3A_22 = arith.muli %add3A, %mul3A_21 : i32
    %jit3A_23 = arith.constant 200 : i32
    %eq3A = arith.constant 0 : i32
    %eq3A_24 = arith.cmpi eq, %jit3A_23, %eq3A : i32
    %jit3A_25 = arith.constant 1 : i32
    %select_n3A_26 = arith.select %eq3A_24, %jit3A_25, %jit3A_23 : i32
    %rem3A_27 = arith.remsi %mul3A_22, %select_n3A_26 : i32
    %ne3A_28 = arith.constant 0 : i32
    %ne3A_29 = arith.cmpi ne, %rem3A_27, %ne3A_28 : i32
    %lt3A = arith.constant 0 : i32
    %lt3A_30 = arith.cmpi slt, %rem3A_27, %lt3A : i32
    %lt3A_31 = arith.constant 0 : i32
    %lt3A_32 = arith.cmpi slt, %select_n3A_26, %lt3A_31 : i32
    %ne3A_33 = arith.xori %lt3A_30, %lt3A_32 : i1
    %and3A_34 = arith.andi %ne3A_33, %ne3A_29 : i1
    %add3A_35 = arith.addi %rem3A_27, %select_n3A_26 : i32
    %select_n3A_36 = arith.select %and3A_34, %add3A_35, %rem3A_27 : i32
    %iota3A = tpu.iota {dimensions = array<i32: 0>} : vector<16xi32>
    "tpu.region"() ({
      %run_scoped3A = tpu.sem_alloc : memref<!tpu.dma_semaphore, #tpu.memory_space<semaphore_mem>>
      tpu.enqueue_dma source(%arg3 : memref<1888xf32, #tpu.memory_space<hbm>>) target(%arg13 : memref<1888xf32, #tpu.memory_space<vmem>>) target_semaphore(%run_scoped3A : memref<!tpu.dma_semaphore, #tpu.memory_space<semaphore_mem>>)
      tpu.wait_dma2 semaphore(%run_scoped3A : memref<!tpu.dma_semaphore, #tpu.memory_space<semaphore_mem>>) src(%arg3 : memref<1888xf32, #tpu.memory_space<hbm>>) dst(%arg13 : memref<1888xf32, #tpu.memory_space<vmem>>)
      tpu.yield
    }) : () -> ()
    "tpu.region"() ({
      %run_scoped3A = tpu.sem_alloc : memref<!tpu.dma_semaphore, #tpu.memory_space<semaphore_mem>>
      %dma_start3A_70 = arith.constant 0 : i32
      %dma_start3A_71 = tpu.memref_slice %arg4[%mul3A_2, %dma_start3A_70] : memref<3200x512xi32, #tpu.memory_space<hbm>> -> memref<1x512xi32, #tpu.memory_space<hbm>>
      %dma_start3A_72 = arith.constant 0 : i32
      %dma_start3A_73 = tpu.memref_slice %arg4[%mul3A_2, %dma_start3A_72] : memref<3200x512xi32, #tpu.memory_space<hbm>> -> memref<1x512xi32, #tpu.memory_space<hbm>>
      tpu.enqueue_dma source(%dma_start3A_73 : memref<1x512xi32, #tpu.memory_space<hbm>>) target(%arg7 : memref<1x512xi32, #tpu.memory_space<vmem>>) target_semaphore(%run_scoped3A : memref<!tpu.dma_semaphore, #tpu.memory_space<semaphore_mem>>)
      %dma_wait3A_74 = arith.constant 0 : i32
      %dma_wait3A_75 = tpu.memref_slice %arg4[%mul3A_2, %dma_wait3A_74] : memref<3200x512xi32, #tpu.memory_space<hbm>> -> memref<1x512xi32, #tpu.memory_space<hbm>>
      %dma_wait3A_76 = arith.constant 0 : i32
      %dma_wait3A_77 = tpu.memref_slice %arg4[%mul3A_2, %dma_wait3A_76] : memref<3200x512xi32, #tpu.memory_space<hbm>> -> memref<1x512xi32, #tpu.memory_space<hbm>>
      tpu.wait_dma2 semaphore(%run_scoped3A : memref<!tpu.dma_semaphore, #tpu.memory_space<semaphore_mem>>) src(%dma_wait3A_77 : memref<1x512xi32, #tpu.memory_space<hbm>>) dst(%arg7 : memref<1x512xi32, #tpu.memory_space<vmem>>)
      tpu.yield
    }) : () -> ()
    %dma_start3A = arith.constant 0 : i32
    %dma_start3A_37 = arith.constant 0 : i32
    %dma_start3A_38 = arith.constant 0 : i32
    %dma_start3A_39 = tpu.memref_slice %arg9[%dma_start3A_37, %dma_start3A_38] : memref<256x128xf32, #tpu.memory_space<vmem>> -> memref<256x128xf32, #tpu.memory_space<vmem>>
    %dma_start3A_40 = arith.constant 0 : i32
    %dma_start3A_41 = tpu.memref_slice %arg7[%dma_start3A, %dma_start3A_40] : memref<1x512xi32, #tpu.memory_space<vmem>> -> memref<1x256xi32, #tpu.memory_space<vmem>>
    %dma_start3A_42 = tpu.memref_squeeze %dma_start3A_41 : memref<1x256xi32, #tpu.memory_space<vmem>> -> memref<256xi32, #tpu.memory_space<vmem>>
    %dma_start3A_43 = arith.constant 0 : i32
    %dma_start3A_44 = arith.constant 0 : i32
    %dma_start3A_45 = tpu.memref_slice %arg2[%dma_start3A_43, %dma_start3A_44] : memref<100000x128xf32, #tpu.memory_space<hbm>> -> memref<100000x128xf32, #tpu.memory_space<hbm>>
    tpu.enqueue_indirect_dma source(%dma_start3A_45 : memref<100000x128xf32, #tpu.memory_space<hbm>>) target(%dma_start3A_39 : memref<256x128xf32, #tpu.memory_space<vmem>>) offsets(%dma_start3A_42 : memref<256xi32, #tpu.memory_space<vmem>>) semaphore(%arg14 : memref<!tpu.dma_semaphore, #tpu.memory_space<semaphore_mem>>)
    %add3A_46 = arith.constant 1 : i32
    %add3A_47 = arith.addi %mul3A_2, %add3A_46 : i32
    "tpu.region"() ({
      %run_scoped3A = tpu.sem_alloc : memref<!tpu.dma_semaphore, #tpu.memory_space<semaphore_mem>>
      %dma_start3A_70 = arith.constant 0 : i32
      %dma_start3A_71 = tpu.memref_slice %arg4[%add3A_47, %dma_start3A_70] : memref<3200x512xi32, #tpu.memory_space<hbm>> -> memref<1x512xi32, #tpu.memory_space<hbm>>
      %dma_start3A_72 = arith.constant 0 : i32
      %dma_start3A_73 = tpu.memref_slice %arg4[%add3A_47, %dma_start3A_72] : memref<3200x512xi32, #tpu.memory_space<hbm>> -> memref<1x512xi32, #tpu.memory_space<hbm>>
      tpu.enqueue_dma source(%dma_start3A_73 : memref<1x512xi32, #tpu.memory_space<hbm>>) target(%arg8 : memref<1x512xi32, #tpu.memory_space<vmem>>) target_semaphore(%run_scoped3A : memref<!tpu.dma_semaphore, #tpu.memory_space<semaphore_mem>>)
      %dma_wait3A_74 = arith.constant 0 : i32
      %dma_wait3A_75 = tpu.memref_slice %arg4[%add3A_47, %dma_wait3A_74] : memref<3200x512xi32, #tpu.memory_space<hbm>> -> memref<1x512xi32, #tpu.memory_space<hbm>>
      %dma_wait3A_76 = arith.constant 0 : i32
      %dma_wait3A_77 = tpu.memref_slice %arg4[%add3A_47, %dma_wait3A_76] : memref<3200x512xi32, #tpu.memory_space<hbm>> -> memref<1x512xi32, #tpu.memory_space<hbm>>
      tpu.wait_dma2 semaphore(%run_scoped3A : memref<!tpu.dma_semaphore, #tpu.memory_space<semaphore_mem>>) src(%dma_wait3A_77 : memref<1x512xi32, #tpu.memory_space<hbm>>) dst(%arg8 : memref<1x512xi32, #tpu.memory_space<vmem>>)
      tpu.yield
    }) : () -> ()
    %scan3A = arith.constant 0 : i32
    %scan3A_48 = arith.constant 0 : i32
    %scan3A_49 = arith.constant 50 : i32
    %scan3A_50 = arith.addi %scan3A_48, %scan3A_49 : i32
    %scan3A_51 = arith.constant 1 : i32
    scf.for %scan3A_70 = %scan3A_48 to %scan3A_50 step %scan3A_51  : i32 {
      %mul3A_71 = arith.constant 2 : i32
      %mul3A_72 = arith.muli %mul3A_71, %scan3A_70 : i32
      %mul3A_73 = arith.constant 1 : i32
      %mul3A_74 = arith.muli %mul3A_72, %mul3A_73 : i32
      %add3A_75 = arith.addi %mul3A_2, %mul3A_74 : i32
      %ge3A = arith.constant 1 : i32
      %ge3A_76 = arith.cmpi sge, %mul3A_72, %ge3A : i32
      %convert_element_type3A = arith.extui %ge3A_76 : i1 to i32
      %cond3A = arith.constant 0 : i32
      %cond3A_77 = arith.cmpi ne, %convert_element_type3A, %cond3A : i32
      scf.if %cond3A_77 {
        %rem3A_2311 = arith.constant 100 : i32
        %rem3A_2312 = arith.remsi %add3A_75, %rem3A_2311 : i32
        %add3A_2313 = arith.addi %select_n3A_36, %rem3A_2312 : i32
        %mul3A_2314 = arith.constant 256 : i32
        %mul3A_2315 = arith.muli %select_n3A, %mul3A_2314 : i32
        %mul3A_2316 = arith.constant 4096 : i32
        %mul3A_2317 = arith.muli %add3A_2313, %mul3A_2316 : i32
        %add3A_2318 = arith.addi %mul3A_2317, %mul3A_2315 : i32
        %dma_wait3A_2319 = arith.constant 0 : i32
        %dma_wait3A_2320 = tpu.memref_slice %arg5[%add3A_2318, %dma_wait3A_2319] : memref<819200x128xf32, #tpu.memory_space<hbm>> -> memref<256x128xf32, #tpu.memory_space<hbm>>
        %dma_wait3A_2321 = arith.constant 0 : i32
        %dma_wait3A_2322 = tpu.memref_slice %arg5[%add3A_2318, %dma_wait3A_2321] : memref<819200x128xf32, #tpu.memory_space<hbm>> -> memref<256x128xf32, #tpu.memory_space<hbm>>
        tpu.wait_dma2 semaphore(%arg17 : memref<!tpu.dma_semaphore, #tpu.memory_space<semaphore_mem>>) src(%arg10 : memref<256x128xf32, #tpu.memory_space<vmem>>) dst(%dma_wait3A_2322 : memref<256x128xf32, #tpu.memory_space<hbm>>)
        %dma_wait3A_2323 = arith.constant 0 : i32
        %dma_wait3A_2324 = tpu.memref_slice %arg6[%dma_wait3A_2323, %add3A_2313, %mul3A_2315] : memref<8x200x4096xf32, #tpu.memory_space<hbm>> -> memref<8x1x256xf32, #tpu.memory_space<hbm>>
        %dma_wait3A_2325 = arith.constant 0 : i32
        %dma_wait3A_2326 = tpu.memref_slice %arg6[%dma_wait3A_2325, %add3A_2313, %mul3A_2315] : memref<8x200x4096xf32, #tpu.memory_space<hbm>> -> memref<8x1x256xf32, #tpu.memory_space<hbm>>
        tpu.wait_dma2 semaphore(%arg17 : memref<!tpu.dma_semaphore, #tpu.memory_space<semaphore_mem>>) src(%arg12 : memref<8x1x256xf32, #tpu.memory_space<vmem>>) dst(%dma_wait3A_2326 : memref<8x1x256xf32, #tpu.memory_space<hbm>>)
      } else {
      }
      %get3A = arith.constant 0 : i32
      %get3A_78 = arith.index_cast %get3A : i32 to index
      %get3A_79 = arith.constant 256 : index
      %get3A_80 = tpu.vector_load %arg7[%get3A_78, %get3A_79] {strides = array<i32>} : memref<1x512xi32, #tpu.memory_space<vmem>>, vector<16xi32>,
      %mul3A_81 = arith.constant 8 : i32
      %mul3A_82 = vector.broadcast %mul3A_81 : i32 to vector<16xi32>
      %mul3A_83 = arith.muli %get3A_80, %mul3A_82 : vector<16xi32>
      %add3A_84 = arith.constant 0 : i32
      %add3A_85 = vector.broadcast %add3A_84 : i32 to vector<16xi32>
      %add3A_86 = arith.addi %mul3A_83, %add3A_85 : vector<16xi32>
      %gather3A = tpu.vector_load_idx %arg13[%add3A_86] : memref<1888xf32, #tpu.memory_space<vmem>>[vector<16xi32>], vector<16xf32>,
      %swap3A = arith.constant 0 : i32
      %swap3A_87 = arith.constant 0 : i32
      %swap3A_88 = arith.index_cast %swap3A : i32 to index
      %swap3A_89 = arith.index_cast %swap3A_87 : i32 to index
      %swap3A_90 = arith.constant 0 : index
      %swap3A_91 = tpu.vector_load %arg11[%swap3A_88, %swap3A_89, %swap3A_90] {strides = array<i32>} : memref<8x1x256xf32, #tpu.memory_space<vmem>>, vector<16xf32>,
      tpu.vector_store %arg11[%swap3A_88, %swap3A_89, %swap3A_90], %gather3A {strides = array<i32>} : memref<8x1x256xf32, #tpu.memory_space<vmem>>, vector<16xf32>,
      %add3A_92 = arith.constant 1 : i32
      %add3A_93 = vector.broadcast %add3A_92 : i32 to vector<16xi32>
      %add3A_94 = arith.addi %mul3A_83, %add3A_93 : vector<16xi32>
      %gather3A_95 = tpu.vector_load_idx %arg13[%add3A_94] : memref<1888xf32, #tpu.memory_space<vmem>>[vector<16xi32>], vector<16xf32>,
      %swap3A_96 = arith.constant 1 : i32
      %swap3A_97 = arith.constant 0 : i32
      %swap3A_98 = arith.index_cast %swap3A_96 : i32 to index
      %swap3A_99 = arith.index_cast %swap3A_97 : i32 to index
      %swap3A_100 = arith.constant 0 : index
      %swap3A_101 = tpu.vector_load %arg11[%swap3A_98, %swap3A_99, %swap3A_100] {strides = array<i32>} : memref<8x1x256xf32, #tpu.memory_space<vmem>>, vector<16xf32>,
      tpu.vector_store %arg11[%swap3A_98, %swap3A_99, %swap3A_100], %gather3A_95 {strides = array<i32>} : memref<8x1x256xf32, #tpu.memory_space<vmem>>, vector<16xf32>,
      %add3A_102 = arith.constant 2 : i32
      %add3A_103 = vector.broadcast %add3A_102 : i32 to vector<16xi32>
      %add3A_104 = arith.addi %mul3A_83, %add3A_103 : vector<16xi32>
      %gather3A_105 = tpu.vector_load_idx %arg13[%add3A_104] : memref<1888xf32, #tpu.memory_space<vmem>>[vector<16xi32>], vector<16xf32>,
      %swap3A_106 = arith.constant 2 : i32
      %swap3A_107 = arith.constant 0 : i32
      %swap3A_108 = arith.index_cast %swap3A_106 : i32 to index
      %swap3A_109 = arith.index_cast %swap3A_107 : i32 to index
      %swap3A_110 = arith.constant 0 : index
      %swap3A_111 = tpu.vector_load %arg11[%swap3A_108, %swap3A_109, %swap3A_110] {strides = array<i32>} : memref<8x1x256xf32, #tpu.memory_space<vmem>>, vector<16xf32>,
      tpu.vector_store %arg11[%swap3A_108, %swap3A_109, %swap3A_110], %gather3A_105 {strides = array<i32>} : memref<8x1x256xf32, #tpu.memory_space<vmem>>, vector<16xf32>,
      %add3A_112 = arith.constant 3 : i32
      %add3A_113 = vector.broadcast %add3A_112 : i32 to vector<16xi32>
      %add3A_114 = arith.addi %mul3A_83, %add3A_113 : vector<16xi32>
      %gather3A_115 = tpu.vector_load_idx %arg13[%add3A_114] : memref<1888xf32, #tpu.memory_space<vmem>>[vector<16xi32>], vector<16xf32>,
      %swap3A_116 = arith.constant 3 : i32
      %swap3A_117 = arith.constant 0 : i32
      %swap3A_118 = arith.index_cast %swap3A_116 : i32 to index
      %swap3A_119 = arith.index_cast %swap3A_117 : i32 to index
      %swap3A_120 = arith.constant 0 : index
      %swap3A_121 = tpu.vector_load %arg11[%swap3A_118, %swap3A_119, %swap3A_120] {strides = array<i32>} : memref<8x1x256xf32, #tpu.memory_space<vmem>>, vector<16xf32>,
      tpu.vector_store %arg11[%swap3A_118, %swap3A_119, %swap3A_120], %gather3A_115 {strides = array<i32>} : memref<8x1x256xf32, #tpu.memory_space<vmem>>, vector<16xf32>,
      %add3A_122 = arith.constant 4 : i32
      %add3A_123 = vector.broadcast %add3A_122 : i32 to vector<16xi32>
      %add3A_124 = arith.addi %mul3A_83, %add3A_123 : vector<16xi32>
      %gather3A_125 = tpu.vector_load_idx %arg13[%add3A_124] : memref<1888xf32, #tpu.memory_space<vmem>>[vector<16xi32>], vector<16xf32>,
      %swap3A_126 = arith.constant 4 : i32
      %swap3A_127 = arith.constant 0 : i32
      %swap3A_128 = arith.index_cast %swap3A_126 : i32 to index
      %swap3A_129 = arith.index_cast %swap3A_127 : i32 to index
      %swap3A_130 = arith.constant 0 : index
      %swap3A_131 = tpu.vector_load %arg11[%swap3A_128, %swap3A_129, %swap3A_130] {strides = array<i32>} : memref<8x1x256xf32, #tpu.memory_space<vmem>>, vector<16xf32>,
      tpu.vector_store %arg11[%swap3A_128, %swap3A_129, %swap3A_130], %gather3A_125 {strides = array<i32>} : memref<8x1x256xf32, #tpu.memory_space<vmem>>, vector<16xf32>,
      %add3A_132 = arith.constant 5 : i32
      %add3A_133 = vector.broadcast %add3A_132 : i32 to vector<16xi32>
      %add3A_134 = arith.addi %mul3A_83, %add3A_133 : vector<16xi32>
      %gather3A_135 = tpu.vector_load_idx %arg13[%add3A_134] : memref<1888xf32, #tpu.memory_space<vmem>>[vector<16xi32>], vector<16xf32>,
      %swap3A_136 = arith.constant 5 : i32
      %swap3A_137 = arith.constant 0 : i32
      %swap3A_138 = arith.index_cast %swap3A_136 : i32 to index
      %swap3A_139 = arith.index_cast %swap3A_137 : i32 to index
      %swap3A_140 = arith.constant 0 : index
      %swap3A_141 = tpu.vector_load %arg11[%swap3A_138, %swap3A_139, %swap3A_140] {strides = array<i32>} : memref<8x1x256xf32, #tpu.memory_space<vmem>>, vector<16xf32>,
      tpu.vector_store %arg11[%swap3A_138, %swap3A_139, %swap3A_140], %gather3A_135 {strides = array<i32>} : memref<8x1x256xf32, #tpu.memory_space<vmem>>, vector<16xf32>,
      %get3A_142 = arith.constant 0 : i32
      %get3A_143 = arith.index_cast %get3A_142 : i32 to index
      %get3A_144 = arith.constant 272 : index
      %get3A_145 = tpu.vector_load %arg7[%get3A_143, %get3A_144] {strides = array<i32>} : memref<1x512xi32, #tpu.memory_space<vmem>>, vector<16xi32>,
      %mul3A_146 = arith.constant 8 : i32
      %mul3A_147 = vector.broadcast %mul3A_146 : i32 to vector<16xi32>
      %mul3A_148 = arith.muli %get3A_145, %mul3A_147 : vector<16xi32>
      %add3A_149 = arith.constant 0 : i32
      %add3A_150 = vector.broadcast %add3A_149 : i32 to vector<16xi32>
      %add3A_151 = arith.addi %mul3A_148, %add3A_150 : vector<16xi32>
      %gather3A_152 = tpu.vector_load_idx %arg13[%add3A_151] : memref<1888xf32, #tpu.memory_space<vmem>>[vector<16xi32>], vector<16xf32>,
      %swap3A_153 = arith.constant 0 : i32
      %swap3A_154 = arith.constant 0 : i32
      %swap3A_155 = arith.index_cast %swap3A_153 : i32 to index
      %swap3A_156 = arith.index_cast %swap3A_154 : i32 to index
      %swap3A_157 = arith.constant 16 : index
      %swap3A_158 = tpu.vector_load %arg11[%swap3A_155, %swap3A_156, %swap3A_157] {strides = array<i32>} : memref<8x1x256xf32, #tpu.memory_space<vmem>>, vector<16xf32>,
      tpu.vector_store %arg11[%swap3A_155, %swap3A_156, %swap3A_157], %gather3A_152 {strides = array<i32>} : memref<8x1x256xf32, #tpu.memory_space<vmem>>, vector<16xf32>,
      %add3A_159 = arith.constant 1 : i32
      %add3A_160 = vector.broadcast %add3A_159 : i32 to vector<16xi32>
      %add3A_161 = arith.addi %mul3A_148, %add3A_160 : vector<16xi32>
      %gather3A_162 = tpu.vector_load_idx %arg13[%add3A_161] : memref<1888xf32, #tpu.memory_space<vmem>>[vector<16xi32>], vector<16xf32>,
      %swap3A_163 = arith.constant 1 : i32
      %swap3A_164 = arith.constant 0 : i32
      %swap3A_165 = arith.index_cast %swap3A_163 : i32 to index
      %swap3A_166 = arith.index_cast %swap3A_164 : i32 to index
      %swap3A_167 = arith.constant 16 : index
      %swap3A_168 = tpu.vector_load %arg11[%swap3A_165, %swap3A_166, %swap3A_167] {strides = array<i32>} : memref<8x1x256xf32, #tpu.memory_space<vmem>>, vector<16xf32>,
      tpu.vector_store %arg11[%swap3A_165, %swap3A_166, %swap3A_167], %gather3A_162 {strides = array<i32>} : memref<8x1x256xf32, #tpu.memory_space<vmem>>, vector<16xf32>,
      %add3A_169 = arith.constant 2 : i32
      %add3A_170 = vector.broadcast %add3A_169 : i32 to vector<16xi32>
      %add3A_171 = arith.addi %mul3A_148, %add3A_170 : vector<16xi32>
      %gather3A_172 = tpu.vector_load_idx %arg13[%add3A_171] : memref<1888xf32, #tpu.memory_space<vmem>>[vector<16xi32>], vector<16xf32>,
      %swap3A_173 = arith.constant 2 : i32
      %swap3A_174 = arith.constant 0 : i32
      %swap3A_175 = arith.index_cast %swap3A_173 : i32 to index
      %swap3A_176 = arith.index_cast %swap3A_174 : i32 to index
      %swap3A_177 = arith.constant 16 : index
      %swap3A_178 = tpu.vector_load %arg11[%swap3A_175, %swap3A_176, %swap3A_177] {strides = array<i32>} : memref<8x1x256xf32, #tpu.memory_space<vmem>>, vector<16xf32>,
      tpu.vector_store %arg11[%swap3A_175, %swap3A_176, %swap3A_177], %gather3A_172 {strides = array<i32>} : memref<8x1x256xf32, #tpu.memory_space<vmem>>, vector<16xf32>,
      %add3A_179 = arith.constant 3 : i32
      %add3A_180 = vector.broadcast %add3A_179 : i32 to vector<16xi32>
      %add3A_181 = arith.addi %mul3A_148, %add3A_180 : vector<16xi32>
      %gather3A_182 = tpu.vector_load_idx %arg13[%add3A_181] : memref<1888xf32, #tpu.memory_space<vmem>>[vector<16xi32>], vector<16xf32>,
      %swap3A_183 = arith.constant 3 : i32
      %swap3A_184 = arith.constant 0 : i32
      %swap3A_185 = arith.index_cast %swap3A_183 : i32 to index
      %swap3A_186 = arith.index_cast %swap3A_184 : i32 to index
      %swap3A_187 = arith.constant 16 : index
      %swap3A_188 = tpu.vector_load %arg11[%swap3A_185, %swap3A_186, %swap3A_187] {strides = array<i32>} : memref<8x1x256xf32, #tpu.memory_space<vmem>>, vector<16xf32>,
      tpu.vector_store %arg11[%swap3A_185, %swap3A_186, %swap3A_187], %gather3A_182 {strides = array<i32>} : memref<8x1x256xf32, #tpu.memory_space<vmem>>, vector<16xf32>,
      %add3A_189 = arith.constant 4 : i32
      %add3A_190 = vector.broadcast %add3A_189 : i32 to vector<16xi32>
      %add3A_191 = arith.addi %mul3A_148, %add3A_190 : vector<16xi32>
      %gather3A_192 = tpu.vector_load_idx %arg13[%add3A_191] : memref<1888xf32, #tpu.memory_space<vmem>>[vector<16xi32>], vector<16xf32>,
      %swap3A_193 = arith.constant 4 : i32
      %swap3A_194 = arith.constant 0 : i32
      %swap3A_195 = arith.index_cast %swap3A_193 : i32 to index
      %swap3A_196 = arith.index_cast %swap3A_194 : i32 to index
      %swap3A_197 = arith.constant 16 : index
      %swap3A_198 = tpu.vector_load %arg11[%swap3A_195, %swap3A_196, %swap3A_197] {strides = array<i32>} : memref<8x1x256xf32, #tpu.memory_space<vmem>>, vector<16xf32>,
      tpu.vector_store %arg11[%swap3A_195, %swap3A_196, %swap3A_197], %gather3A_192 {strides = array<i32>} : memref<8x1x256xf32, #tpu.memory_space<vmem>>, vector<16xf32>,
      %add3A_199 = arith.constant 5 : i32
      %add3A_200 = vector.broadcast %add3A_199 : i32 to vector<16xi32>
      %add3A_201 = arith.addi %mul3A_148, %add3A_200 : vector<16xi32>
      %gather3A_202 = tpu.vector_load_idx %arg13[%add3A_201] : memref<1888xf32, #tpu.memory_space<vmem>>[vector<16xi32>], vector<16xf32>,
      %swap3A_203 = arith.constant 5 : i32
      %swap3A_204 = arith.constant 0 : i32
      %swap3A_205 = arith.index_cast %swap3A_203 : i32 to index
      %swap3A_206 = arith.index_cast %swap3A_204 : i32 to index
      %swap3A_207 = arith.constant 16 : index
      %swap3A_208 = tpu.vector_load %arg11[%swap3A_205, %swap3A_206, %swap3A_207] {strides = array<i32>} : memref<8x1x256xf32, #tpu.memory_space<vmem>>, vector<16xf32>,
      tpu.vector_store %arg11[%swap3A_205, %swap3A_206, %swap3A_207], %gather3A_202 {strides = array<i32>} : memref<8x1x256xf32, #tpu.memory_space<vmem>>, vector<16xf32>,
      %get3A_209 = arith.constant 0 : i32
      %get3A_210 = arith.index_cast %get3A_209 : i32 to index
      %get3A_211 = arith.constant 288 : index
      %get3A_212 = tpu.vector_load %arg7[%get3A_210, %get3A_211] {strides = array<i32>} : memref<1x512xi32, #tpu.memory_space<vmem>>, vector<16xi32>,
      %mul3A_213 = arith.constant 8 : i32
      %mul3A_214 = vector.broadcast %mul3A_213 : i32 to vector<16xi32>
      %mul3A_215 = arith.muli %get3A_212, %mul3A_214 : vector<16xi32>
      %add3A_216 = arith.constant 0 : i32
      %add3A_217 = vector.broadcast %add3A_216 : i32 to vector<16xi32>
      %add3A_218 = arith.addi %mul3A_215, %add3A_217 : vector<16xi32>
      %gather3A_219 = tpu.vector_load_idx %arg13[%add3A_218] : memref<1888xf32, #tpu.memory_space<vmem>>[vector<16xi32>], vector<16xf32>,
      %swap3A_220 = arith.constant 0 : i32
      %swap3A_221 = arith.constant 0 : i32
      %swap3A_222 = arith.index_cast %swap3A_220 : i32 to index
      %swap3A_223 = arith.index_cast %swap3A_221 : i32 to index
      %swap3A_224 = arith.constant 32 : index
      %swap3A_225 = tpu.vector_load %arg11[%swap3A_222, %swap3A_223, %swap3A_224] {strides = array<i32>} : memref<8x1x256xf32, #tpu.memory_space<vmem>>, vector<16xf32>,
      tpu.vector_store %arg11[%swap3A_222, %swap3A_223, %swap3A_224], %gather3A_219 {strides = array<i32>} : memref<8x1x256xf32, #tpu.memory_space<vmem>>, vector<16xf32>,
      %add3A_226 = arith.constant 1 : i32
      %add3A_227 = vector.broadcast %add3A_226 : i32 to vector<16xi32>
      %add3A_228 = arith.addi %mul3A_215, %add3A_227 : vector<16xi32>
      %gather3A_229 = tpu.vector_load_idx %arg13[%add3A_228] : memref<1888xf32, #tpu.memory_space<vmem>>[vector<16xi32>], vector<16xf32>,
      %swap3A_230 = arith.constant 1 : i32
      %swap3A_231 = arith.constant 0 : i32
      %swap3A_232 = arith.index_cast %swap3A_230 : i32 to index
      %swap3A_233 = arith.index_cast %swap3A_231 : i32 to index
      %swap3A_234 = arith.constant 32 : index
      %swap3A_235 = tpu.vector_load %arg11[%swap3A_232, %swap3A_233, %swap3A_234] {strides = array<i32>} : memref<8x1x256xf32, #tpu.memory_space<vmem>>, vector<16xf32>,
      tpu.vector_store %arg11[%swap3A_232, %swap3A_233, %swap3A_234], %gather3A_229 {strides = array<i32>} : memref<8x1x256xf32, #tpu.memory_space<vmem>>, vector<16xf32>,
      %add3A_236 = arith.constant 2 : i32
      %add3A_237 = vector.broadcast %add3A_236 : i32 to vector<16xi32>
      %add3A_238 = arith.addi %mul3A_215, %add3A_237 : vector<16xi32>
      %gather3A_239 = tpu.vector_load_idx %arg13[%add3A_238] : memref<1888xf32, #tpu.memory_space<vmem>>[vector<16xi32>], vector<16xf32>,
      %swap3A_240 = arith.constant 2 : i32
      %swap3A_241 = arith.constant 0 : i32
      %swap3A_242 = arith.index_cast %swap3A_240 : i32 to index
      %swap3A_243 = arith.index_cast %swap3A_241 : i32 to index
      %swap3A_244 = arith.constant 32 : index
      %swap3A_245 = tpu.vector_load %arg11[%swap3A_242, %swap3A_243, %swap3A_244] {strides = array<i32>} : memref<8x1x256xf32, #tpu.memory_space<vmem>>, vector<16xf32>,
      tpu.vector_store %arg11[%swap3A_242, %swap3A_243, %swap3A_244], %gather3A_239 {strides = array<i32>} : memref<8x1x256xf32, #tpu.memory_space<vmem>>, vector<16xf32>,
      %add3A_246 = arith.constant 3 : i32
      %add3A_247 = vector.broadcast %add3A_246 : i32 to vector<16xi32>
      %add3A_248 = arith.addi %mul3A_215, %add3A_247 : vector<16xi32>
      %gather3A_249 = tpu.vector_load_idx %arg13[%add3A_248] : memref<1888xf32, #tpu.memory_space<vmem>>[vector<16xi32>], vector<16xf32>,
      %swap3A_250 = arith.constant 3 : i32
      %swap3A_251 = arith.constant 0 : i32
      %swap3A_252 = arith.index_cast %swap3A_250 : i32 to index
      %swap3A_253 = arith.index_cast %swap3A_251 : i32 to index
      %swap3A_254 = arith.constant 32 : index
      %swap3A_255 = tpu.vector_load %arg11[%swap3A_252, %swap3A_253, %swap3A_254] {strides = array<i32>} : memref<8x1x256xf32, #tpu.memory_space<vmem>>, vector<16xf32>,
      tpu.vector_store %arg11[%swap3A_252, %swap3A_253, %swap3A_254], %gather3A_249 {strides = array<i32>} : memref<8x1x256xf32, #tpu.memory_space<vmem>>, vector<16xf32>,
      %add3A_256 = arith.constant 4 : i32
      %add3A_257 = vector.broadcast %add3A_256 : i32 to vector<16xi32>
      %add3A_258 = arith.addi %mul3A_215, %add3A_257 : vector<16xi32>
      %gather3A_259 = tpu.vector_load_idx %arg13[%add3A_258] : memref<1888xf32, #tpu.memory_space<vmem>>[vector<16xi32>], vector<16xf32>,
      %swap3A_260 = arith.constant 4 : i32
      %swap3A_261 = arith.constant 0 : i32
      %swap3A_262 = arith.index_cast %swap3A_260 : i32 to index
      %swap3A_263 = arith.index_cast %swap3A_261 : i32 to index
      %swap3A_264 = arith.constant 32 : index
      %swap3A_265 = tpu.vector_load %arg11[%swap3A_262, %swap3A_263, %swap3A_264] {strides = array<i32>} : memref<8x1x256xf32, #tpu.memory_space<vmem>>, vector<16xf32>,
      tpu.vector_store %arg11[%swap3A_262, %swap3A_263, %swap3A_264], %gather3A_259 {strides = array<i32>} : memref<8x1x256xf32, #tpu.memory_space<vmem>>, vector<16xf32>,
      %add3A_266 = arith.constant 5 : i32
      %add3A_267 = vector.broadcast %add3A_266 : i32 to vector<16xi32>
      %add3A_268 = arith.addi %mul3A_215, %add3A_267 : vector<16xi32>
      %gather3A_269 = tpu.vector_load_idx %arg13[%add3A_268] : memref<1888xf32, #tpu.memory_space<vmem>>[vector<16xi32>], vector<16xf32>,
      %swap3A_270 = arith.constant 5 : i32
      %swap3A_271 = arith.constant 0 : i32
      %swap3A_272 = arith.index_cast %swap3A_270 : i32 to index
      %swap3A_273 = arith.index_cast %swap3A_271 : i32 to index
      %swap3A_274 = arith.constant 32 : index
      %swap3A_275 = tpu.vector_load %arg11[%swap3A_272, %swap3A_273, %swap3A_274] {strides = array<i32>} : memref<8x1x256xf32, #tpu.memory_space<vmem>>, vector<16xf32>,
      tpu.vector_store %arg11[%swap3A_272, %swap3A_273, %swap3A_274], %gather3A_269 {strides = array<i32>} : memref<8x1x256xf32, #tpu.memory_space<vmem>>, vector<16xf32>,
      %get3A_276 = arith.constant 0 : i32
      %get3A_277 = arith.index_cast %get3A_276 : i32 to index
      %get3A_278 = arith.constant 304 : index
      %get3A_279 = tpu.vector_load %arg7[%get3A_277, %get3A_278] {strides = array<i32>} : memref<1x512xi32, #tpu.memory_space<vmem>>, vector<16xi32>,
      %mul3A_280 = arith.constant 8 : i32
      %mul3A_281 = vector.broadcast %mul3A_280 : i32 to vector<16xi32>
      %mul3A_282 = arith.muli %get3A_279, %mul3A_281 : vector<16xi32>
      %add3A_283 = arith.constant 0 : i32
      %add3A_284 = vector.broadcast %add3A_283 : i32 to vector<16xi32>
      %add3A_285 = arith.addi %mul3A_282, %add3A_284 : vector<16xi32>
      %gather3A_286 = tpu.vector_load_idx %arg13[%add3A_285] : memref<1888xf32, #tpu.memory_space<vmem>>[vector<16xi32>], vector<16xf32>,
      %swap3A_287 = arith.constant 0 : i32
      %swap3A_288 = arith.constant 0 : i32
      %swap3A_289 = arith.index_cast %swap3A_287 : i32 to index
      %swap3A_290 = arith.index_cast %swap3A_288 : i32 to index
      %swap3A_291 = arith.constant 48 : index
      %swap3A_292 = tpu.vector_load %arg11[%swap3A_289, %swap3A_290, %swap3A_291] {strides = array<i32>} : memref<8x1x256xf32, #tpu.memory_space<vmem>>, vector<16xf32>,
      tpu.vector_store %arg11[%swap3A_289, %swap3A_290, %swap3A_291], %gather3A_286 {strides = array<i32>} : memref<8x1x256xf32, #tpu.memory_space<vmem>>, vector<16xf32>,
      %add3A_293 = arith.constant 1 : i32
      %add3A_294 = vector.broadcast %add3A_293 : i32 to vector<16xi32>
      %add3A_295 = arith.addi %mul3A_282, %add3A_294 : vector<16xi32>
      %gather3A_296 = tpu.vector_load_idx %arg13[%add3A_295] : memref<1888xf32, #tpu.memory_space<vmem>>[vector<16xi32>], vector<16xf32>,
      %swap3A_297 = arith.constant 1 : i32
      %swap3A_298 = arith.constant 0 : i32
      %swap3A_299 = arith.index_cast %swap3A_297 : i32 to index
      %swap3A_300 = arith.index_cast %swap3A_298 : i32 to index
      %swap3A_301 = arith.constant 48 : index
      %swap3A_302 = tpu.vector_load %arg11[%swap3A_299, %swap3A_300, %swap3A_301] {strides = array<i32>} : memref<8x1x256xf32, #tpu.memory_space<vmem>>, vector<16xf32>,
      tpu.vector_store %arg11[%swap3A_299, %swap3A_300, %swap3A_301], %gather3A_296 {strides = array<i32>} : memref<8x1x256xf32, #tpu.memory_space<vmem>>, vector<16xf32>,
      %add3A_303 = arith.constant 2 : i32
      %add3A_304 = vector.broadcast %add3A_303 : i32 to vector<16xi32>
      %add3A_305 = arith.addi %mul3A_282, %add3A_304 : vector<16xi32>
      %gather3A_306 = tpu.vector_load_idx %arg13[%add3A_305] : memref<1888xf32, #tpu.memory_space<vmem>>[vector<16xi32>], vector<16xf32>,
      %swap3A_307 = arith.constant 2 : i32
      %swap3A_308 = arith.constant 0 : i32
      %swap3A_309 = arith.index_cast %swap3A_307 : i32 to index
      %swap3A_310 = arith.index_cast %swap3A_308 : i32 to index
      %swap3A_311 = arith.constant 48 : index
      %swap3A_312 = tpu.vector_load %arg11[%swap3A_309, %swap3A_310, %swap3A_311] {strides = array<i32>} : memref<8x1x256xf32, #tpu.memory_space<vmem>>, vector<16xf32>,
      tpu.vector_store %arg11[%swap3A_309, %swap3A_310, %swap3A_311], %gather3A_306 {strides = array<i32>} : memref<8x1x256xf32, #tpu.memory_space<vmem>>, vector<16xf32>,
      %add3A_313 = arith.constant 3 : i32
      %add3A_314 = vector.broadcast %add3A_313 : i32 to vector<16xi32>
      %add3A_315 = arith.addi %mul3A_282, %add3A_314 : vector<16xi32>
      %gather3A_316 = tpu.vector_load_idx %arg13[%add3A_315] : memref<1888xf32, #tpu.memory_space<vmem>>[vector<16xi32>], vector<16xf32>,
      %swap3A_317 = arith.constant 3 : i32
      %swap3A_318 = arith.constant 0 : i32
      %swap3A_319 = arith.index_cast %swap3A_317 : i32 to index
      %swap3A_320 = arith.index_cast %swap3A_318 : i32 to index
      %swap3A_321 = arith.constant 48 : index
      %swap3A_322 = tpu.vector_load %arg11[%swap3A_319, %swap3A_320, %swap3A_321] {strides = array<i32>} : memref<8x1x256xf32, #tpu.memory_space<vmem>>, vector<16xf32>,
      tpu.vector_store %arg11[%swap3A_319, %swap3A_320, %swap3A_321], %gather3A_316 {strides = array<i32>} : memref<8x1x256xf32, #tpu.memory_space<vmem>>, vector<16xf32>,
      %add3A_323 = arith.constant 4 : i32
      %add3A_324 = vector.broadcast %add3A_323 : i32 to vector<16xi32>
      %add3A_325 = arith.addi %mul3A_282, %add3A_324 : vector<16xi32>
      %gather3A_326 = tpu.vector_load_idx %arg13[%add3A_325] : memref<1888xf32, #tpu.memory_space<vmem>>[vector<16xi32>], vector<16xf32>,
      %swap3A_327 = arith.constant 4 : i32
      %swap3A_328 = arith.constant 0 : i32
      %swap3A_329 = arith.index_cast %swap3A_327 : i32 to index
      %swap3A_330 = arith.index_cast %swap3A_328 : i32 to index
      %swap3A_331 = arith.constant 48 : index
      %swap3A_332 = tpu.vector_load %arg11[%swap3A_329, %swap3A_330, %swap3A_331] {strides = array<i32>} : memref<8x1x256xf32, #tpu.memory_space<vmem>>, vector<16xf32>,
      tpu.vector_store %arg11[%swap3A_329, %swap3A_330, %swap3A_331], %gather3A_326 {strides = array<i32>} : memref<8x1x256xf32, #tpu.memory_space<vmem>>, vector<16xf32>,
      %add3A_333 = arith.constant 5 : i32
      %add3A_334 = vector.broadcast %add3A_333 : i32 to vector<16xi32>
      %add3A_335 = arith.addi %mul3A_282, %add3A_334 : vector<16xi32>
      %gather3A_336 = tpu.vector_load_idx %arg13[%add3A_335] : memref<1888xf32, #tpu.memory_space<vmem>>[vector<16xi32>], vector<16xf32>,
      %swap3A_337 = arith.constant 5 : i32
      %swap3A_338 = arith.constant 0 : i32
      %swap3A_339 = arith.index_cast %swap3A_337 : i32 to index
      %swap3A_340 = arith.index_cast %swap3A_338 : i32 to index
      %swap3A_341 = arith.constant 48 : index
      %swap3A_342 = tpu.vector_load %arg11[%swap3A_339, %swap3A_340, %swap3A_341] {strides = array<i32>} : memref<8x1x256xf32, #tpu.memory_space<vmem>>, vector<16xf32>,
      tpu.vector_store %arg11[%swap3A_339, %swap3A_340, %swap3A_341], %gather3A_336 {strides = array<i32>} : memref<8x1x256xf32, #tpu.memory_space<vmem>>, vector<16xf32>,
      %get3A_343 = arith.constant 0 : i32
      %get3A_344 = arith.index_cast %get3A_343 : i32 to index
      %get3A_345 = arith.constant 320 : index
      %get3A_346 = tpu.vector_load %arg7[%get3A_344, %get3A_345] {strides = array<i32>} : memref<1x512xi32, #tpu.memory_space<vmem>>, vector<16xi32>,
      %mul3A_347 = arith.constant 8 : i32
      %mul3A_348 = vector.broadcast %mul3A_347 : i32 to vector<16xi32>
      %mul3A_349 = arith.muli %get3A_346, %mul3A_348 : vector<16xi32>
      %add3A_350 = arith.constant 0 : i32
      %add3A_351 = vector.broadcast %add3A_350 : i32 to vector<16xi32>
      %add3A_352 = arith.addi %mul3A_349, %add3A_351 : vector<16xi32>
      %gather3A_353 = tpu.vector_load_idx %arg13[%add3A_352] : memref<1888xf32, #tpu.memory_space<vmem>>[vector<16xi32>], vector<16xf32>,
      %swap3A_354 = arith.constant 0 : i32
      %swap3A_355 = arith.constant 0 : i32
      %swap3A_356 = arith.index_cast %swap3A_354 : i32 to index
      %swap3A_357 = arith.index_cast %swap3A_355 : i32 to index
      %swap3A_358 = arith.constant 64 : index
      %swap3A_359 = tpu.vector_load %arg11[%swap3A_356, %swap3A_357, %swap3A_358] {strides = array<i32>} : memref<8x1x256xf32, #tpu.memory_space<vmem>>, vector<16xf32>,
      tpu.vector_store %arg11[%swap3A_356, %swap3A_357, %swap3A_358], %gather3A_353 {strides = array<i32>} : memref<8x1x256xf32, #tpu.memory_space<vmem>>, vector<16xf32>,
      %add3A_360 = arith.constant 1 : i32
      %add3A_361 = vector.broadcast %add3A_360 : i32 to vector<16xi32>
      %add3A_362 = arith.addi %mul3A_349, %add3A_361 : vector<16xi32>
      %gather3A_363 = tpu.vector_load_idx %arg13[%add3A_362] : memref<1888xf32, #tpu.memory_space<vmem>>[vector<16xi32>], vector<16xf32>,
      %swap3A_364 = arith.constant 1 : i32
      %swap3A_365 = arith.constant 0 : i32
      %swap3A_366 = arith.index_cast %swap3A_364 : i32 to index
      %swap3A_367 = arith.index_cast %swap3A_365 : i32 to index
      %swap3A_368 = arith.constant 64 : index
      %swap3A_369 = tpu.vector_load %arg11[%swap3A_366, %swap3A_367, %swap3A_368] {strides = array<i32>} : memref<8x1x256xf32, #tpu.memory_space<vmem>>, vector<16xf32>,
      tpu.vector_store %arg11[%swap3A_366, %swap3A_367, %swap3A_368], %gather3A_363 {strides = array<i32>} : memref<8x1x256xf32, #tpu.memory_space<vmem>>, vector<16xf32>,
      %add3A_370 = arith.constant 2 : i32
      %add3A_371 = vector.broadcast %add3A_370 : i32 to vector<16xi32>
      %add3A_372 = arith.addi %mul3A_349, %add3A_371 : vector<16xi32>
      %gather3A_373 = tpu.vector_load_idx %arg13[%add3A_372] : memref<1888xf32, #tpu.memory_space<vmem>>[vector<16xi32>], vector<16xf32>,
      %swap3A_374 = arith.constant 2 : i32
      %swap3A_375 = arith.constant 0 : i32
      %swap3A_376 = arith.index_cast %swap3A_374 : i32 to index
      %swap3A_377 = arith.index_cast %swap3A_375 : i32 to index
      %swap3A_378 = arith.constant 64 : index
      %swap3A_379 = tpu.vector_load %arg11[%swap3A_376, %swap3A_377, %swap3A_378] {strides = array<i32>} : memref<8x1x256xf32, #tpu.memory_space<vmem>>, vector<16xf32>,
      tpu.vector_store %arg11[%swap3A_376, %swap3A_377, %swap3A_378], %gather3A_373 {strides = array<i32>} : memref<8x1x256xf32, #tpu.memory_space<vmem>>, vector<16xf32>,
      %add3A_380 = arith.constant 3 : i32
      %add3A_381 = vector.broadcast %add3A_380 : i32 to vector<16xi32>
      %add3A_382 = arith.addi %mul3A_349, %add3A_381 : vector<16xi32>
      %gather3A_383 = tpu.vector_load_idx %arg13[%add3A_382] : memref<1888xf32, #tpu.memory_space<vmem>>[vector<16xi32>], vector<16xf32>,
      %swap3A_384 = arith.constant 3 : i32
      %swap3A_385 = arith.constant 0 : i32
      %swap3A_386 = arith.index_cast %swap3A_384 : i32 to index
      %swap3A_387 = arith.index_cast %swap3A_385 : i32 to index
      %swap3A_388 = arith.constant 64 : index
      %swap3A_389 = tpu.vector_load %arg11[%swap3A_386, %swap3A_387, %swap3A_388] {strides = array<i32>} : memref<8x1x256xf32, #tpu.memory_space<vmem>>, vector<16xf32>,
      tpu.vector_store %arg11[%swap3A_386, %swap3A_387, %swap3A_388], %gather3A_383 {strides = array<i32>} : memref<8x1x256xf32, #tpu.memory_space<vmem>>, vector<16xf32>,
      %add3A_390 = arith.constant 4 : i32
      %add3A_391 = vector.broadcast %add3A_390 : i32 to vector<16xi32>
      %add3A_392 = arith.addi %mul3A_349, %add3A_391 : vector<16xi32>
      %gather3A_393 = tpu.vector_load_idx %arg13[%add3A_392] : memref<1888xf32, #tpu.memory_space<vmem>>[vector<16xi32>], vector<16xf32>,
      %swap3A_394 = arith.constant 4 : i32
      %swap3A_395 = arith.constant 0 : i32
      %swap3A_396 = arith.index_cast %swap3A_394 : i32 to index
      %swap3A_397 = arith.index_cast %swap3A_395 : i32 to index
      %swap3A_398 = arith.constant 64 : index
      %swap3A_399 = tpu.vector_load %arg11[%swap3A_396, %swap3A_397, %swap3A_398] {strides = array<i32>} : memref<8x1x256xf32, #tpu.memory_space<vmem>>, vector<16xf32>,
      tpu.vector_store %arg11[%swap3A_396, %swap3A_397, %swap3A_398], %gather3A_393 {strides = array<i32>} : memref<8x1x256xf32, #tpu.memory_space<vmem>>, vector<16xf32>,
      %add3A_400 = arith.constant 5 : i32
      %add3A_401 = vector.broadcast %add3A_400 : i32 to vector<16xi32>
      %add3A_402 = arith.addi %mul3A_349, %add3A_401 : vector<16xi32>
      %gather3A_403 = tpu.vector_load_idx %arg13[%add3A_402] : memref<1888xf32, #tpu.memory_space<vmem>>[vector<16xi32>], vector<16xf32>,
      %swap3A_404 = arith.constant 5 : i32
      %swap3A_405 = arith.constant 0 : i32
      %swap3A_406 = arith.index_cast %swap3A_404 : i32 to index
      %swap3A_407 = arith.index_cast %swap3A_405 : i32 to index
      %swap3A_408 = arith.constant 64 : index
      %swap3A_409 = tpu.vector_load %arg11[%swap3A_406, %swap3A_407, %swap3A_408] {strides = array<i32>} : memref<8x1x256xf32, #tpu.memory_space<vmem>>, vector<16xf32>,
      tpu.vector_store %arg11[%swap3A_406, %swap3A_407, %swap3A_408], %gather3A_403 {strides = array<i32>} : memref<8x1x256xf32, #tpu.memory_space<vmem>>, vector<16xf32>,
      %get3A_410 = arith.constant 0 : i32
      %get3A_411 = arith.index_cast %get3A_410 : i32 to index
      %get3A_412 = arith.constant 336 : index
      %get3A_413 = tpu.vector_load %arg7[%get3A_411, %get3A_412] {strides = array<i32>} : memref<1x512xi32, #tpu.memory_space<vmem>>, vector<16xi32>,
      %mul3A_414 = arith.constant 8 : i32
      %mul3A_415 = vector.broadcast %mul3A_414 : i32 to vector<16xi32>
      %mul3A_416 = arith.muli %get3A_413, %mul3A_415 : vector<16xi32>
      %add3A_417 = arith.constant 0 : i32
      %add3A_418 = vector.broadcast %add3A_417 : i32 to vector<16xi32>
      %add3A_419 = arith.addi %mul3A_416, %add3A_418 : vector<16xi32>
      %gather3A_420 = tpu.vector_load_idx %arg13[%add3A_419] : memref<1888xf32, #tpu.memory_space<vmem>>[vector<16xi32>], vector<16xf32>,
      %swap3A_421 = arith.constant 0 : i32
      %swap3A_422 = arith.constant 0 : i32
      %swap3A_423 = arith.index_cast %swap3A_421 : i32 to index
      %swap3A_424 = arith.index_cast %swap3A_422 : i32 to index
      %swap3A_425 = arith.constant 80 : index
      %swap3A_426 = tpu.vector_load %arg11[%swap3A_423, %swap3A_424, %swap3A_425] {strides = array<i32>} : memref<8x1x256xf32, #tpu.memory_space<vmem>>, vector<16xf32>,
      tpu.vector_store %arg11[%swap3A_423, %swap3A_424, %swap3A_425], %gather3A_420 {strides = array<i32>} : memref<8x1x256xf32, #tpu.memory_space<vmem>>, vector<16xf32>,
      %add3A_427 = arith.constant 1 : i32
      %add3A_428 = vector.broadcast %add3A_427 : i32 to vector<16xi32>
      %add3A_429 = arith.addi %mul3A_416, %add3A_428 : vector<16xi32>
      %gather3A_430 = tpu.vector_load_idx %arg13[%add3A_429] : memref<1888xf32, #tpu.memory_space<vmem>>[vector<16xi32>], vector<16xf32>,
      %swap3A_431 = arith.constant 1 : i32
      %swap3A_432 = arith.constant 0 : i32
      %swap3A_433 = arith.index_cast %swap3A_431 : i32 to index
      %swap3A_434 = arith.index_cast %swap3A_432 : i32 to index
      %swap3A_435 = arith.constant 80 : index
      %swap3A_436 = tpu.vector_load %arg11[%swap3A_433, %swap3A_434, %swap3A_435] {strides = array<i32>} : memref<8x1x256xf32, #tpu.memory_space<vmem>>, vector<16xf32>,
      tpu.vector_store %arg11[%swap3A_433, %swap3A_434, %swap3A_435], %gather3A_430 {strides = array<i32>} : memref<8x1x256xf32, #tpu.memory_space<vmem>>, vector<16xf32>,
      %add3A_437 = arith.constant 2 : i32
      %add3A_438 = vector.broadcast %add3A_437 : i32 to vector<16xi32>
      %add3A_439 = arith.addi %mul3A_416, %add3A_438 : vector<16xi32>
      %gather3A_440 = tpu.vector_load_idx %arg13[%add3A_439] : memref<1888xf32, #tpu.memory_space<vmem>>[vector<16xi32>], vector<16xf32>,
      %swap3A_441 = arith.constant 2 : i32
      %swap3A_442 = arith.constant 0 : i32
      %swap3A_443 = arith.index_cast %swap3A_441 : i32 to index
      %swap3A_444 = arith.index_cast %swap3A_442 : i32 to index
      %swap3A_445 = arith.constant 80 : index
      %swap3A_446 = tpu.vector_load %arg11[%swap3A_443, %swap3A_444, %swap3A_445] {strides = array<i32>} : memref<8x1x256xf32, #tpu.memory_space<vmem>>, vector<16xf32>,
      tpu.vector_store %arg11[%swap3A_443, %swap3A_444, %swap3A_445], %gather3A_440 {strides = array<i32>} : memref<8x1x256xf32, #tpu.memory_space<vmem>>, vector<16xf32>,
      %add3A_447 = arith.constant 3 : i32
      %add3A_448 = vector.broadcast %add3A_447 : i32 to vector<16xi32>
      %add3A_449 = arith.addi %mul3A_416, %add3A_448 : vector<16xi32>
      %gather3A_450 = tpu.vector_load_idx %arg13[%add3A_449] : memref<1888xf32, #tpu.memory_space<vmem>>[vector<16xi32>], vector<16xf32>,
      %swap3A_451 = arith.constant 3 : i32
      %swap3A_452 = arith.constant 0 : i32
      %swap3A_453 = arith.index_cast %swap3A_451 : i32 to index
      %swap3A_454 = arith.index_cast %swap3A_452 : i32 to index
      %swap3A_455 = arith.constant 80 : index
      %swap3A_456 = tpu.vector_load %arg11[%swap3A_453, %swap3A_454, %swap3A_455] {strides = array<i32>} : memref<8x1x256xf32, #tpu.memory_space<vmem>>, vector<16xf32>,
      tpu.vector_store %arg11[%swap3A_453, %swap3A_454, %swap3A_455], %gather3A_450 {strides = array<i32>} : memref<8x1x256xf32, #tpu.memory_space<vmem>>, vector<16xf32>,
      %add3A_457 = arith.constant 4 : i32
      %add3A_458 = vector.broadcast %add3A_457 : i32 to vector<16xi32>
      %add3A_459 = arith.addi %mul3A_416, %add3A_458 : vector<16xi32>
      %gather3A_460 = tpu.vector_load_idx %arg13[%add3A_459] : memref<1888xf32, #tpu.memory_space<vmem>>[vector<16xi32>], vector<16xf32>,
      %swap3A_461 = arith.constant 4 : i32
      %swap3A_462 = arith.constant 0 : i32
      %swap3A_463 = arith.index_cast %swap3A_461 : i32 to index
      %swap3A_464 = arith.index_cast %swap3A_462 : i32 to index
      %swap3A_465 = arith.constant 80 : index
      %swap3A_466 = tpu.vector_load %arg11[%swap3A_463, %swap3A_464, %swap3A_465] {strides = array<i32>} : memref<8x1x256xf32, #tpu.memory_space<vmem>>, vector<16xf32>,
      tpu.vector_store %arg11[%swap3A_463, %swap3A_464, %swap3A_465], %gather3A_460 {strides = array<i32>} : memref<8x1x256xf32, #tpu.memory_space<vmem>>, vector<16xf32>,
      %add3A_467 = arith.constant 5 : i32
      %add3A_468 = vector.broadcast %add3A_467 : i32 to vector<16xi32>
      %add3A_469 = arith.addi %mul3A_416, %add3A_468 : vector<16xi32>
      %gather3A_470 = tpu.vector_load_idx %arg13[%add3A_469] : memref<1888xf32, #tpu.memory_space<vmem>>[vector<16xi32>], vector<16xf32>,
      %swap3A_471 = arith.constant 5 : i32
      %swap3A_472 = arith.constant 0 : i32
      %swap3A_473 = arith.index_cast %swap3A_471 : i32 to index
      %swap3A_474 = arith.index_cast %swap3A_472 : i32 to index
      %swap3A_475 = arith.constant 80 : index
      %swap3A_476 = tpu.vector_load %arg11[%swap3A_473, %swap3A_474, %swap3A_475] {strides = array<i32>} : memref<8x1x256xf32, #tpu.memory_space<vmem>>, vector<16xf32>,
      tpu.vector_store %arg11[%swap3A_473, %swap3A_474, %swap3A_475], %gather3A_470 {strides = array<i32>} : memref<8x1x256xf32, #tpu.memory_space<vmem>>, vector<16xf32>,
      %get3A_477 = arith.constant 0 : i32
      %get3A_478 = arith.index_cast %get3A_477 : i32 to index
      %get3A_479 = arith.constant 352 : index
      %get3A_480 = tpu.vector_load %arg7[%get3A_478, %get3A_479] {strides = array<i32>} : memref<1x512xi32, #tpu.memory_space<vmem>>, vector<16xi32>,
      %mul3A_481 = arith.constant 8 : i32
      %mul3A_482 = vector.broadcast %mul3A_481 : i32 to vector<16xi32>
      %mul3A_483 = arith.muli %get3A_480, %mul3A_482 : vector<16xi32>
      %add3A_484 = arith.constant 0 : i32
      %add3A_485 = vector.broadcast %add3A_484 : i32 to vector<16xi32>
      %add3A_486 = arith.addi %mul3A_483, %add3A_485 : vector<16xi32>
      %gather3A_487 = tpu.vector_load_idx %arg13[%add3A_486] : memref<1888xf32, #tpu.memory_space<vmem>>[vector<16xi32>], vector<16xf32>,
      %swap3A_488 = arith.constant 0 : i32
      %swap3A_489 = arith.constant 0 : i32
      %swap3A_490 = arith.index_cast %swap3A_488 : i32 to index
      %swap3A_491 = arith.index_cast %swap3A_489 : i32 to index
      %swap3A_492 = arith.constant 96 : index
      %swap3A_493 = tpu.vector_load %arg11[%swap3A_490, %swap3A_491, %swap3A_492] {strides = array<i32>} : memref<8x1x256xf32, #tpu.memory_space<vmem>>, vector<16xf32>,
      tpu.vector_store %arg11[%swap3A_490, %swap3A_491, %swap3A_492], %gather3A_487 {strides = array<i32>} : memref<8x1x256xf32, #tpu.memory_space<vmem>>, vector<16xf32>,
      %add3A_494 = arith.constant 1 : i32
      %add3A_495 = vector.broadcast %add3A_494 : i32 to vector<16xi32>
      %add3A_496 = arith.addi %mul3A_483, %add3A_495 : vector<16xi32>
      %gather3A_497 = tpu.vector_load_idx %arg13[%add3A_496] : memref<1888xf32, #tpu.memory_space<vmem>>[vector<16xi32>], vector<16xf32>,
      %swap3A_498 = arith.constant 1 : i32
      %swap3A_499 = arith.constant 0 : i32
      %swap3A_500 = arith.index_cast %swap3A_498 : i32 to index
      %swap3A_501 = arith.index_cast %swap3A_499 : i32 to index
      %swap3A_502 = arith.constant 96 : index
      %swap3A_503 = tpu.vector_load %arg11[%swap3A_500, %swap3A_501, %swap3A_502] {strides = array<i32>} : memref<8x1x256xf32, #tpu.memory_space<vmem>>, vector<16xf32>,
      tpu.vector_store %arg11[%swap3A_500, %swap3A_501, %swap3A_502], %gather3A_497 {strides = array<i32>} : memref<8x1x256xf32, #tpu.memory_space<vmem>>, vector<16xf32>,
      %add3A_504 = arith.constant 2 : i32
      %add3A_505 = vector.broadcast %add3A_504 : i32 to vector<16xi32>
      %add3A_506 = arith.addi %mul3A_483, %add3A_505 : vector<16xi32>
      %gather3A_507 = tpu.vector_load_idx %arg13[%add3A_506] : memref<1888xf32, #tpu.memory_space<vmem>>[vector<16xi32>], vector<16xf32>,
      %swap3A_508 = arith.constant 2 : i32
      %swap3A_509 = arith.constant 0 : i32
      %swap3A_510 = arith.index_cast %swap3A_508 : i32 to index
      %swap3A_511 = arith.index_cast %swap3A_509 : i32 to index
      %swap3A_512 = arith.constant 96 : index
      %swap3A_513 = tpu.vector_load %arg11[%swap3A_510, %swap3A_511, %swap3A_512] {strides = array<i32>} : memref<8x1x256xf32, #tpu.memory_space<vmem>>, vector<16xf32>,
      tpu.vector_store %arg11[%swap3A_510, %swap3A_511, %swap3A_512], %gather3A_507 {strides = array<i32>} : memref<8x1x256xf32, #tpu.memory_space<vmem>>, vector<16xf32>,
      %add3A_514 = arith.constant 3 : i32
      %add3A_515 = vector.broadcast %add3A_514 : i32 to vector<16xi32>
      %add3A_516 = arith.addi %mul3A_483, %add3A_515 : vector<16xi32>
      %gather3A_517 = tpu.vector_load_idx %arg13[%add3A_516] : memref<1888xf32, #tpu.memory_space<vmem>>[vector<16xi32>], vector<16xf32>,
      %swap3A_518 = arith.constant 3 : i32
      %swap3A_519 = arith.constant 0 : i32
      %swap3A_520 = arith.index_cast %swap3A_518 : i32 to index
      %swap3A_521 = arith.index_cast %swap3A_519 : i32 to index
      %swap3A_522 = arith.constant 96 : index
      %swap3A_523 = tpu.vector_load %arg11[%swap3A_520, %swap3A_521, %swap3A_522] {strides = array<i32>} : memref<8x1x256xf32, #tpu.memory_space<vmem>>, vector<16xf32>,
      tpu.vector_store %arg11[%swap3A_520, %swap3A_521, %swap3A_522], %gather3A_517 {strides = array<i32>} : memref<8x1x256xf32, #tpu.memory_space<vmem>>, vector<16xf32>,
      %add3A_524 = arith.constant 4 : i32
      %add3A_525 = vector.broadcast %add3A_524 : i32 to vector<16xi32>
      %add3A_526 = arith.addi %mul3A_483, %add3A_525 : vector<16xi32>
      %gather3A_527 = tpu.vector_load_idx %arg13[%add3A_526] : memref<1888xf32, #tpu.memory_space<vmem>>[vector<16xi32>], vector<16xf32>,
      %swap3A_528 = arith.constant 4 : i32
      %swap3A_529 = arith.constant 0 : i32
      %swap3A_530 = arith.index_cast %swap3A_528 : i32 to index
      %swap3A_531 = arith.index_cast %swap3A_529 : i32 to index
      %swap3A_532 = arith.constant 96 : index
      %swap3A_533 = tpu.vector_load %arg11[%swap3A_530, %swap3A_531, %swap3A_532] {strides = array<i32>} : memref<8x1x256xf32, #tpu.memory_space<vmem>>, vector<16xf32>,
      tpu.vector_store %arg11[%swap3A_530, %swap3A_531, %swap3A_532], %gather3A_527 {strides = array<i32>} : memref<8x1x256xf32, #tpu.memory_space<vmem>>, vector<16xf32>,
      %add3A_534 = arith.constant 5 : i32
      %add3A_535 = vector.broadcast %add3A_534 : i32 to vector<16xi32>
      %add3A_536 = arith.addi %mul3A_483, %add3A_535 : vector<16xi32>
      %gather3A_537 = tpu.vector_load_idx %arg13[%add3A_536] : memref<1888xf32, #tpu.memory_space<vmem>>[vector<16xi32>], vector<16xf32>,
      %swap3A_538 = arith.constant 5 : i32
      %swap3A_539 = arith.constant 0 : i32
      %swap3A_540 = arith.index_cast %swap3A_538 : i32 to index
      %swap3A_541 = arith.index_cast %swap3A_539 : i32 to index
      %swap3A_542 = arith.constant 96 : index
      %swap3A_543 = tpu.vector_load %arg11[%swap3A_540, %swap3A_541, %swap3A_542] {strides = array<i32>} : memref<8x1x256xf32, #tpu.memory_space<vmem>>, vector<16xf32>,
      tpu.vector_store %arg11[%swap3A_540, %swap3A_541, %swap3A_542], %gather3A_537 {strides = array<i32>} : memref<8x1x256xf32, #tpu.memory_space<vmem>>, vector<16xf32>,
      %get3A_544 = arith.constant 0 : i32
      %get3A_545 = arith.index_cast %get3A_544 : i32 to index
      %get3A_546 = arith.constant 368 : index
      %get3A_547 = tpu.vector_load %arg7[%get3A_545, %get3A_546] {strides = array<i32>} : memref<1x512xi32, #tpu.memory_space<vmem>>, vector<16xi32>,
      %mul3A_548 = arith.constant 8 : i32
      %mul3A_549 = vector.broadcast %mul3A_548 : i32 to vector<16xi32>
      %mul3A_550 = arith.muli %get3A_547, %mul3A_549 : vector<16xi32>
      %add3A_551 = arith.constant 0 : i32
      %add3A_552 = vector.broadcast %add3A_551 : i32 to vector<16xi32>
      %add3A_553 = arith.addi %mul3A_550, %add3A_552 : vector<16xi32>
      %gather3A_554 = tpu.vector_load_idx %arg13[%add3A_553] : memref<1888xf32, #tpu.memory_space<vmem>>[vector<16xi32>], vector<16xf32>,
      %swap3A_555 = arith.constant 0 : i32
      %swap3A_556 = arith.constant 0 : i32
      %swap3A_557 = arith.index_cast %swap3A_555 : i32 to index
      %swap3A_558 = arith.index_cast %swap3A_556 : i32 to index
      %swap3A_559 = arith.constant 112 : index
      %swap3A_560 = tpu.vector_load %arg11[%swap3A_557, %swap3A_558, %swap3A_559] {strides = array<i32>} : memref<8x1x256xf32, #tpu.memory_space<vmem>>, vector<16xf32>,
      tpu.vector_store %arg11[%swap3A_557, %swap3A_558, %swap3A_559], %gather3A_554 {strides = array<i32>} : memref<8x1x256xf32, #tpu.memory_space<vmem>>, vector<16xf32>,
      %add3A_561 = arith.constant 1 : i32
      %add3A_562 = vector.broadcast %add3A_561 : i32 to vector<16xi32>
      %add3A_563 = arith.addi %mul3A_550, %add3A_562 : vector<16xi32>
      %gather3A_564 = tpu.vector_load_idx %arg13[%add3A_563] : memref<1888xf32, #tpu.memory_space<vmem>>[vector<16xi32>], vector<16xf32>,
      %swap3A_565 = arith.constant 1 : i32
      %swap3A_566 = arith.constant 0 : i32
      %swap3A_567 = arith.index_cast %swap3A_565 : i32 to index
      %swap3A_568 = arith.index_cast %swap3A_566 : i32 to index
      %swap3A_569 = arith.constant 112 : index
      %swap3A_570 = tpu.vector_load %arg11[%swap3A_567, %swap3A_568, %swap3A_569] {strides = array<i32>} : memref<8x1x256xf32, #tpu.memory_space<vmem>>, vector<16xf32>,
      tpu.vector_store %arg11[%swap3A_567, %swap3A_568, %swap3A_569], %gather3A_564 {strides = array<i32>} : memref<8x1x256xf32, #tpu.memory_space<vmem>>, vector<16xf32>,
      %add3A_571 = arith.constant 2 : i32
      %add3A_572 = vector.broadcast %add3A_571 : i32 to vector<16xi32>
      %add3A_573 = arith.addi %mul3A_550, %add3A_572 : vector<16xi32>
      %gather3A_574 = tpu.vector_load_idx %arg13[%add3A_573] : memref<1888xf32, #tpu.memory_space<vmem>>[vector<16xi32>], vector<16xf32>,
      %swap3A_575 = arith.constant 2 : i32
      %swap3A_576 = arith.constant 0 : i32
      %swap3A_577 = arith.index_cast %swap3A_575 : i32 to index
      %swap3A_578 = arith.index_cast %swap3A_576 : i32 to index
      %swap3A_579 = arith.constant 112 : index
      %swap3A_580 = tpu.vector_load %arg11[%swap3A_577, %swap3A_578, %swap3A_579] {strides = array<i32>} : memref<8x1x256xf32, #tpu.memory_space<vmem>>, vector<16xf32>,
      tpu.vector_store %arg11[%swap3A_577, %swap3A_578, %swap3A_579], %gather3A_574 {strides = array<i32>} : memref<8x1x256xf32, #tpu.memory_space<vmem>>, vector<16xf32>,
      %add3A_581 = arith.constant 3 : i32
      %add3A_582 = vector.broadcast %add3A_581 : i32 to vector<16xi32>
      %add3A_583 = arith.addi %mul3A_550, %add3A_582 : vector<16xi32>
      %gather3A_584 = tpu.vector_load_idx %arg13[%add3A_583] : memref<1888xf32, #tpu.memory_space<vmem>>[vector<16xi32>], vector<16xf32>,
      %swap3A_585 = arith.constant 3 : i32
      %swap3A_586 = arith.constant 0 : i32
      %swap3A_587 = arith.index_cast %swap3A_585 : i32 to index
      %swap3A_588 = arith.index_cast %swap3A_586 : i32 to index
      %swap3A_589 = arith.constant 112 : index
      %swap3A_590 = tpu.vector_load %arg11[%swap3A_587, %swap3A_588, %swap3A_589] {strides = array<i32>} : memref<8x1x256xf32, #tpu.memory_space<vmem>>, vector<16xf32>,
      tpu.vector_store %arg11[%swap3A_587, %swap3A_588, %swap3A_589], %gather3A_584 {strides = array<i32>} : memref<8x1x256xf32, #tpu.memory_space<vmem>>, vector<16xf32>,
      %add3A_591 = arith.constant 4 : i32
      %add3A_592 = vector.broadcast %add3A_591 : i32 to vector<16xi32>
      %add3A_593 = arith.addi %mul3A_550, %add3A_592 : vector<16xi32>
      %gather3A_594 = tpu.vector_load_idx %arg13[%add3A_593] : memref<1888xf32, #tpu.memory_space<vmem>>[vector<16xi32>], vector<16xf32>,
      %swap3A_595 = arith.constant 4 : i32
      %swap3A_596 = arith.constant 0 : i32
      %swap3A_597 = arith.index_cast %swap3A_595 : i32 to index
      %swap3A_598 = arith.index_cast %swap3A_596 : i32 to index
      %swap3A_599 = arith.constant 112 : index
      %swap3A_600 = tpu.vector_load %arg11[%swap3A_597, %swap3A_598, %swap3A_599] {strides = array<i32>} : memref<8x1x256xf32, #tpu.memory_space<vmem>>, vector<16xf32>,
      tpu.vector_store %arg11[%swap3A_597, %swap3A_598, %swap3A_599], %gather3A_594 {strides = array<i32>} : memref<8x1x256xf32, #tpu.memory_space<vmem>>, vector<16xf32>,
      %add3A_601 = arith.constant 5 : i32
      %add3A_602 = vector.broadcast %add3A_601 : i32 to vector<16xi32>
      %add3A_603 = arith.addi %mul3A_550, %add3A_602 : vector<16xi32>
      %gather3A_604 = tpu.vector_load_idx %arg13[%add3A_603] : memref<1888xf32, #tpu.memory_space<vmem>>[vector<16xi32>], vector<16xf32>,
      %swap3A_605 = arith.constant 5 : i32
      %swap3A_606 = arith.constant 0 : i32
      %swap3A_607 = arith.index_cast %swap3A_605 : i32 to index
      %swap3A_608 = arith.index_cast %swap3A_606 : i32 to index
      %swap3A_609 = arith.constant 112 : index
      %swap3A_610 = tpu.vector_load %arg11[%swap3A_607, %swap3A_608, %swap3A_609] {strides = array<i32>} : memref<8x1x256xf32, #tpu.memory_space<vmem>>, vector<16xf32>,
      tpu.vector_store %arg11[%swap3A_607, %swap3A_608, %swap3A_609], %gather3A_604 {strides = array<i32>} : memref<8x1x256xf32, #tpu.memory_space<vmem>>, vector<16xf32>,
      %get3A_611 = arith.constant 0 : i32
      %get3A_612 = arith.index_cast %get3A_611 : i32 to index
      %get3A_613 = arith.constant 384 : index
      %get3A_614 = tpu.vector_load %arg7[%get3A_612, %get3A_613] {strides = array<i32>} : memref<1x512xi32, #tpu.memory_space<vmem>>, vector<16xi32>,
      %mul3A_615 = arith.constant 8 : i32
      %mul3A_616 = vector.broadcast %mul3A_615 : i32 to vector<16xi32>
      %mul3A_617 = arith.muli %get3A_614, %mul3A_616 : vector<16xi32>
      %add3A_618 = arith.constant 0 : i32
      %add3A_619 = vector.broadcast %add3A_618 : i32 to vector<16xi32>
      %add3A_620 = arith.addi %mul3A_617, %add3A_619 : vector<16xi32>
      %gather3A_621 = tpu.vector_load_idx %arg13[%add3A_620] : memref<1888xf32, #tpu.memory_space<vmem>>[vector<16xi32>], vector<16xf32>,
      %swap3A_622 = arith.constant 0 : i32
      %swap3A_623 = arith.constant 0 : i32
      %swap3A_624 = arith.index_cast %swap3A_622 : i32 to index
      %swap3A_625 = arith.index_cast %swap3A_623 : i32 to index
      %swap3A_626 = arith.constant 128 : index
      %swap3A_627 = tpu.vector_load %arg11[%swap3A_624, %swap3A_625, %swap3A_626] {strides = array<i32>} : memref<8x1x256xf32, #tpu.memory_space<vmem>>, vector<16xf32>,
      tpu.vector_store %arg11[%swap3A_624, %swap3A_625, %swap3A_626], %gather3A_621 {strides = array<i32>} : memref<8x1x256xf32, #tpu.memory_space<vmem>>, vector<16xf32>,
      %add3A_628 = arith.constant 1 : i32
      %add3A_629 = vector.broadcast %add3A_628 : i32 to vector<16xi32>
      %add3A_630 = arith.addi %mul3A_617, %add3A_629 : vector<16xi32>
      %gather3A_631 = tpu.vector_load_idx %arg13[%add3A_630] : memref<1888xf32, #tpu.memory_space<vmem>>[vector<16xi32>], vector<16xf32>,
      %swap3A_632 = arith.constant 1 : i32
      %swap3A_633 = arith.constant 0 : i32
      %swap3A_634 = arith.index_cast %swap3A_632 : i32 to index
      %swap3A_635 = arith.index_cast %swap3A_633 : i32 to index
      %swap3A_636 = arith.constant 128 : index
      %swap3A_637 = tpu.vector_load %arg11[%swap3A_634, %swap3A_635, %swap3A_636] {strides = array<i32>} : memref<8x1x256xf32, #tpu.memory_space<vmem>>, vector<16xf32>,
      tpu.vector_store %arg11[%swap3A_634, %swap3A_635, %swap3A_636], %gather3A_631 {strides = array<i32>} : memref<8x1x256xf32, #tpu.memory_space<vmem>>, vector<16xf32>,
      %add3A_638 = arith.constant 2 : i32
      %add3A_639 = vector.broadcast %add3A_638 : i32 to vector<16xi32>
      %add3A_640 = arith.addi %mul3A_617, %add3A_639 : vector<16xi32>
      %gather3A_641 = tpu.vector_load_idx %arg13[%add3A_640] : memref<1888xf32, #tpu.memory_space<vmem>>[vector<16xi32>], vector<16xf32>,
      %swap3A_642 = arith.constant 2 : i32
      %swap3A_643 = arith.constant 0 : i32
      %swap3A_644 = arith.index_cast %swap3A_642 : i32 to index
      %swap3A_645 = arith.index_cast %swap3A_643 : i32 to index
      %swap3A_646 = arith.constant 128 : index
      %swap3A_647 = tpu.vector_load %arg11[%swap3A_644, %swap3A_645, %swap3A_646] {strides = array<i32>} : memref<8x1x256xf32, #tpu.memory_space<vmem>>, vector<16xf32>,
      tpu.vector_store %arg11[%swap3A_644, %swap3A_645, %swap3A_646], %gather3A_641 {strides = array<i32>} : memref<8x1x256xf32, #tpu.memory_space<vmem>>, vector<16xf32>,
      %add3A_648 = arith.constant 3 : i32
      %add3A_649 = vector.broadcast %add3A_648 : i32 to vector<16xi32>
      %add3A_650 = arith.addi %mul3A_617, %add3A_649 : vector<16xi32>
      %gather3A_651 = tpu.vector_load_idx %arg13[%add3A_650] : memref<1888xf32, #tpu.memory_space<vmem>>[vector<16xi32>], vector<16xf32>,
      %swap3A_652 = arith.constant 3 : i32
      %swap3A_653 = arith.constant 0 : i32
      %swap3A_654 = arith.index_cast %swap3A_652 : i32 to index
      %swap3A_655 = arith.index_cast %swap3A_653 : i32 to index
      %swap3A_656 = arith.constant 128 : index
      %swap3A_657 = tpu.vector_load %arg11[%swap3A_654, %swap3A_655, %swap3A_656] {strides = array<i32>} : memref<8x1x256xf32, #tpu.memory_space<vmem>>, vector<16xf32>,
      tpu.vector_store %arg11[%swap3A_654, %swap3A_655, %swap3A_656], %gather3A_651 {strides = array<i32>} : memref<8x1x256xf32, #tpu.memory_space<vmem>>, vector<16xf32>,
      %add3A_658 = arith.constant 4 : i32
      %add3A_659 = vector.broadcast %add3A_658 : i32 to vector<16xi32>
      %add3A_660 = arith.addi %mul3A_617, %add3A_659 : vector<16xi32>
      %gather3A_661 = tpu.vector_load_idx %arg13[%add3A_660] : memref<1888xf32, #tpu.memory_space<vmem>>[vector<16xi32>], vector<16xf32>,
      %swap3A_662 = arith.constant 4 : i32
      %swap3A_663 = arith.constant 0 : i32
      %swap3A_664 = arith.index_cast %swap3A_662 : i32 to index
      %swap3A_665 = arith.index_cast %swap3A_663 : i32 to index
      %swap3A_666 = arith.constant 128 : index
      %swap3A_667 = tpu.vector_load %arg11[%swap3A_664, %swap3A_665, %swap3A_666] {strides = array<i32>} : memref<8x1x256xf32, #tpu.memory_space<vmem>>, vector<16xf32>,
      tpu.vector_store %arg11[%swap3A_664, %swap3A_665, %swap3A_666], %gather3A_661 {strides = array<i32>} : memref<8x1x256xf32, #tpu.memory_space<vmem>>, vector<16xf32>,
      %add3A_668 = arith.constant 5 : i32
      %add3A_669 = vector.broadcast %add3A_668 : i32 to vector<16xi32>
      %add3A_670 = arith.addi %mul3A_617, %add3A_669 : vector<16xi32>
      %gather3A_671 = tpu.vector_load_idx %arg13[%add3A_670] : memref<1888xf32, #tpu.memory_space<vmem>>[vector<16xi32>], vector<16xf32>,
      %swap3A_672 = arith.constant 5 : i32
      %swap3A_673 = arith.constant 0 : i32
      %swap3A_674 = arith.index_cast %swap3A_672 : i32 to index
      %swap3A_675 = arith.index_cast %swap3A_673 : i32 to index
      %swap3A_676 = arith.constant 128 : index
      %swap3A_677 = tpu.vector_load %arg11[%swap3A_674, %swap3A_675, %swap3A_676] {strides = array<i32>} : memref<8x1x256xf32, #tpu.memory_space<vmem>>, vector<16xf32>,
      tpu.vector_store %arg11[%swap3A_674, %swap3A_675, %swap3A_676], %gather3A_671 {strides = array<i32>} : memref<8x1x256xf32, #tpu.memory_space<vmem>>, vector<16xf32>,
      %get3A_678 = arith.constant 0 : i32
      %get3A_679 = arith.index_cast %get3A_678 : i32 to index
      %get3A_680 = arith.constant 400 : index
      %get3A_681 = tpu.vector_load %arg7[%get3A_679, %get3A_680] {strides = array<i32>} : memref<1x512xi32, #tpu.memory_space<vmem>>, vector<16xi32>,
      %mul3A_682 = arith.constant 8 : i32
      %mul3A_683 = vector.broadcast %mul3A_682 : i32 to vector<16xi32>
      %mul3A_684 = arith.muli %get3A_681, %mul3A_683 : vector<16xi32>
      %add3A_685 = arith.constant 0 : i32
      %add3A_686 = vector.broadcast %add3A_685 : i32 to vector<16xi32>
      %add3A_687 = arith.addi %mul3A_684, %add3A_686 : vector<16xi32>
      %gather3A_688 = tpu.vector_load_idx %arg13[%add3A_687] : memref<1888xf32, #tpu.memory_space<vmem>>[vector<16xi32>], vector<16xf32>,
      %swap3A_689 = arith.constant 0 : i32
      %swap3A_690 = arith.constant 0 : i32
      %swap3A_691 = arith.index_cast %swap3A_689 : i32 to index
      %swap3A_692 = arith.index_cast %swap3A_690 : i32 to index
      %swap3A_693 = arith.constant 144 : index
      %swap3A_694 = tpu.vector_load %arg11[%swap3A_691, %swap3A_692, %swap3A_693] {strides = array<i32>} : memref<8x1x256xf32, #tpu.memory_space<vmem>>, vector<16xf32>,
      tpu.vector_store %arg11[%swap3A_691, %swap3A_692, %swap3A_693], %gather3A_688 {strides = array<i32>} : memref<8x1x256xf32, #tpu.memory_space<vmem>>, vector<16xf32>,
      %add3A_695 = arith.constant 1 : i32
      %add3A_696 = vector.broadcast %add3A_695 : i32 to vector<16xi32>
      %add3A_697 = arith.addi %mul3A_684, %add3A_696 : vector<16xi32>
      %gather3A_698 = tpu.vector_load_idx %arg13[%add3A_697] : memref<1888xf32, #tpu.memory_space<vmem>>[vector<16xi32>], vector<16xf32>,
      %swap3A_699 = arith.constant 1 : i32
      %swap3A_700 = arith.constant 0 : i32
      %swap3A_701 = arith.index_cast %swap3A_699 : i32 to index
      %swap3A_702 = arith.index_cast %swap3A_700 : i32 to index
      %swap3A_703 = arith.constant 144 : index
      %swap3A_704 = tpu.vector_load %arg11[%swap3A_701, %swap3A_702, %swap3A_703] {strides = array<i32>} : memref<8x1x256xf32, #tpu.memory_space<vmem>>, vector<16xf32>,
      tpu.vector_store %arg11[%swap3A_701, %swap3A_702, %swap3A_703], %gather3A_698 {strides = array<i32>} : memref<8x1x256xf32, #tpu.memory_space<vmem>>, vector<16xf32>,
      %add3A_705 = arith.constant 2 : i32
      %add3A_706 = vector.broadcast %add3A_705 : i32 to vector<16xi32>
      %add3A_707 = arith.addi %mul3A_684, %add3A_706 : vector<16xi32>
      %gather3A_708 = tpu.vector_load_idx %arg13[%add3A_707] : memref<1888xf32, #tpu.memory_space<vmem>>[vector<16xi32>], vector<16xf32>,
      %swap3A_709 = arith.constant 2 : i32
      %swap3A_710 = arith.constant 0 : i32
      %swap3A_711 = arith.index_cast %swap3A_709 : i32 to index
      %swap3A_712 = arith.index_cast %swap3A_710 : i32 to index
      %swap3A_713 = arith.constant 144 : index
      %swap3A_714 = tpu.vector_load %arg11[%swap3A_711, %swap3A_712, %swap3A_713] {strides = array<i32>} : memref<8x1x256xf32, #tpu.memory_space<vmem>>, vector<16xf32>,
      tpu.vector_store %arg11[%swap3A_711, %swap3A_712, %swap3A_713], %gather3A_708 {strides = array<i32>} : memref<8x1x256xf32, #tpu.memory_space<vmem>>, vector<16xf32>,
      %add3A_715 = arith.constant 3 : i32
      %add3A_716 = vector.broadcast %add3A_715 : i32 to vector<16xi32>
      %add3A_717 = arith.addi %mul3A_684, %add3A_716 : vector<16xi32>
      %gather3A_718 = tpu.vector_load_idx %arg13[%add3A_717] : memref<1888xf32, #tpu.memory_space<vmem>>[vector<16xi32>], vector<16xf32>,
      %swap3A_719 = arith.constant 3 : i32
      %swap3A_720 = arith.constant 0 : i32
      %swap3A_721 = arith.index_cast %swap3A_719 : i32 to index
      %swap3A_722 = arith.index_cast %swap3A_720 : i32 to index
      %swap3A_723 = arith.constant 144 : index
      %swap3A_724 = tpu.vector_load %arg11[%swap3A_721, %swap3A_722, %swap3A_723] {strides = array<i32>} : memref<8x1x256xf32, #tpu.memory_space<vmem>>, vector<16xf32>,
      tpu.vector_store %arg11[%swap3A_721, %swap3A_722, %swap3A_723], %gather3A_718 {strides = array<i32>} : memref<8x1x256xf32, #tpu.memory_space<vmem>>, vector<16xf32>,
      %add3A_725 = arith.constant 4 : i32
      %add3A_726 = vector.broadcast %add3A_725 : i32 to vector<16xi32>
      %add3A_727 = arith.addi %mul3A_684, %add3A_726 : vector<16xi32>
      %gather3A_728 = tpu.vector_load_idx %arg13[%add3A_727] : memref<1888xf32, #tpu.memory_space<vmem>>[vector<16xi32>], vector<16xf32>,
      %swap3A_729 = arith.constant 4 : i32
      %swap3A_730 = arith.constant 0 : i32
      %swap3A_731 = arith.index_cast %swap3A_729 : i32 to index
      %swap3A_732 = arith.index_cast %swap3A_730 : i32 to index
      %swap3A_733 = arith.constant 144 : index
      %swap3A_734 = tpu.vector_load %arg11[%swap3A_731, %swap3A_732, %swap3A_733] {strides = array<i32>} : memref<8x1x256xf32, #tpu.memory_space<vmem>>, vector<16xf32>,
      tpu.vector_store %arg11[%swap3A_731, %swap3A_732, %swap3A_733], %gather3A_728 {strides = array<i32>} : memref<8x1x256xf32, #tpu.memory_space<vmem>>, vector<16xf32>,
      %add3A_735 = arith.constant 5 : i32
      %add3A_736 = vector.broadcast %add3A_735 : i32 to vector<16xi32>
      %add3A_737 = arith.addi %mul3A_684, %add3A_736 : vector<16xi32>
      %gather3A_738 = tpu.vector_load_idx %arg13[%add3A_737] : memref<1888xf32, #tpu.memory_space<vmem>>[vector<16xi32>], vector<16xf32>,
      %swap3A_739 = arith.constant 5 : i32
      %swap3A_740 = arith.constant 0 : i32
      %swap3A_741 = arith.index_cast %swap3A_739 : i32 to index
      %swap3A_742 = arith.index_cast %swap3A_740 : i32 to index
      %swap3A_743 = arith.constant 144 : index
      %swap3A_744 = tpu.vector_load %arg11[%swap3A_741, %swap3A_742, %swap3A_743] {strides = array<i32>} : memref<8x1x256xf32, #tpu.memory_space<vmem>>, vector<16xf32>,
      tpu.vector_store %arg11[%swap3A_741, %swap3A_742, %swap3A_743], %gather3A_738 {strides = array<i32>} : memref<8x1x256xf32, #tpu.memory_space<vmem>>, vector<16xf32>,
      %get3A_745 = arith.constant 0 : i32
      %get3A_746 = arith.index_cast %get3A_745 : i32 to index
      %get3A_747 = arith.constant 416 : index
      %get3A_748 = tpu.vector_load %arg7[%get3A_746, %get3A_747] {strides = array<i32>} : memref<1x512xi32, #tpu.memory_space<vmem>>, vector<16xi32>,
      %mul3A_749 = arith.constant 8 : i32
      %mul3A_750 = vector.broadcast %mul3A_749 : i32 to vector<16xi32>
      %mul3A_751 = arith.muli %get3A_748, %mul3A_750 : vector<16xi32>
      %add3A_752 = arith.constant 0 : i32
      %add3A_753 = vector.broadcast %add3A_752 : i32 to vector<16xi32>
      %add3A_754 = arith.addi %mul3A_751, %add3A_753 : vector<16xi32>
      %gather3A_755 = tpu.vector_load_idx %arg13[%add3A_754] : memref<1888xf32, #tpu.memory_space<vmem>>[vector<16xi32>], vector<16xf32>,
      %swap3A_756 = arith.constant 0 : i32
      %swap3A_757 = arith.constant 0 : i32
      %swap3A_758 = arith.index_cast %swap3A_756 : i32 to index
      %swap3A_759 = arith.index_cast %swap3A_757 : i32 to index
      %swap3A_760 = arith.constant 160 : index
      %swap3A_761 = tpu.vector_load %arg11[%swap3A_758, %swap3A_759, %swap3A_760] {strides = array<i32>} : memref<8x1x256xf32, #tpu.memory_space<vmem>>, vector<16xf32>,
      tpu.vector_store %arg11[%swap3A_758, %swap3A_759, %swap3A_760], %gather3A_755 {strides = array<i32>} : memref<8x1x256xf32, #tpu.memory_space<vmem>>, vector<16xf32>,
      %add3A_762 = arith.constant 1 : i32
      %add3A_763 = vector.broadcast %add3A_762 : i32 to vector<16xi32>
      %add3A_764 = arith.addi %mul3A_751, %add3A_763 : vector<16xi32>
      %gather3A_765 = tpu.vector_load_idx %arg13[%add3A_764] : memref<1888xf32, #tpu.memory_space<vmem>>[vector<16xi32>], vector<16xf32>,
      %swap3A_766 = arith.constant 1 : i32
      %swap3A_767 = arith.constant 0 : i32
      %swap3A_768 = arith.index_cast %swap3A_766 : i32 to index
      %swap3A_769 = arith.index_cast %swap3A_767 : i32 to index
      %swap3A_770 = arith.constant 160 : index
      %swap3A_771 = tpu.vector_load %arg11[%swap3A_768, %swap3A_769, %swap3A_770] {strides = array<i32>} : memref<8x1x256xf32, #tpu.memory_space<vmem>>, vector<16xf32>,
      tpu.vector_store %arg11[%swap3A_768, %swap3A_769, %swap3A_770], %gather3A_765 {strides = array<i32>} : memref<8x1x256xf32, #tpu.memory_space<vmem>>, vector<16xf32>,
      %add3A_772 = arith.constant 2 : i32
      %add3A_773 = vector.broadcast %add3A_772 : i32 to vector<16xi32>
      %add3A_774 = arith.addi %mul3A_751, %add3A_773 : vector<16xi32>
      %gather3A_775 = tpu.vector_load_idx %arg13[%add3A_774] : memref<1888xf32, #tpu.memory_space<vmem>>[vector<16xi32>], vector<16xf32>,
      %swap3A_776 = arith.constant 2 : i32
      %swap3A_777 = arith.constant 0 : i32
      %swap3A_778 = arith.index_cast %swap3A_776 : i32 to index
      %swap3A_779 = arith.index_cast %swap3A_777 : i32 to index
      %swap3A_780 = arith.constant 160 : index
      %swap3A_781 = tpu.vector_load %arg11[%swap3A_778, %swap3A_779, %swap3A_780] {strides = array<i32>} : memref<8x1x256xf32, #tpu.memory_space<vmem>>, vector<16xf32>,
      tpu.vector_store %arg11[%swap3A_778, %swap3A_779, %swap3A_780], %gather3A_775 {strides = array<i32>} : memref<8x1x256xf32, #tpu.memory_space<vmem>>, vector<16xf32>,
      %add3A_782 = arith.constant 3 : i32
      %add3A_783 = vector.broadcast %add3A_782 : i32 to vector<16xi32>
      %add3A_784 = arith.addi %mul3A_751, %add3A_783 : vector<16xi32>
      %gather3A_785 = tpu.vector_load_idx %arg13[%add3A_784] : memref<1888xf32, #tpu.memory_space<vmem>>[vector<16xi32>], vector<16xf32>,
      %swap3A_786 = arith.constant 3 : i32
      %swap3A_787 = arith.constant 0 : i32
      %swap3A_788 = arith.index_cast %swap3A_786 : i32 to index
      %swap3A_789 = arith.index_cast %swap3A_787 : i32 to index
      %swap3A_790 = arith.constant 160 : index
      %swap3A_791 = tpu.vector_load %arg11[%swap3A_788, %swap3A_789, %swap3A_790] {strides = array<i32>} : memref<8x1x256xf32, #tpu.memory_space<vmem>>, vector<16xf32>,
      tpu.vector_store %arg11[%swap3A_788, %swap3A_789, %swap3A_790], %gather3A_785 {strides = array<i32>} : memref<8x1x256xf32, #tpu.memory_space<vmem>>, vector<16xf32>,
      %add3A_792 = arith.constant 4 : i32
      %add3A_793 = vector.broadcast %add3A_792 : i32 to vector<16xi32>
      %add3A_794 = arith.addi %mul3A_751, %add3A_793 : vector<16xi32>
      %gather3A_795 = tpu.vector_load_idx %arg13[%add3A_794] : memref<1888xf32, #tpu.memory_space<vmem>>[vector<16xi32>], vector<16xf32>,
      %swap3A_796 = arith.constant 4 : i32
      %swap3A_797 = arith.constant 0 : i32
      %swap3A_798 = arith.index_cast %swap3A_796 : i32 to index
      %swap3A_799 = arith.index_cast %swap3A_797 : i32 to index
      %swap3A_800 = arith.constant 160 : index
      %swap3A_801 = tpu.vector_load %arg11[%swap3A_798, %swap3A_799, %swap3A_800] {strides = array<i32>} : memref<8x1x256xf32, #tpu.memory_space<vmem>>, vector<16xf32>,
      tpu.vector_store %arg11[%swap3A_798, %swap3A_799, %swap3A_800], %gather3A_795 {strides = array<i32>} : memref<8x1x256xf32, #tpu.memory_space<vmem>>, vector<16xf32>,
      %add3A_802 = arith.constant 5 : i32
      %add3A_803 = vector.broadcast %add3A_802 : i32 to vector<16xi32>
      %add3A_804 = arith.addi %mul3A_751, %add3A_803 : vector<16xi32>
      %gather3A_805 = tpu.vector_load_idx %arg13[%add3A_804] : memref<1888xf32, #tpu.memory_space<vmem>>[vector<16xi32>], vector<16xf32>,
      %swap3A_806 = arith.constant 5 : i32
      %swap3A_807 = arith.constant 0 : i32
      %swap3A_808 = arith.index_cast %swap3A_806 : i32 to index
      %swap3A_809 = arith.index_cast %swap3A_807 : i32 to index
      %swap3A_810 = arith.constant 160 : index
      %swap3A_811 = tpu.vector_load %arg11[%swap3A_808, %swap3A_809, %swap3A_810] {strides = array<i32>} : memref<8x1x256xf32, #tpu.memory_space<vmem>>, vector<16xf32>,
      tpu.vector_store %arg11[%swap3A_808, %swap3A_809, %swap3A_810], %gather3A_805 {strides = array<i32>} : memref<8x1x256xf32, #tpu.memory_space<vmem>>, vector<16xf32>,
      %get3A_812 = arith.constant 0 : i32
      %get3A_813 = arith.index_cast %get3A_812 : i32 to index
      %get3A_814 = arith.constant 432 : index
      %get3A_815 = tpu.vector_load %arg7[%get3A_813, %get3A_814] {strides = array<i32>} : memref<1x512xi32, #tpu.memory_space<vmem>>, vector<16xi32>,
      %mul3A_816 = arith.constant 8 : i32
      %mul3A_817 = vector.broadcast %mul3A_816 : i32 to vector<16xi32>
      %mul3A_818 = arith.muli %get3A_815, %mul3A_817 : vector<16xi32>
      %add3A_819 = arith.constant 0 : i32
      %add3A_820 = vector.broadcast %add3A_819 : i32 to vector<16xi32>
      %add3A_821 = arith.addi %mul3A_818, %add3A_820 : vector<16xi32>
      %gather3A_822 = tpu.vector_load_idx %arg13[%add3A_821] : memref<1888xf32, #tpu.memory_space<vmem>>[vector<16xi32>], vector<16xf32>,
      %swap3A_823 = arith.constant 0 : i32
      %swap3A_824 = arith.constant 0 : i32
      %swap3A_825 = arith.index_cast %swap3A_823 : i32 to index
      %swap3A_826 = arith.index_cast %swap3A_824 : i32 to index
      %swap3A_827 = arith.constant 176 : index
      %swap3A_828 = tpu.vector_load %arg11[%swap3A_825, %swap3A_826, %swap3A_827] {strides = array<i32>} : memref<8x1x256xf32, #tpu.memory_space<vmem>>, vector<16xf32>,
      tpu.vector_store %arg11[%swap3A_825, %swap3A_826, %swap3A_827], %gather3A_822 {strides = array<i32>} : memref<8x1x256xf32, #tpu.memory_space<vmem>>, vector<16xf32>,
      %add3A_829 = arith.constant 1 : i32
      %add3A_830 = vector.broadcast %add3A_829 : i32 to vector<16xi32>
      %add3A_831 = arith.addi %mul3A_818, %add3A_830 : vector<16xi32>
      %gather3A_832 = tpu.vector_load_idx %arg13[%add3A_831] : memref<1888xf32, #tpu.memory_space<vmem>>[vector<16xi32>], vector<16xf32>,
      %swap3A_833 = arith.constant 1 : i32
      %swap3A_834 = arith.constant 0 : i32
      %swap3A_835 = arith.index_cast %swap3A_833 : i32 to index
      %swap3A_836 = arith.index_cast %swap3A_834 : i32 to index
      %swap3A_837 = arith.constant 176 : index
      %swap3A_838 = tpu.vector_load %arg11[%swap3A_835, %swap3A_836, %swap3A_837] {strides = array<i32>} : memref<8x1x256xf32, #tpu.memory_space<vmem>>, vector<16xf32>,
      tpu.vector_store %arg11[%swap3A_835, %swap3A_836, %swap3A_837], %gather3A_832 {strides = array<i32>} : memref<8x1x256xf32, #tpu.memory_space<vmem>>, vector<16xf32>,
      %add3A_839 = arith.constant 2 : i32
      %add3A_840 = vector.broadcast %add3A_839 : i32 to vector<16xi32>
      %add3A_841 = arith.addi %mul3A_818, %add3A_840 : vector<16xi32>
      %gather3A_842 = tpu.vector_load_idx %arg13[%add3A_841] : memref<1888xf32, #tpu.memory_space<vmem>>[vector<16xi32>], vector<16xf32>,
      %swap3A_843 = arith.constant 2 : i32
      %swap3A_844 = arith.constant 0 : i32
      %swap3A_845 = arith.index_cast %swap3A_843 : i32 to index
      %swap3A_846 = arith.index_cast %swap3A_844 : i32 to index
      %swap3A_847 = arith.constant 176 : index
      %swap3A_848 = tpu.vector_load %arg11[%swap3A_845, %swap3A_846, %swap3A_847] {strides = array<i32>} : memref<8x1x256xf32, #tpu.memory_space<vmem>>, vector<16xf32>,
      tpu.vector_store %arg11[%swap3A_845, %swap3A_846, %swap3A_847], %gather3A_842 {strides = array<i32>} : memref<8x1x256xf32, #tpu.memory_space<vmem>>, vector<16xf32>,
      %add3A_849 = arith.constant 3 : i32
      %add3A_850 = vector.broadcast %add3A_849 : i32 to vector<16xi32>
      %add3A_851 = arith.addi %mul3A_818, %add3A_850 : vector<16xi32>
      %gather3A_852 = tpu.vector_load_idx %arg13[%add3A_851] : memref<1888xf32, #tpu.memory_space<vmem>>[vector<16xi32>], vector<16xf32>,
      %swap3A_853 = arith.constant 3 : i32
      %swap3A_854 = arith.constant 0 : i32
      %swap3A_855 = arith.index_cast %swap3A_853 : i32 to index
      %swap3A_856 = arith.index_cast %swap3A_854 : i32 to index
      %swap3A_857 = arith.constant 176 : index
      %swap3A_858 = tpu.vector_load %arg11[%swap3A_855, %swap3A_856, %swap3A_857] {strides = array<i32>} : memref<8x1x256xf32, #tpu.memory_space<vmem>>, vector<16xf32>,
      tpu.vector_store %arg11[%swap3A_855, %swap3A_856, %swap3A_857], %gather3A_852 {strides = array<i32>} : memref<8x1x256xf32, #tpu.memory_space<vmem>>, vector<16xf32>,
      %add3A_859 = arith.constant 4 : i32
      %add3A_860 = vector.broadcast %add3A_859 : i32 to vector<16xi32>
      %add3A_861 = arith.addi %mul3A_818, %add3A_860 : vector<16xi32>
      %gather3A_862 = tpu.vector_load_idx %arg13[%add3A_861] : memref<1888xf32, #tpu.memory_space<vmem>>[vector<16xi32>], vector<16xf32>,
      %swap3A_863 = arith.constant 4 : i32
      %swap3A_864 = arith.constant 0 : i32
      %swap3A_865 = arith.index_cast %swap3A_863 : i32 to index
      %swap3A_866 = arith.index_cast %swap3A_864 : i32 to index
      %swap3A_867 = arith.constant 176 : index
      %swap3A_868 = tpu.vector_load %arg11[%swap3A_865, %swap3A_866, %swap3A_867] {strides = array<i32>} : memref<8x1x256xf32, #tpu.memory_space<vmem>>, vector<16xf32>,
      tpu.vector_store %arg11[%swap3A_865, %swap3A_866, %swap3A_867], %gather3A_862 {strides = array<i32>} : memref<8x1x256xf32, #tpu.memory_space<vmem>>, vector<16xf32>,
      %add3A_869 = arith.constant 5 : i32
      %add3A_870 = vector.broadcast %add3A_869 : i32 to vector<16xi32>
      %add3A_871 = arith.addi %mul3A_818, %add3A_870 : vector<16xi32>
      %gather3A_872 = tpu.vector_load_idx %arg13[%add3A_871] : memref<1888xf32, #tpu.memory_space<vmem>>[vector<16xi32>], vector<16xf32>,
      %swap3A_873 = arith.constant 5 : i32
      %swap3A_874 = arith.constant 0 : i32
      %swap3A_875 = arith.index_cast %swap3A_873 : i32 to index
      %swap3A_876 = arith.index_cast %swap3A_874 : i32 to index
      %swap3A_877 = arith.constant 176 : index
      %swap3A_878 = tpu.vector_load %arg11[%swap3A_875, %swap3A_876, %swap3A_877] {strides = array<i32>} : memref<8x1x256xf32, #tpu.memory_space<vmem>>, vector<16xf32>,
      tpu.vector_store %arg11[%swap3A_875, %swap3A_876, %swap3A_877], %gather3A_872 {strides = array<i32>} : memref<8x1x256xf32, #tpu.memory_space<vmem>>, vector<16xf32>,
      %get3A_879 = arith.constant 0 : i32
      %get3A_880 = arith.index_cast %get3A_879 : i32 to index
      %get3A_881 = arith.constant 448 : index
      %get3A_882 = tpu.vector_load %arg7[%get3A_880, %get3A_881] {strides = array<i32>} : memref<1x512xi32, #tpu.memory_space<vmem>>, vector<16xi32>,
      %mul3A_883 = arith.constant 8 : i32
      %mul3A_884 = vector.broadcast %mul3A_883 : i32 to vector<16xi32>
      %mul3A_885 = arith.muli %get3A_882, %mul3A_884 : vector<16xi32>
      %add3A_886 = arith.constant 0 : i32
      %add3A_887 = vector.broadcast %add3A_886 : i32 to vector<16xi32>
      %add3A_888 = arith.addi %mul3A_885, %add3A_887 : vector<16xi32>
      %gather3A_889 = tpu.vector_load_idx %arg13[%add3A_888] : memref<1888xf32, #tpu.memory_space<vmem>>[vector<16xi32>], vector<16xf32>,
      %swap3A_890 = arith.constant 0 : i32
      %swap3A_891 = arith.constant 0 : i32
      %swap3A_892 = arith.index_cast %swap3A_890 : i32 to index
      %swap3A_893 = arith.index_cast %swap3A_891 : i32 to index
      %swap3A_894 = arith.constant 192 : index
      %swap3A_895 = tpu.vector_load %arg11[%swap3A_892, %swap3A_893, %swap3A_894] {strides = array<i32>} : memref<8x1x256xf32, #tpu.memory_space<vmem>>, vector<16xf32>,
      tpu.vector_store %arg11[%swap3A_892, %swap3A_893, %swap3A_894], %gather3A_889 {strides = array<i32>} : memref<8x1x256xf32, #tpu.memory_space<vmem>>, vector<16xf32>,
      %add3A_896 = arith.constant 1 : i32
      %add3A_897 = vector.broadcast %add3A_896 : i32 to vector<16xi32>
      %add3A_898 = arith.addi %mul3A_885, %add3A_897 : vector<16xi32>
      %gather3A_899 = tpu.vector_load_idx %arg13[%add3A_898] : memref<1888xf32, #tpu.memory_space<vmem>>[vector<16xi32>], vector<16xf32>,
      %swap3A_900 = arith.constant 1 : i32
      %swap3A_901 = arith.constant 0 : i32
      %swap3A_902 = arith.index_cast %swap3A_900 : i32 to index
      %swap3A_903 = arith.index_cast %swap3A_901 : i32 to index
      %swap3A_904 = arith.constant 192 : index
      %swap3A_905 = tpu.vector_load %arg11[%swap3A_902, %swap3A_903, %swap3A_904] {strides = array<i32>} : memref<8x1x256xf32, #tpu.memory_space<vmem>>, vector<16xf32>,
      tpu.vector_store %arg11[%swap3A_902, %swap3A_903, %swap3A_904], %gather3A_899 {strides = array<i32>} : memref<8x1x256xf32, #tpu.memory_space<vmem>>, vector<16xf32>,
      %add3A_906 = arith.constant 2 : i32
      %add3A_907 = vector.broadcast %add3A_906 : i32 to vector<16xi32>
      %add3A_908 = arith.addi %mul3A_885, %add3A_907 : vector<16xi32>
      %gather3A_909 = tpu.vector_load_idx %arg13[%add3A_908] : memref<1888xf32, #tpu.memory_space<vmem>>[vector<16xi32>], vector<16xf32>,
      %swap3A_910 = arith.constant 2 : i32
      %swap3A_911 = arith.constant 0 : i32
      %swap3A_912 = arith.index_cast %swap3A_910 : i32 to index
      %swap3A_913 = arith.index_cast %swap3A_911 : i32 to index
      %swap3A_914 = arith.constant 192 : index
      %swap3A_915 = tpu.vector_load %arg11[%swap3A_912, %swap3A_913, %swap3A_914] {strides = array<i32>} : memref<8x1x256xf32, #tpu.memory_space<vmem>>, vector<16xf32>,
      tpu.vector_store %arg11[%swap3A_912, %swap3A_913, %swap3A_914], %gather3A_909 {strides = array<i32>} : memref<8x1x256xf32, #tpu.memory_space<vmem>>, vector<16xf32>,
      %add3A_916 = arith.constant 3 : i32
      %add3A_917 = vector.broadcast %add3A_916 : i32 to vector<16xi32>
      %add3A_918 = arith.addi %mul3A_885, %add3A_917 : vector<16xi32>
      %gather3A_919 = tpu.vector_load_idx %arg13[%add3A_918] : memref<1888xf32, #tpu.memory_space<vmem>>[vector<16xi32>], vector<16xf32>,
      %swap3A_920 = arith.constant 3 : i32
      %swap3A_921 = arith.constant 0 : i32
      %swap3A_922 = arith.index_cast %swap3A_920 : i32 to index
      %swap3A_923 = arith.index_cast %swap3A_921 : i32 to index
      %swap3A_924 = arith.constant 192 : index
      %swap3A_925 = tpu.vector_load %arg11[%swap3A_922, %swap3A_923, %swap3A_924] {strides = array<i32>} : memref<8x1x256xf32, #tpu.memory_space<vmem>>, vector<16xf32>,
      tpu.vector_store %arg11[%swap3A_922, %swap3A_923, %swap3A_924], %gather3A_919 {strides = array<i32>} : memref<8x1x256xf32, #tpu.memory_space<vmem>>, vector<16xf32>,
      %add3A_926 = arith.constant 4 : i32
      %add3A_927 = vector.broadcast %add3A_926 : i32 to vector<16xi32>
      %add3A_928 = arith.addi %mul3A_885, %add3A_927 : vector<16xi32>
      %gather3A_929 = tpu.vector_load_idx %arg13[%add3A_928] : memref<1888xf32, #tpu.memory_space<vmem>>[vector<16xi32>], vector<16xf32>,
      %swap3A_930 = arith.constant 4 : i32
      %swap3A_931 = arith.constant 0 : i32
      %swap3A_932 = arith.index_cast %swap3A_930 : i32 to index
      %swap3A_933 = arith.index_cast %swap3A_931 : i32 to index
      %swap3A_934 = arith.constant 192 : index
      %swap3A_935 = tpu.vector_load %arg11[%swap3A_932, %swap3A_933, %swap3A_934] {strides = array<i32>} : memref<8x1x256xf32, #tpu.memory_space<vmem>>, vector<16xf32>,
      tpu.vector_store %arg11[%swap3A_932, %swap3A_933, %swap3A_934], %gather3A_929 {strides = array<i32>} : memref<8x1x256xf32, #tpu.memory_space<vmem>>, vector<16xf32>,
      %add3A_936 = arith.constant 5 : i32
      %add3A_937 = vector.broadcast %add3A_936 : i32 to vector<16xi32>
      %add3A_938 = arith.addi %mul3A_885, %add3A_937 : vector<16xi32>
      %gather3A_939 = tpu.vector_load_idx %arg13[%add3A_938] : memref<1888xf32, #tpu.memory_space<vmem>>[vector<16xi32>], vector<16xf32>,
      %swap3A_940 = arith.constant 5 : i32
      %swap3A_941 = arith.constant 0 : i32
      %swap3A_942 = arith.index_cast %swap3A_940 : i32 to index
      %swap3A_943 = arith.index_cast %swap3A_941 : i32 to index
      %swap3A_944 = arith.constant 192 : index
      %swap3A_945 = tpu.vector_load %arg11[%swap3A_942, %swap3A_943, %swap3A_944] {strides = array<i32>} : memref<8x1x256xf32, #tpu.memory_space<vmem>>, vector<16xf32>,
      tpu.vector_store %arg11[%swap3A_942, %swap3A_943, %swap3A_944], %gather3A_939 {strides = array<i32>} : memref<8x1x256xf32, #tpu.memory_space<vmem>>, vector<16xf32>,
      %get3A_946 = arith.constant 0 : i32
      %get3A_947 = arith.index_cast %get3A_946 : i32 to index
      %get3A_948 = arith.constant 464 : index
      %get3A_949 = tpu.vector_load %arg7[%get3A_947, %get3A_948] {strides = array<i32>} : memref<1x512xi32, #tpu.memory_space<vmem>>, vector<16xi32>,
      %mul3A_950 = arith.constant 8 : i32
      %mul3A_951 = vector.broadcast %mul3A_950 : i32 to vector<16xi32>
      %mul3A_952 = arith.muli %get3A_949, %mul3A_951 : vector<16xi32>
      %add3A_953 = arith.constant 0 : i32
      %add3A_954 = vector.broadcast %add3A_953 : i32 to vector<16xi32>
      %add3A_955 = arith.addi %mul3A_952, %add3A_954 : vector<16xi32>
      %gather3A_956 = tpu.vector_load_idx %arg13[%add3A_955] : memref<1888xf32, #tpu.memory_space<vmem>>[vector<16xi32>], vector<16xf32>,
      %swap3A_957 = arith.constant 0 : i32
      %swap3A_958 = arith.constant 0 : i32
      %swap3A_959 = arith.index_cast %swap3A_957 : i32 to index
      %swap3A_960 = arith.index_cast %swap3A_958 : i32 to index
      %swap3A_961 = arith.constant 208 : index
      %swap3A_962 = tpu.vector_load %arg11[%swap3A_959, %swap3A_960, %swap3A_961] {strides = array<i32>} : memref<8x1x256xf32, #tpu.memory_space<vmem>>, vector<16xf32>,
      tpu.vector_store %arg11[%swap3A_959, %swap3A_960, %swap3A_961], %gather3A_956 {strides = array<i32>} : memref<8x1x256xf32, #tpu.memory_space<vmem>>, vector<16xf32>,
      %add3A_963 = arith.constant 1 : i32
      %add3A_964 = vector.broadcast %add3A_963 : i32 to vector<16xi32>
      %add3A_965 = arith.addi %mul3A_952, %add3A_964 : vector<16xi32>
      %gather3A_966 = tpu.vector_load_idx %arg13[%add3A_965] : memref<1888xf32, #tpu.memory_space<vmem>>[vector<16xi32>], vector<16xf32>,
      %swap3A_967 = arith.constant 1 : i32
      %swap3A_968 = arith.constant 0 : i32
      %swap3A_969 = arith.index_cast %swap3A_967 : i32 to index
      %swap3A_970 = arith.index_cast %swap3A_968 : i32 to index
      %swap3A_971 = arith.constant 208 : index
      %swap3A_972 = tpu.vector_load %arg11[%swap3A_969, %swap3A_970, %swap3A_971] {strides = array<i32>} : memref<8x1x256xf32, #tpu.memory_space<vmem>>, vector<16xf32>,
      tpu.vector_store %arg11[%swap3A_969, %swap3A_970, %swap3A_971], %gather3A_966 {strides = array<i32>} : memref<8x1x256xf32, #tpu.memory_space<vmem>>, vector<16xf32>,
      %add3A_973 = arith.constant 2 : i32
      %add3A_974 = vector.broadcast %add3A_973 : i32 to vector<16xi32>
      %add3A_975 = arith.addi %mul3A_952, %add3A_974 : vector<16xi32>
      %gather3A_976 = tpu.vector_load_idx %arg13[%add3A_975] : memref<1888xf32, #tpu.memory_space<vmem>>[vector<16xi32>], vector<16xf32>,
      %swap3A_977 = arith.constant 2 : i32
      %swap3A_978 = arith.constant 0 : i32
      %swap3A_979 = arith.index_cast %swap3A_977 : i32 to index
      %swap3A_980 = arith.index_cast %swap3A_978 : i32 to index
      %swap3A_981 = arith.constant 208 : index
      %swap3A_982 = tpu.vector_load %arg11[%swap3A_979, %swap3A_980, %swap3A_981] {strides = array<i32>} : memref<8x1x256xf32, #tpu.memory_space<vmem>>, vector<16xf32>,
      tpu.vector_store %arg11[%swap3A_979, %swap3A_980, %swap3A_981], %gather3A_976 {strides = array<i32>} : memref<8x1x256xf32, #tpu.memory_space<vmem>>, vector<16xf32>,
      %add3A_983 = arith.constant 3 : i32
      %add3A_984 = vector.broadcast %add3A_983 : i32 to vector<16xi32>
      %add3A_985 = arith.addi %mul3A_952, %add3A_984 : vector<16xi32>
      %gather3A_986 = tpu.vector_load_idx %arg13[%add3A_985] : memref<1888xf32, #tpu.memory_space<vmem>>[vector<16xi32>], vector<16xf32>,
      %swap3A_987 = arith.constant 3 : i32
      %swap3A_988 = arith.constant 0 : i32
      %swap3A_989 = arith.index_cast %swap3A_987 : i32 to index
      %swap3A_990 = arith.index_cast %swap3A_988 : i32 to index
      %swap3A_991 = arith.constant 208 : index
      %swap3A_992 = tpu.vector_load %arg11[%swap3A_989, %swap3A_990, %swap3A_991] {strides = array<i32>} : memref<8x1x256xf32, #tpu.memory_space<vmem>>, vector<16xf32>,
      tpu.vector_store %arg11[%swap3A_989, %swap3A_990, %swap3A_991], %gather3A_986 {strides = array<i32>} : memref<8x1x256xf32, #tpu.memory_space<vmem>>, vector<16xf32>,
      %add3A_993 = arith.constant 4 : i32
      %add3A_994 = vector.broadcast %add3A_993 : i32 to vector<16xi32>
      %add3A_995 = arith.addi %mul3A_952, %add3A_994 : vector<16xi32>
      %gather3A_996 = tpu.vector_load_idx %arg13[%add3A_995] : memref<1888xf32, #tpu.memory_space<vmem>>[vector<16xi32>], vector<16xf32>,
      %swap3A_997 = arith.constant 4 : i32
      %swap3A_998 = arith.constant 0 : i32
      %swap3A_999 = arith.index_cast %swap3A_997 : i32 to index
      %swap3A_1000 = arith.index_cast %swap3A_998 : i32 to index
      %swap3A_1001 = arith.constant 208 : index
      %swap3A_1002 = tpu.vector_load %arg11[%swap3A_999, %swap3A_1000, %swap3A_1001] {strides = array<i32>} : memref<8x1x256xf32, #tpu.memory_space<vmem>>, vector<16xf32>,
      tpu.vector_store %arg11[%swap3A_999, %swap3A_1000, %swap3A_1001], %gather3A_996 {strides = array<i32>} : memref<8x1x256xf32, #tpu.memory_space<vmem>>, vector<16xf32>,
      %add3A_1003 = arith.constant 5 : i32
      %add3A_1004 = vector.broadcast %add3A_1003 : i32 to vector<16xi32>
      %add3A_1005 = arith.addi %mul3A_952, %add3A_1004 : vector<16xi32>
      %gather3A_1006 = tpu.vector_load_idx %arg13[%add3A_1005] : memref<1888xf32, #tpu.memory_space<vmem>>[vector<16xi32>], vector<16xf32>,
      %swap3A_1007 = arith.constant 5 : i32
      %swap3A_1008 = arith.constant 0 : i32
      %swap3A_1009 = arith.index_cast %swap3A_1007 : i32 to index
      %swap3A_1010 = arith.index_cast %swap3A_1008 : i32 to index
      %swap3A_1011 = arith.constant 208 : index
      %swap3A_1012 = tpu.vector_load %arg11[%swap3A_1009, %swap3A_1010, %swap3A_1011] {strides = array<i32>} : memref<8x1x256xf32, #tpu.memory_space<vmem>>, vector<16xf32>,
      tpu.vector_store %arg11[%swap3A_1009, %swap3A_1010, %swap3A_1011], %gather3A_1006 {strides = array<i32>} : memref<8x1x256xf32, #tpu.memory_space<vmem>>, vector<16xf32>,
      %get3A_1013 = arith.constant 0 : i32
      %get3A_1014 = arith.index_cast %get3A_1013 : i32 to index
      %get3A_1015 = arith.constant 480 : index
      %get3A_1016 = tpu.vector_load %arg7[%get3A_1014, %get3A_1015] {strides = array<i32>} : memref<1x512xi32, #tpu.memory_space<vmem>>, vector<16xi32>,
      %mul3A_1017 = arith.constant 8 : i32
      %mul3A_1018 = vector.broadcast %mul3A_1017 : i32 to vector<16xi32>
      %mul3A_1019 = arith.muli %get3A_1016, %mul3A_1018 : vector<16xi32>
      %add3A_1020 = arith.constant 0 : i32
      %add3A_1021 = vector.broadcast %add3A_1020 : i32 to vector<16xi32>
      %add3A_1022 = arith.addi %mul3A_1019, %add3A_1021 : vector<16xi32>
      %gather3A_1023 = tpu.vector_load_idx %arg13[%add3A_1022] : memref<1888xf32, #tpu.memory_space<vmem>>[vector<16xi32>], vector<16xf32>,
      %swap3A_1024 = arith.constant 0 : i32
      %swap3A_1025 = arith.constant 0 : i32
      %swap3A_1026 = arith.index_cast %swap3A_1024 : i32 to index
      %swap3A_1027 = arith.index_cast %swap3A_1025 : i32 to index
      %swap3A_1028 = arith.constant 224 : index
      %swap3A_1029 = tpu.vector_load %arg11[%swap3A_1026, %swap3A_1027, %swap3A_1028] {strides = array<i32>} : memref<8x1x256xf32, #tpu.memory_space<vmem>>, vector<16xf32>,
      tpu.vector_store %arg11[%swap3A_1026, %swap3A_1027, %swap3A_1028], %gather3A_1023 {strides = array<i32>} : memref<8x1x256xf32, #tpu.memory_space<vmem>>, vector<16xf32>,
      %add3A_1030 = arith.constant 1 : i32
      %add3A_1031 = vector.broadcast %add3A_1030 : i32 to vector<16xi32>
      %add3A_1032 = arith.addi %mul3A_1019, %add3A_1031 : vector<16xi32>
      %gather3A_1033 = tpu.vector_load_idx %arg13[%add3A_1032] : memref<1888xf32, #tpu.memory_space<vmem>>[vector<16xi32>], vector<16xf32>,
      %swap3A_1034 = arith.constant 1 : i32
      %swap3A_1035 = arith.constant 0 : i32
      %swap3A_1036 = arith.index_cast %swap3A_1034 : i32 to index
      %swap3A_1037 = arith.index_cast %swap3A_1035 : i32 to index
      %swap3A_1038 = arith.constant 224 : index
      %swap3A_1039 = tpu.vector_load %arg11[%swap3A_1036, %swap3A_1037, %swap3A_1038] {strides = array<i32>} : memref<8x1x256xf32, #tpu.memory_space<vmem>>, vector<16xf32>,
      tpu.vector_store %arg11[%swap3A_1036, %swap3A_1037, %swap3A_1038], %gather3A_1033 {strides = array<i32>} : memref<8x1x256xf32, #tpu.memory_space<vmem>>, vector<16xf32>,
      %add3A_1040 = arith.constant 2 : i32
      %add3A_1041 = vector.broadcast %add3A_1040 : i32 to vector<16xi32>
      %add3A_1042 = arith.addi %mul3A_1019, %add3A_1041 : vector<16xi32>
      %gather3A_1043 = tpu.vector_load_idx %arg13[%add3A_1042] : memref<1888xf32, #tpu.memory_space<vmem>>[vector<16xi32>], vector<16xf32>,
      %swap3A_1044 = arith.constant 2 : i32
      %swap3A_1045 = arith.constant 0 : i32
      %swap3A_1046 = arith.index_cast %swap3A_1044 : i32 to index
      %swap3A_1047 = arith.index_cast %swap3A_1045 : i32 to index
      %swap3A_1048 = arith.constant 224 : index
      %swap3A_1049 = tpu.vector_load %arg11[%swap3A_1046, %swap3A_1047, %swap3A_1048] {strides = array<i32>} : memref<8x1x256xf32, #tpu.memory_space<vmem>>, vector<16xf32>,
      tpu.vector_store %arg11[%swap3A_1046, %swap3A_1047, %swap3A_1048], %gather3A_1043 {strides = array<i32>} : memref<8x1x256xf32, #tpu.memory_space<vmem>>, vector<16xf32>,
      %add3A_1050 = arith.constant 3 : i32
      %add3A_1051 = vector.broadcast %add3A_1050 : i32 to vector<16xi32>
      %add3A_1052 = arith.addi %mul3A_1019, %add3A_1051 : vector<16xi32>
      %gather3A_1053 = tpu.vector_load_idx %arg13[%add3A_1052] : memref<1888xf32, #tpu.memory_space<vmem>>[vector<16xi32>], vector<16xf32>,
      %swap3A_1054 = arith.constant 3 : i32
      %swap3A_1055 = arith.constant 0 : i32
      %swap3A_1056 = arith.index_cast %swap3A_1054 : i32 to index
      %swap3A_1057 = arith.index_cast %swap3A_1055 : i32 to index
      %swap3A_1058 = arith.constant 224 : index
      %swap3A_1059 = tpu.vector_load %arg11[%swap3A_1056, %swap3A_1057, %swap3A_1058] {strides = array<i32>} : memref<8x1x256xf32, #tpu.memory_space<vmem>>, vector<16xf32>,
      tpu.vector_store %arg11[%swap3A_1056, %swap3A_1057, %swap3A_1058], %gather3A_1053 {strides = array<i32>} : memref<8x1x256xf32, #tpu.memory_space<vmem>>, vector<16xf32>,
      %add3A_1060 = arith.constant 4 : i32
      %add3A_1061 = vector.broadcast %add3A_1060 : i32 to vector<16xi32>
      %add3A_1062 = arith.addi %mul3A_1019, %add3A_1061 : vector<16xi32>
      %gather3A_1063 = tpu.vector_load_idx %arg13[%add3A_1062] : memref<1888xf32, #tpu.memory_space<vmem>>[vector<16xi32>], vector<16xf32>,
      %swap3A_1064 = arith.constant 4 : i32
      %swap3A_1065 = arith.constant 0 : i32
      %swap3A_1066 = arith.index_cast %swap3A_1064 : i32 to index
      %swap3A_1067 = arith.index_cast %swap3A_1065 : i32 to index
      %swap3A_1068 = arith.constant 224 : index
      %swap3A_1069 = tpu.vector_load %arg11[%swap3A_1066, %swap3A_1067, %swap3A_1068] {strides = array<i32>} : memref<8x1x256xf32, #tpu.memory_space<vmem>>, vector<16xf32>,
      tpu.vector_store %arg11[%swap3A_1066, %swap3A_1067, %swap3A_1068], %gather3A_1063 {strides = array<i32>} : memref<8x1x256xf32, #tpu.memory_space<vmem>>, vector<16xf32>,
      %add3A_1070 = arith.constant 5 : i32
      %add3A_1071 = vector.broadcast %add3A_1070 : i32 to vector<16xi32>
      %add3A_1072 = arith.addi %mul3A_1019, %add3A_1071 : vector<16xi32>
      %gather3A_1073 = tpu.vector_load_idx %arg13[%add3A_1072] : memref<1888xf32, #tpu.memory_space<vmem>>[vector<16xi32>], vector<16xf32>,
      %swap3A_1074 = arith.constant 5 : i32
      %swap3A_1075 = arith.constant 0 : i32
      %swap3A_1076 = arith.index_cast %swap3A_1074 : i32 to index
      %swap3A_1077 = arith.index_cast %swap3A_1075 : i32 to index
      %swap3A_1078 = arith.constant 224 : index
      %swap3A_1079 = tpu.vector_load %arg11[%swap3A_1076, %swap3A_1077, %swap3A_1078] {strides = array<i32>} : memref<8x1x256xf32, #tpu.memory_space<vmem>>, vector<16xf32>,
      tpu.vector_store %arg11[%swap3A_1076, %swap3A_1077, %swap3A_1078], %gather3A_1073 {strides = array<i32>} : memref<8x1x256xf32, #tpu.memory_space<vmem>>, vector<16xf32>,
      %get3A_1080 = arith.constant 0 : i32
      %get3A_1081 = arith.index_cast %get3A_1080 : i32 to index
      %get3A_1082 = arith.constant 496 : index
      %get3A_1083 = tpu.vector_load %arg7[%get3A_1081, %get3A_1082] {strides = array<i32>} : memref<1x512xi32, #tpu.memory_space<vmem>>, vector<16xi32>,
      %mul3A_1084 = arith.constant 8 : i32
      %mul3A_1085 = vector.broadcast %mul3A_1084 : i32 to vector<16xi32>
      %mul3A_1086 = arith.muli %get3A_1083, %mul3A_1085 : vector<16xi32>
      %add3A_1087 = arith.constant 0 : i32
      %add3A_1088 = vector.broadcast %add3A_1087 : i32 to vector<16xi32>
      %add3A_1089 = arith.addi %mul3A_1086, %add3A_1088 : vector<16xi32>
      %gather3A_1090 = tpu.vector_load_idx %arg13[%add3A_1089] : memref<1888xf32, #tpu.memory_space<vmem>>[vector<16xi32>], vector<16xf32>,
      %swap3A_1091 = arith.constant 0 : i32
      %swap3A_1092 = arith.constant 0 : i32
      %swap3A_1093 = arith.index_cast %swap3A_1091 : i32 to index
      %swap3A_1094 = arith.index_cast %swap3A_1092 : i32 to index
      %swap3A_1095 = arith.constant 240 : index
      %swap3A_1096 = tpu.vector_load %arg11[%swap3A_1093, %swap3A_1094, %swap3A_1095] {strides = array<i32>} : memref<8x1x256xf32, #tpu.memory_space<vmem>>, vector<16xf32>,
      tpu.vector_store %arg11[%swap3A_1093, %swap3A_1094, %swap3A_1095], %gather3A_1090 {strides = array<i32>} : memref<8x1x256xf32, #tpu.memory_space<vmem>>, vector<16xf32>,
      %add3A_1097 = arith.constant 1 : i32
      %add3A_1098 = vector.broadcast %add3A_1097 : i32 to vector<16xi32>
      %add3A_1099 = arith.addi %mul3A_1086, %add3A_1098 : vector<16xi32>
      %gather3A_1100 = tpu.vector_load_idx %arg13[%add3A_1099] : memref<1888xf32, #tpu.memory_space<vmem>>[vector<16xi32>], vector<16xf32>,
      %swap3A_1101 = arith.constant 1 : i32
      %swap3A_1102 = arith.constant 0 : i32
      %swap3A_1103 = arith.index_cast %swap3A_1101 : i32 to index
      %swap3A_1104 = arith.index_cast %swap3A_1102 : i32 to index
      %swap3A_1105 = arith.constant 240 : index
      %swap3A_1106 = tpu.vector_load %arg11[%swap3A_1103, %swap3A_1104, %swap3A_1105] {strides = array<i32>} : memref<8x1x256xf32, #tpu.memory_space<vmem>>, vector<16xf32>,
      tpu.vector_store %arg11[%swap3A_1103, %swap3A_1104, %swap3A_1105], %gather3A_1100 {strides = array<i32>} : memref<8x1x256xf32, #tpu.memory_space<vmem>>, vector<16xf32>,
      %add3A_1107 = arith.constant 2 : i32
      %add3A_1108 = vector.broadcast %add3A_1107 : i32 to vector<16xi32>
      %add3A_1109 = arith.addi %mul3A_1086, %add3A_1108 : vector<16xi32>
      %gather3A_1110 = tpu.vector_load_idx %arg13[%add3A_1109] : memref<1888xf32, #tpu.memory_space<vmem>>[vector<16xi32>], vector<16xf32>,
      %swap3A_1111 = arith.constant 2 : i32
      %swap3A_1112 = arith.constant 0 : i32
      %swap3A_1113 = arith.index_cast %swap3A_1111 : i32 to index
      %swap3A_1114 = arith.index_cast %swap3A_1112 : i32 to index
      %swap3A_1115 = arith.constant 240 : index
      %swap3A_1116 = tpu.vector_load %arg11[%swap3A_1113, %swap3A_1114, %swap3A_1115] {strides = array<i32>} : memref<8x1x256xf32, #tpu.memory_space<vmem>>, vector<16xf32>,
      tpu.vector_store %arg11[%swap3A_1113, %swap3A_1114, %swap3A_1115], %gather3A_1110 {strides = array<i32>} : memref<8x1x256xf32, #tpu.memory_space<vmem>>, vector<16xf32>,
      %add3A_1117 = arith.constant 3 : i32
      %add3A_1118 = vector.broadcast %add3A_1117 : i32 to vector<16xi32>
      %add3A_1119 = arith.addi %mul3A_1086, %add3A_1118 : vector<16xi32>
      %gather3A_1120 = tpu.vector_load_idx %arg13[%add3A_1119] : memref<1888xf32, #tpu.memory_space<vmem>>[vector<16xi32>], vector<16xf32>,
      %swap3A_1121 = arith.constant 3 : i32
      %swap3A_1122 = arith.constant 0 : i32
      %swap3A_1123 = arith.index_cast %swap3A_1121 : i32 to index
      %swap3A_1124 = arith.index_cast %swap3A_1122 : i32 to index
      %swap3A_1125 = arith.constant 240 : index
      %swap3A_1126 = tpu.vector_load %arg11[%swap3A_1123, %swap3A_1124, %swap3A_1125] {strides = array<i32>} : memref<8x1x256xf32, #tpu.memory_space<vmem>>, vector<16xf32>,
      tpu.vector_store %arg11[%swap3A_1123, %swap3A_1124, %swap3A_1125], %gather3A_1120 {strides = array<i32>} : memref<8x1x256xf32, #tpu.memory_space<vmem>>, vector<16xf32>,
      %add3A_1127 = arith.constant 4 : i32
      %add3A_1128 = vector.broadcast %add3A_1127 : i32 to vector<16xi32>
      %add3A_1129 = arith.addi %mul3A_1086, %add3A_1128 : vector<16xi32>
      %gather3A_1130 = tpu.vector_load_idx %arg13[%add3A_1129] : memref<1888xf32, #tpu.memory_space<vmem>>[vector<16xi32>], vector<16xf32>,
      %swap3A_1131 = arith.constant 4 : i32
      %swap3A_1132 = arith.constant 0 : i32
      %swap3A_1133 = arith.index_cast %swap3A_1131 : i32 to index
      %swap3A_1134 = arith.index_cast %swap3A_1132 : i32 to index
      %swap3A_1135 = arith.constant 240 : index
      %swap3A_1136 = tpu.vector_load %arg11[%swap3A_1133, %swap3A_1134, %swap3A_1135] {strides = array<i32>} : memref<8x1x256xf32, #tpu.memory_space<vmem>>, vector<16xf32>,
      tpu.vector_store %arg11[%swap3A_1133, %swap3A_1134, %swap3A_1135], %gather3A_1130 {strides = array<i32>} : memref<8x1x256xf32, #tpu.memory_space<vmem>>, vector<16xf32>,
      %add3A_1137 = arith.constant 5 : i32
      %add3A_1138 = vector.broadcast %add3A_1137 : i32 to vector<16xi32>
      %add3A_1139 = arith.addi %mul3A_1086, %add3A_1138 : vector<16xi32>
      %gather3A_1140 = tpu.vector_load_idx %arg13[%add3A_1139] : memref<1888xf32, #tpu.memory_space<vmem>>[vector<16xi32>], vector<16xf32>,
      %swap3A_1141 = arith.constant 5 : i32
      %swap3A_1142 = arith.constant 0 : i32
      %swap3A_1143 = arith.index_cast %swap3A_1141 : i32 to index
      %swap3A_1144 = arith.index_cast %swap3A_1142 : i32 to index
      %swap3A_1145 = arith.constant 240 : index
      %swap3A_1146 = tpu.vector_load %arg11[%swap3A_1143, %swap3A_1144, %swap3A_1145] {strides = array<i32>} : memref<8x1x256xf32, #tpu.memory_space<vmem>>, vector<16xf32>,
      tpu.vector_store %arg11[%swap3A_1143, %swap3A_1144, %swap3A_1145], %gather3A_1140 {strides = array<i32>} : memref<8x1x256xf32, #tpu.memory_space<vmem>>, vector<16xf32>,
      %dma_wait3A_1147 = arith.constant 0 : i32
      %dma_wait3A_1148 = arith.constant 0 : i32
      %dma_wait3A_1149 = arith.constant 0 : i32
      %dma_wait3A_1150 = tpu.memref_slice %arg9[%dma_wait3A_1148, %dma_wait3A_1149] : memref<256x128xf32, #tpu.memory_space<vmem>> -> memref<256x128xf32, #tpu.memory_space<vmem>>
      %dma_wait3A_1151 = arith.constant 0 : i32
      %dma_wait3A_1152 = tpu.memref_slice %arg7[%dma_wait3A_1147, %dma_wait3A_1151] : memref<1x512xi32, #tpu.memory_space<vmem>> -> memref<1x256xi32, #tpu.memory_space<vmem>>
      %dma_wait3A_1153 = tpu.memref_squeeze %dma_wait3A_1152 : memref<1x256xi32, #tpu.memory_space<vmem>> -> memref<256xi32, #tpu.memory_space<vmem>>
      %dma_wait3A_1154 = arith.constant 0 : i32
      %dma_wait3A_1155 = arith.constant 0 : i32
      %dma_wait3A_1156 = tpu.memref_slice %arg2[%dma_wait3A_1154, %dma_wait3A_1155] : memref<100000x128xf32, #tpu.memory_space<hbm>> -> memref<100000x128xf32, #tpu.memory_space<hbm>>
      tpu.wait_indirect_dma semaphore(%arg14 : memref<!tpu.dma_semaphore, #tpu.memory_space<semaphore_mem>>) src(%dma_wait3A_1156 : memref<100000x128xf32, #tpu.memory_space<hbm>>) dst(%dma_wait3A_1150 : memref<256x128xf32, #tpu.memory_space<vmem>>)
      %add3A_1157 = arith.constant 1 : i32
      %add3A_1158 = arith.addi %mul3A_72, %add3A_1157 : i32
      %lt3A_1159 = arith.constant 100 : i32
      %lt3A_1160 = arith.cmpi slt, %add3A_1158, %lt3A_1159 : i32
      %convert_element_type3A_1161 = arith.extui %lt3A_1160 : i1 to i32
      %cond3A_1162 = arith.constant 0 : i32
      %cond3A_1163 = arith.cmpi ne, %convert_element_type3A_1161, %cond3A_1162 : i32
      scf.if %cond3A_1163 {
        %dma_start3A_2311 = arith.constant 0 : i32
        %dma_start3A_2312 = arith.constant 0 : i32
        %dma_start3A_2313 = arith.constant 0 : i32
        %dma_start3A_2314 = tpu.memref_slice %arg10[%dma_start3A_2312, %dma_start3A_2313] : memref<256x128xf32, #tpu.memory_space<vmem>> -> memref<256x128xf32, #tpu.memory_space<vmem>>
        %dma_start3A_2315 = arith.constant 0 : i32
        %dma_start3A_2316 = tpu.memref_slice %arg8[%dma_start3A_2311, %dma_start3A_2315] : memref<1x512xi32, #tpu.memory_space<vmem>> -> memref<1x256xi32, #tpu.memory_space<vmem>>
        %dma_start3A_2317 = tpu.memref_squeeze %dma_start3A_2316 : memref<1x256xi32, #tpu.memory_space<vmem>> -> memref<256xi32, #tpu.memory_space<vmem>>
        %dma_start3A_2318 = arith.constant 0 : i32
        %dma_start3A_2319 = arith.constant 0 : i32
        %dma_start3A_2320 = tpu.memref_slice %arg2[%dma_start3A_2318, %dma_start3A_2319] : memref<100000x128xf32, #tpu.memory_space<hbm>> -> memref<100000x128xf32, #tpu.memory_space<hbm>>
        tpu.enqueue_indirect_dma source(%dma_start3A_2320 : memref<100000x128xf32, #tpu.memory_space<hbm>>) target(%dma_start3A_2314 : memref<256x128xf32, #tpu.memory_space<vmem>>) offsets(%dma_start3A_2317 : memref<256xi32, #tpu.memory_space<vmem>>) semaphore(%arg15 : memref<!tpu.dma_semaphore, #tpu.memory_space<semaphore_mem>>)
      } else {
      }
      %rem3A_1164 = arith.constant 100 : i32
      %rem3A_1165 = arith.remsi %add3A_75, %rem3A_1164 : i32
      %add3A_1166 = arith.addi %select_n3A_36, %rem3A_1165 : i32
      %mul3A_1167 = arith.constant 256 : i32
      %mul3A_1168 = arith.muli %select_n3A, %mul3A_1167 : i32
      %mul3A_1169 = arith.constant 4096 : i32
      %mul3A_1170 = arith.muli %add3A_1166, %mul3A_1169 : i32
      %add3A_1171 = arith.addi %mul3A_1170, %mul3A_1168 : i32
      %dma_start3A_1172 = arith.constant 0 : i32
      %dma_start3A_1173 = tpu.memref_slice %arg5[%add3A_1171, %dma_start3A_1172] : memref<819200x128xf32, #tpu.memory_space<hbm>> -> memref<256x128xf32, #tpu.memory_space<hbm>>
      %dma_start3A_1174 = arith.constant 0 : i32
      %dma_start3A_1175 = tpu.memref_slice %arg5[%add3A_1171, %dma_start3A_1174] : memref<819200x128xf32, #tpu.memory_space<hbm>> -> memref<256x128xf32, #tpu.memory_space<hbm>>
      tpu.enqueue_dma source(%arg9 : memref<256x128xf32, #tpu.memory_space<vmem>>) target(%dma_start3A_1175 : memref<256x128xf32, #tpu.memory_space<hbm>>) target_semaphore(%arg16 : memref<!tpu.dma_semaphore, #tpu.memory_space<semaphore_mem>>)
      %dma_start3A_1176 = arith.constant 0 : i32
      %dma_start3A_1177 = tpu.memref_slice %arg6[%dma_start3A_1176, %add3A_1166, %mul3A_1168] : memref<8x200x4096xf32, #tpu.memory_space<hbm>> -> memref<8x1x256xf32, #tpu.memory_space<hbm>>
      %dma_start3A_1178 = arith.constant 0 : i32
      %dma_start3A_1179 = tpu.memref_slice %arg6[%dma_start3A_1178, %add3A_1166, %mul3A_1168] : memref<8x200x4096xf32, #tpu.memory_space<hbm>> -> memref<8x1x256xf32, #tpu.memory_space<hbm>>
      tpu.enqueue_dma source(%arg11 : memref<8x1x256xf32, #tpu.memory_space<vmem>>) target(%dma_start3A_1179 : memref<8x1x256xf32, #tpu.memory_space<hbm>>) target_semaphore(%arg16 : memref<!tpu.dma_semaphore, #tpu.memory_space<semaphore_mem>>)
      %add3A_1180 = arith.constant 2 : i32
      %add3A_1181 = arith.addi %mul3A_72, %add3A_1180 : i32
      %lt3A_1182 = arith.constant 100 : i32
      %lt3A_1183 = arith.cmpi slt, %add3A_1181, %lt3A_1182 : i32
      %convert_element_type3A_1184 = arith.extui %lt3A_1183 : i1 to i32
      %cond3A_1185 = arith.constant 0 : i32
      %cond3A_1186 = arith.cmpi ne, %convert_element_type3A_1184, %cond3A_1185 : i32
      scf.if %cond3A_1186 {
        %add3A_2311 = arith.constant 2 : i32
        %add3A_2312 = arith.addi %add3A_75, %add3A_2311 : i32
        "tpu.region"() ({
          %run_scoped3A = tpu.sem_alloc : memref<!tpu.dma_semaphore, #tpu.memory_space<semaphore_mem>>
          %dma_start3A_2313 = arith.constant 0 : i32
          %dma_start3A_2314 = tpu.memref_slice %arg4[%add3A_2312, %dma_start3A_2313] : memref<3200x512xi32, #tpu.memory_space<hbm>> -> memref<1x512xi32, #tpu.memory_space<hbm>>
          %dma_start3A_2315 = arith.constant 0 : i32
          %dma_start3A_2316 = tpu.memref_slice %arg4[%add3A_2312, %dma_start3A_2315] : memref<3200x512xi32, #tpu.memory_space<hbm>> -> memref<1x512xi32, #tpu.memory_space<hbm>>
          tpu.enqueue_dma source(%dma_start3A_2316 : memref<1x512xi32, #tpu.memory_space<hbm>>) target(%arg7 : memref<1x512xi32, #tpu.memory_space<vmem>>) target_semaphore(%run_scoped3A : memref<!tpu.dma_semaphore, #tpu.memory_space<semaphore_mem>>)
          %dma_wait3A_2317 = arith.constant 0 : i32
          %dma_wait3A_2318 = tpu.memref_slice %arg4[%add3A_2312, %dma_wait3A_2317] : memref<3200x512xi32, #tpu.memory_space<hbm>> -> memref<1x512xi32, #tpu.memory_space<hbm>>
          %dma_wait3A_2319 = arith.constant 0 : i32
          %dma_wait3A_2320 = tpu.memref_slice %arg4[%add3A_2312, %dma_wait3A_2319] : memref<3200x512xi32, #tpu.memory_space<hbm>> -> memref<1x512xi32, #tpu.memory_space<hbm>>
          tpu.wait_dma2 semaphore(%run_scoped3A : memref<!tpu.dma_semaphore, #tpu.memory_space<semaphore_mem>>) src(%dma_wait3A_2320 : memref<1x512xi32, #tpu.memory_space<hbm>>) dst(%arg7 : memref<1x512xi32, #tpu.memory_space<vmem>>)
          tpu.yield
        }) : () -> ()
      } else {
      }
      %mul3A_1187 = arith.constant 2 : i32
      %mul3A_1188 = arith.muli %mul3A_1187, %scan3A_70 : i32
      %add3A_1189 = arith.constant 1 : i32
      %add3A_1190 = arith.addi %mul3A_1188, %add3A_1189 : i32
      %mul3A_1191 = arith.constant 1 : i32
      %mul3A_1192 = arith.muli %add3A_1190, %mul3A_1191 : i32
      %add3A_1193 = arith.addi %mul3A_2, %mul3A_1192 : i32
      %ge3A_1194 = arith.constant 1 : i32
      %ge3A_1195 = arith.cmpi sge, %add3A_1190, %ge3A_1194 : i32
      %convert_element_type3A_1196 = arith.extui %ge3A_1195 : i1 to i32
      %cond3A_1197 = arith.constant 0 : i32
      %cond3A_1198 = arith.cmpi ne, %convert_element_type3A_1196, %cond3A_1197 : i32
      scf.if %cond3A_1198 {
        %rem3A_2311 = arith.constant 100 : i32
        %rem3A_2312 = arith.remsi %add3A_1193, %rem3A_2311 : i32
        %add3A_2313 = arith.addi %select_n3A_36, %rem3A_2312 : i32
        %mul3A_2314 = arith.constant 256 : i32
        %mul3A_2315 = arith.muli %select_n3A, %mul3A_2314 : i32
        %mul3A_2316 = arith.constant 4096 : i32
        %mul3A_2317 = arith.muli %add3A_2313, %mul3A_2316 : i32
        %add3A_2318 = arith.addi %mul3A_2317, %mul3A_2315 : i32
        %dma_wait3A_2319 = arith.constant 0 : i32
        %dma_wait3A_2320 = tpu.memref_slice %arg5[%add3A_2318, %dma_wait3A_2319] : memref<819200x128xf32, #tpu.memory_space<hbm>> -> memref<256x128xf32, #tpu.memory_space<hbm>>
        %dma_wait3A_2321 = arith.constant 0 : i32
        %dma_wait3A_2322 = tpu.memref_slice %arg5[%add3A_2318, %dma_wait3A_2321] : memref<819200x128xf32, #tpu.memory_space<hbm>> -> memref<256x128xf32, #tpu.memory_space<hbm>>
        tpu.wait_dma2 semaphore(%arg16 : memref<!tpu.dma_semaphore, #tpu.memory_space<semaphore_mem>>) src(%arg9 : memref<256x128xf32, #tpu.memory_space<vmem>>) dst(%dma_wait3A_2322 : memref<256x128xf32, #tpu.memory_space<hbm>>)
        %dma_wait3A_2323 = arith.constant 0 : i32
        %dma_wait3A_2324 = tpu.memref_slice %arg6[%dma_wait3A_2323, %add3A_2313, %mul3A_2315] : memref<8x200x4096xf32, #tpu.memory_space<hbm>> -> memref<8x1x256xf32, #tpu.memory_space<hbm>>
        %dma_wait3A_2325 = arith.constant 0 : i32
        %dma_wait3A_2326 = tpu.memref_slice %arg6[%dma_wait3A_2325, %add3A_2313, %mul3A_2315] : memref<8x200x4096xf32, #tpu.memory_space<hbm>> -> memref<8x1x256xf32, #tpu.memory_space<hbm>>
        tpu.wait_dma2 semaphore(%arg16 : memref<!tpu.dma_semaphore, #tpu.memory_space<semaphore_mem>>) src(%arg11 : memref<8x1x256xf32, #tpu.memory_space<vmem>>) dst(%dma_wait3A_2326 : memref<8x1x256xf32, #tpu.memory_space<hbm>>)
      } else {
      }
      %get3A_1199 = arith.constant 0 : i32
      %get3A_1200 = arith.index_cast %get3A_1199 : i32 to index
      %get3A_1201 = arith.constant 256 : index
      %get3A_1202 = tpu.vector_load %arg8[%get3A_1200, %get3A_1201] {strides = array<i32>} : memref<1x512xi32, #tpu.memory_space<vmem>>, vector<16xi32>,
      %mul3A_1203 = arith.constant 8 : i32
      %mul3A_1204 = vector.broadcast %mul3A_1203 : i32 to vector<16xi32>
      %mul3A_1205 = arith.muli %get3A_1202, %mul3A_1204 : vector<16xi32>
      %add3A_1206 = arith.constant 0 : i32
      %add3A_1207 = vector.broadcast %add3A_1206 : i32 to vector<16xi32>
      %add3A_1208 = arith.addi %mul3A_1205, %add3A_1207 : vector<16xi32>
      %gather3A_1209 = tpu.vector_load_idx %arg13[%add3A_1208] : memref<1888xf32, #tpu.memory_space<vmem>>[vector<16xi32>], vector<16xf32>,
      %swap3A_1210 = arith.constant 0 : i32
      %swap3A_1211 = arith.constant 0 : i32
      %swap3A_1212 = arith.index_cast %swap3A_1210 : i32 to index
      %swap3A_1213 = arith.index_cast %swap3A_1211 : i32 to index
      %swap3A_1214 = arith.constant 0 : index
      %swap3A_1215 = tpu.vector_load %arg12[%swap3A_1212, %swap3A_1213, %swap3A_1214] {strides = array<i32>} : memref<8x1x256xf32, #tpu.memory_space<vmem>>, vector<16xf32>,
      tpu.vector_store %arg12[%swap3A_1212, %swap3A_1213, %swap3A_1214], %gather3A_1209 {strides = array<i32>} : memref<8x1x256xf32, #tpu.memory_space<vmem>>, vector<16xf32>,
      %add3A_1216 = arith.constant 1 : i32
      %add3A_1217 = vector.broadcast %add3A_1216 : i32 to vector<16xi32>
      %add3A_1218 = arith.addi %mul3A_1205, %add3A_1217 : vector<16xi32>
      %gather3A_1219 = tpu.vector_load_idx %arg13[%add3A_1218] : memref<1888xf32, #tpu.memory_space<vmem>>[vector<16xi32>], vector<16xf32>,
      %swap3A_1220 = arith.constant 1 : i32
      %swap3A_1221 = arith.constant 0 : i32
      %swap3A_1222 = arith.index_cast %swap3A_1220 : i32 to index
      %swap3A_1223 = arith.index_cast %swap3A_1221 : i32 to index
      %swap3A_1224 = arith.constant 0 : index
      %swap3A_1225 = tpu.vector_load %arg12[%swap3A_1222, %swap3A_1223, %swap3A_1224] {strides = array<i32>} : memref<8x1x256xf32, #tpu.memory_space<vmem>>, vector<16xf32>,
      tpu.vector_store %arg12[%swap3A_1222, %swap3A_1223, %swap3A_1224], %gather3A_1219 {strides = array<i32>} : memref<8x1x256xf32, #tpu.memory_space<vmem>>, vector<16xf32>,
      %add3A_1226 = arith.constant 2 : i32
      %add3A_1227 = vector.broadcast %add3A_1226 : i32 to vector<16xi32>
      %add3A_1228 = arith.addi %mul3A_1205, %add3A_1227 : vector<16xi32>
      %gather3A_1229 = tpu.vector_load_idx %arg13[%add3A_1228] : memref<1888xf32, #tpu.memory_space<vmem>>[vector<16xi32>], vector<16xf32>,
      %swap3A_1230 = arith.constant 2 : i32
      %swap3A_1231 = arith.constant 0 : i32
      %swap3A_1232 = arith.index_cast %swap3A_1230 : i32 to index
      %swap3A_1233 = arith.index_cast %swap3A_1231 : i32 to index
      %swap3A_1234 = arith.constant 0 : index
      %swap3A_1235 = tpu.vector_load %arg12[%swap3A_1232, %swap3A_1233, %swap3A_1234] {strides = array<i32>} : memref<8x1x256xf32, #tpu.memory_space<vmem>>, vector<16xf32>,
      tpu.vector_store %arg12[%swap3A_1232, %swap3A_1233, %swap3A_1234], %gather3A_1229 {strides = array<i32>} : memref<8x1x256xf32, #tpu.memory_space<vmem>>, vector<16xf32>,
      %add3A_1236 = arith.constant 3 : i32
      %add3A_1237 = vector.broadcast %add3A_1236 : i32 to vector<16xi32>
      %add3A_1238 = arith.addi %mul3A_1205, %add3A_1237 : vector<16xi32>
      %gather3A_1239 = tpu.vector_load_idx %arg13[%add3A_1238] : memref<1888xf32, #tpu.memory_space<vmem>>[vector<16xi32>], vector<16xf32>,
      %swap3A_1240 = arith.constant 3 : i32
      %swap3A_1241 = arith.constant 0 : i32
      %swap3A_1242 = arith.index_cast %swap3A_1240 : i32 to index
      %swap3A_1243 = arith.index_cast %swap3A_1241 : i32 to index
      %swap3A_1244 = arith.constant 0 : index
      %swap3A_1245 = tpu.vector_load %arg12[%swap3A_1242, %swap3A_1243, %swap3A_1244] {strides = array<i32>} : memref<8x1x256xf32, #tpu.memory_space<vmem>>, vector<16xf32>,
      tpu.vector_store %arg12[%swap3A_1242, %swap3A_1243, %swap3A_1244], %gather3A_1239 {strides = array<i32>} : memref<8x1x256xf32, #tpu.memory_space<vmem>>, vector<16xf32>,
      %add3A_1246 = arith.constant 4 : i32
      %add3A_1247 = vector.broadcast %add3A_1246 : i32 to vector<16xi32>
      %add3A_1248 = arith.addi %mul3A_1205, %add3A_1247 : vector<16xi32>
      %gather3A_1249 = tpu.vector_load_idx %arg13[%add3A_1248] : memref<1888xf32, #tpu.memory_space<vmem>>[vector<16xi32>], vector<16xf32>,
      %swap3A_1250 = arith.constant 4 : i32
      %swap3A_1251 = arith.constant 0 : i32
      %swap3A_1252 = arith.index_cast %swap3A_1250 : i32 to index
      %swap3A_1253 = arith.index_cast %swap3A_1251 : i32 to index
      %swap3A_1254 = arith.constant 0 : index
      %swap3A_1255 = tpu.vector_load %arg12[%swap3A_1252, %swap3A_1253, %swap3A_1254] {strides = array<i32>} : memref<8x1x256xf32, #tpu.memory_space<vmem>>, vector<16xf32>,
      tpu.vector_store %arg12[%swap3A_1252, %swap3A_1253, %swap3A_1254], %gather3A_1249 {strides = array<i32>} : memref<8x1x256xf32, #tpu.memory_space<vmem>>, vector<16xf32>,
      %add3A_1256 = arith.constant 5 : i32
      %add3A_1257 = vector.broadcast %add3A_1256 : i32 to vector<16xi32>
      %add3A_1258 = arith.addi %mul3A_1205, %add3A_1257 : vector<16xi32>
      %gather3A_1259 = tpu.vector_load_idx %arg13[%add3A_1258] : memref<1888xf32, #tpu.memory_space<vmem>>[vector<16xi32>], vector<16xf32>,
      %swap3A_1260 = arith.constant 5 : i32
      %swap3A_1261 = arith.constant 0 : i32
      %swap3A_1262 = arith.index_cast %swap3A_1260 : i32 to index
      %swap3A_1263 = arith.index_cast %swap3A_1261 : i32 to index
      %swap3A_1264 = arith.constant 0 : index
      %swap3A_1265 = tpu.vector_load %arg12[%swap3A_1262, %swap3A_1263, %swap3A_1264] {strides = array<i32>} : memref<8x1x256xf32, #tpu.memory_space<vmem>>, vector<16xf32>,
      tpu.vector_store %arg12[%swap3A_1262, %swap3A_1263, %swap3A_1264], %gather3A_1259 {strides = array<i32>} : memref<8x1x256xf32, #tpu.memory_space<vmem>>, vector<16xf32>,
      %get3A_1266 = arith.constant 0 : i32
      %get3A_1267 = arith.index_cast %get3A_1266 : i32 to index
      %get3A_1268 = arith.constant 272 : index
      %get3A_1269 = tpu.vector_load %arg8[%get3A_1267, %get3A_1268] {strides = array<i32>} : memref<1x512xi32, #tpu.memory_space<vmem>>, vector<16xi32>,
      %mul3A_1270 = arith.constant 8 : i32
      %mul3A_1271 = vector.broadcast %mul3A_1270 : i32 to vector<16xi32>
      %mul3A_1272 = arith.muli %get3A_1269, %mul3A_1271 : vector<16xi32>
      %add3A_1273 = arith.constant 0 : i32
      %add3A_1274 = vector.broadcast %add3A_1273 : i32 to vector<16xi32>
      %add3A_1275 = arith.addi %mul3A_1272, %add3A_1274 : vector<16xi32>
      %gather3A_1276 = tpu.vector_load_idx %arg13[%add3A_1275] : memref<1888xf32, #tpu.memory_space<vmem>>[vector<16xi32>], vector<16xf32>,
      %swap3A_1277 = arith.constant 0 : i32
      %swap3A_1278 = arith.constant 0 : i32
      %swap3A_1279 = arith.index_cast %swap3A_1277 : i32 to index
      %swap3A_1280 = arith.index_cast %swap3A_1278 : i32 to index
      %swap3A_1281 = arith.constant 16 : index
      %swap3A_1282 = tpu.vector_load %arg12[%swap3A_1279, %swap3A_1280, %swap3A_1281] {strides = array<i32>} : memref<8x1x256xf32, #tpu.memory_space<vmem>>, vector<16xf32>,
      tpu.vector_store %arg12[%swap3A_1279, %swap3A_1280, %swap3A_1281], %gather3A_1276 {strides = array<i32>} : memref<8x1x256xf32, #tpu.memory_space<vmem>>, vector<16xf32>,
      %add3A_1283 = arith.constant 1 : i32
      %add3A_1284 = vector.broadcast %add3A_1283 : i32 to vector<16xi32>
      %add3A_1285 = arith.addi %mul3A_1272, %add3A_1284 : vector<16xi32>
      %gather3A_1286 = tpu.vector_load_idx %arg13[%add3A_1285] : memref<1888xf32, #tpu.memory_space<vmem>>[vector<16xi32>], vector<16xf32>,
      %swap3A_1287 = arith.constant 1 : i32
      %swap3A_1288 = arith.constant 0 : i32
      %swap3A_1289 = arith.index_cast %swap3A_1287 : i32 to index
      %swap3A_1290 = arith.index_cast %swap3A_1288 : i32 to index
      %swap3A_1291 = arith.constant 16 : index
      %swap3A_1292 = tpu.vector_load %arg12[%swap3A_1289, %swap3A_1290, %swap3A_1291] {strides = array<i32>} : memref<8x1x256xf32, #tpu.memory_space<vmem>>, vector<16xf32>,
      tpu.vector_store %arg12[%swap3A_1289, %swap3A_1290, %swap3A_1291], %gather3A_1286 {strides = array<i32>} : memref<8x1x256xf32, #tpu.memory_space<vmem>>, vector<16xf32>,
      %add3A_1293 = arith.constant 2 : i32
      %add3A_1294 = vector.broadcast %add3A_1293 : i32 to vector<16xi32>
      %add3A_1295 = arith.addi %mul3A_1272, %add3A_1294 : vector<16xi32>
      %gather3A_1296 = tpu.vector_load_idx %arg13[%add3A_1295] : memref<1888xf32, #tpu.memory_space<vmem>>[vector<16xi32>], vector<16xf32>,
      %swap3A_1297 = arith.constant 2 : i32
      %swap3A_1298 = arith.constant 0 : i32
      %swap3A_1299 = arith.index_cast %swap3A_1297 : i32 to index
      %swap3A_1300 = arith.index_cast %swap3A_1298 : i32 to index
      %swap3A_1301 = arith.constant 16 : index
      %swap3A_1302 = tpu.vector_load %arg12[%swap3A_1299, %swap3A_1300, %swap3A_1301] {strides = array<i32>} : memref<8x1x256xf32, #tpu.memory_space<vmem>>, vector<16xf32>,
      tpu.vector_store %arg12[%swap3A_1299, %swap3A_1300, %swap3A_1301], %gather3A_1296 {strides = array<i32>} : memref<8x1x256xf32, #tpu.memory_space<vmem>>, vector<16xf32>,
      %add3A_1303 = arith.constant 3 : i32
      %add3A_1304 = vector.broadcast %add3A_1303 : i32 to vector<16xi32>
      %add3A_1305 = arith.addi %mul3A_1272, %add3A_1304 : vector<16xi32>
      %gather3A_1306 = tpu.vector_load_idx %arg13[%add3A_1305] : memref<1888xf32, #tpu.memory_space<vmem>>[vector<16xi32>], vector<16xf32>,
      %swap3A_1307 = arith.constant 3 : i32
      %swap3A_1308 = arith.constant 0 : i32
      %swap3A_1309 = arith.index_cast %swap3A_1307 : i32 to index
      %swap3A_1310 = arith.index_cast %swap3A_1308 : i32 to index
      %swap3A_1311 = arith.constant 16 : index
      %swap3A_1312 = tpu.vector_load %arg12[%swap3A_1309, %swap3A_1310, %swap3A_1311] {strides = array<i32>} : memref<8x1x256xf32, #tpu.memory_space<vmem>>, vector<16xf32>,
      tpu.vector_store %arg12[%swap3A_1309, %swap3A_1310, %swap3A_1311], %gather3A_1306 {strides = array<i32>} : memref<8x1x256xf32, #tpu.memory_space<vmem>>, vector<16xf32>,
      %add3A_1313 = arith.constant 4 : i32
      %add3A_1314 = vector.broadcast %add3A_1313 : i32 to vector<16xi32>
      %add3A_1315 = arith.addi %mul3A_1272, %add3A_1314 : vector<16xi32>
      %gather3A_1316 = tpu.vector_load_idx %arg13[%add3A_1315] : memref<1888xf32, #tpu.memory_space<vmem>>[vector<16xi32>], vector<16xf32>,
      %swap3A_1317 = arith.constant 4 : i32
      %swap3A_1318 = arith.constant 0 : i32
      %swap3A_1319 = arith.index_cast %swap3A_1317 : i32 to index
      %swap3A_1320 = arith.index_cast %swap3A_1318 : i32 to index
      %swap3A_1321 = arith.constant 16 : index
      %swap3A_1322 = tpu.vector_load %arg12[%swap3A_1319, %swap3A_1320, %swap3A_1321] {strides = array<i32>} : memref<8x1x256xf32, #tpu.memory_space<vmem>>, vector<16xf32>,
      tpu.vector_store %arg12[%swap3A_1319, %swap3A_1320, %swap3A_1321], %gather3A_1316 {strides = array<i32>} : memref<8x1x256xf32, #tpu.memory_space<vmem>>, vector<16xf32>,
      %add3A_1323 = arith.constant 5 : i32
      %add3A_1324 = vector.broadcast %add3A_1323 : i32 to vector<16xi32>
      %add3A_1325 = arith.addi %mul3A_1272, %add3A_1324 : vector<16xi32>
      %gather3A_1326 = tpu.vector_load_idx %arg13[%add3A_1325] : memref<1888xf32, #tpu.memory_space<vmem>>[vector<16xi32>], vector<16xf32>,
      %swap3A_1327 = arith.constant 5 : i32
      %swap3A_1328 = arith.constant 0 : i32
      %swap3A_1329 = arith.index_cast %swap3A_1327 : i32 to index
      %swap3A_1330 = arith.index_cast %swap3A_1328 : i32 to index
      %swap3A_1331 = arith.constant 16 : index
      %swap3A_1332 = tpu.vector_load %arg12[%swap3A_1329, %swap3A_1330, %swap3A_1331] {strides = array<i32>} : memref<8x1x256xf32, #tpu.memory_space<vmem>>, vector<16xf32>,
      tpu.vector_store %arg12[%swap3A_1329, %swap3A_1330, %swap3A_1331], %gather3A_1326 {strides = array<i32>} : memref<8x1x256xf32, #tpu.memory_space<vmem>>, vector<16xf32>,
      %get3A_1333 = arith.constant 0 : i32
      %get3A_1334 = arith.index_cast %get3A_1333 : i32 to index
      %get3A_1335 = arith.constant 288 : index
      %get3A_1336 = tpu.vector_load %arg8[%get3A_1334, %get3A_1335] {strides = array<i32>} : memref<1x512xi32, #tpu.memory_space<vmem>>, vector<16xi32>,
      %mul3A_1337 = arith.constant 8 : i32
      %mul3A_1338 = vector.broadcast %mul3A_1337 : i32 to vector<16xi32>
      %mul3A_1339 = arith.muli %get3A_1336, %mul3A_1338 : vector<16xi32>
      %add3A_1340 = arith.constant 0 : i32
      %add3A_1341 = vector.broadcast %add3A_1340 : i32 to vector<16xi32>
      %add3A_1342 = arith.addi %mul3A_1339, %add3A_1341 : vector<16xi32>
      %gather3A_1343 = tpu.vector_load_idx %arg13[%add3A_1342] : memref<1888xf32, #tpu.memory_space<vmem>>[vector<16xi32>], vector<16xf32>,
      %swap3A_1344 = arith.constant 0 : i32
      %swap3A_1345 = arith.constant 0 : i32
      %swap3A_1346 = arith.index_cast %swap3A_1344 : i32 to index
      %swap3A_1347 = arith.index_cast %swap3A_1345 : i32 to index
      %swap3A_1348 = arith.constant 32 : index
      %swap3A_1349 = tpu.vector_load %arg12[%swap3A_1346, %swap3A_1347, %swap3A_1348] {strides = array<i32>} : memref<8x1x256xf32, #tpu.memory_space<vmem>>, vector<16xf32>,
      tpu.vector_store %arg12[%swap3A_1346, %swap3A_1347, %swap3A_1348], %gather3A_1343 {strides = array<i32>} : memref<8x1x256xf32, #tpu.memory_space<vmem>>, vector<16xf32>,
      %add3A_1350 = arith.constant 1 : i32
      %add3A_1351 = vector.broadcast %add3A_1350 : i32 to vector<16xi32>
      %add3A_1352 = arith.addi %mul3A_1339, %add3A_1351 : vector<16xi32>
      %gather3A_1353 = tpu.vector_load_idx %arg13[%add3A_1352] : memref<1888xf32, #tpu.memory_space<vmem>>[vector<16xi32>], vector<16xf32>,
      %swap3A_1354 = arith.constant 1 : i32
      %swap3A_1355 = arith.constant 0 : i32
      %swap3A_1356 = arith.index_cast %swap3A_1354 : i32 to index
      %swap3A_1357 = arith.index_cast %swap3A_1355 : i32 to index
      %swap3A_1358 = arith.constant 32 : index
      %swap3A_1359 = tpu.vector_load %arg12[%swap3A_1356, %swap3A_1357, %swap3A_1358] {strides = array<i32>} : memref<8x1x256xf32, #tpu.memory_space<vmem>>, vector<16xf32>,
      tpu.vector_store %arg12[%swap3A_1356, %swap3A_1357, %swap3A_1358], %gather3A_1353 {strides = array<i32>} : memref<8x1x256xf32, #tpu.memory_space<vmem>>, vector<16xf32>,
      %add3A_1360 = arith.constant 2 : i32
      %add3A_1361 = vector.broadcast %add3A_1360 : i32 to vector<16xi32>
      %add3A_1362 = arith.addi %mul3A_1339, %add3A_1361 : vector<16xi32>
      %gather3A_1363 = tpu.vector_load_idx %arg13[%add3A_1362] : memref<1888xf32, #tpu.memory_space<vmem>>[vector<16xi32>], vector<16xf32>,
      %swap3A_1364 = arith.constant 2 : i32
      %swap3A_1365 = arith.constant 0 : i32
      %swap3A_1366 = arith.index_cast %swap3A_1364 : i32 to index
      %swap3A_1367 = arith.index_cast %swap3A_1365 : i32 to index
      %swap3A_1368 = arith.constant 32 : index
      %swap3A_1369 = tpu.vector_load %arg12[%swap3A_1366, %swap3A_1367, %swap3A_1368] {strides = array<i32>} : memref<8x1x256xf32, #tpu.memory_space<vmem>>, vector<16xf32>,
      tpu.vector_store %arg12[%swap3A_1366, %swap3A_1367, %swap3A_1368], %gather3A_1363 {strides = array<i32>} : memref<8x1x256xf32, #tpu.memory_space<vmem>>, vector<16xf32>,
      %add3A_1370 = arith.constant 3 : i32
      %add3A_1371 = vector.broadcast %add3A_1370 : i32 to vector<16xi32>
      %add3A_1372 = arith.addi %mul3A_1339, %add3A_1371 : vector<16xi32>
      %gather3A_1373 = tpu.vector_load_idx %arg13[%add3A_1372] : memref<1888xf32, #tpu.memory_space<vmem>>[vector<16xi32>], vector<16xf32>,
      %swap3A_1374 = arith.constant 3 : i32
      %swap3A_1375 = arith.constant 0 : i32
      %swap3A_1376 = arith.index_cast %swap3A_1374 : i32 to index
      %swap3A_1377 = arith.index_cast %swap3A_1375 : i32 to index
      %swap3A_1378 = arith.constant 32 : index
      %swap3A_1379 = tpu.vector_load %arg12[%swap3A_1376, %swap3A_1377, %swap3A_1378] {strides = array<i32>} : memref<8x1x256xf32, #tpu.memory_space<vmem>>, vector<16xf32>,
      tpu.vector_store %arg12[%swap3A_1376, %swap3A_1377, %swap3A_1378], %gather3A_1373 {strides = array<i32>} : memref<8x1x256xf32, #tpu.memory_space<vmem>>, vector<16xf32>,
      %add3A_1380 = arith.constant 4 : i32
      %add3A_1381 = vector.broadcast %add3A_1380 : i32 to vector<16xi32>
      %add3A_1382 = arith.addi %mul3A_1339, %add3A_1381 : vector<16xi32>
      %gather3A_1383 = tpu.vector_load_idx %arg13[%add3A_1382] : memref<1888xf32, #tpu.memory_space<vmem>>[vector<16xi32>], vector<16xf32>,
      %swap3A_1384 = arith.constant 4 : i32
      %swap3A_1385 = arith.constant 0 : i32
      %swap3A_1386 = arith.index_cast %swap3A_1384 : i32 to index
      %swap3A_1387 = arith.index_cast %swap3A_1385 : i32 to index
      %swap3A_1388 = arith.constant 32 : index
      %swap3A_1389 = tpu.vector_load %arg12[%swap3A_1386, %swap3A_1387, %swap3A_1388] {strides = array<i32>} : memref<8x1x256xf32, #tpu.memory_space<vmem>>, vector<16xf32>,
      tpu.vector_store %arg12[%swap3A_1386, %swap3A_1387, %swap3A_1388], %gather3A_1383 {strides = array<i32>} : memref<8x1x256xf32, #tpu.memory_space<vmem>>, vector<16xf32>,
      %add3A_1390 = arith.constant 5 : i32
      %add3A_1391 = vector.broadcast %add3A_1390 : i32 to vector<16xi32>
      %add3A_1392 = arith.addi %mul3A_1339, %add3A_1391 : vector<16xi32>
      %gather3A_1393 = tpu.vector_load_idx %arg13[%add3A_1392] : memref<1888xf32, #tpu.memory_space<vmem>>[vector<16xi32>], vector<16xf32>,
      %swap3A_1394 = arith.constant 5 : i32
      %swap3A_1395 = arith.constant 0 : i32
      %swap3A_1396 = arith.index_cast %swap3A_1394 : i32 to index
      %swap3A_1397 = arith.index_cast %swap3A_1395 : i32 to index
      %swap3A_1398 = arith.constant 32 : index
      %swap3A_1399 = tpu.vector_load %arg12[%swap3A_1396, %swap3A_1397, %swap3A_1398] {strides = array<i32>} : memref<8x1x256xf32, #tpu.memory_space<vmem>>, vector<16xf32>,
      tpu.vector_store %arg12[%swap3A_1396, %swap3A_1397, %swap3A_1398], %gather3A_1393 {strides = array<i32>} : memref<8x1x256xf32, #tpu.memory_space<vmem>>, vector<16xf32>,
      %get3A_1400 = arith.constant 0 : i32
      %get3A_1401 = arith.index_cast %get3A_1400 : i32 to index
      %get3A_1402 = arith.constant 304 : index
      %get3A_1403 = tpu.vector_load %arg8[%get3A_1401, %get3A_1402] {strides = array<i32>} : memref<1x512xi32, #tpu.memory_space<vmem>>, vector<16xi32>,
      %mul3A_1404 = arith.constant 8 : i32
      %mul3A_1405 = vector.broadcast %mul3A_1404 : i32 to vector<16xi32>
      %mul3A_1406 = arith.muli %get3A_1403, %mul3A_1405 : vector<16xi32>
      %add3A_1407 = arith.constant 0 : i32
      %add3A_1408 = vector.broadcast %add3A_1407 : i32 to vector<16xi32>
      %add3A_1409 = arith.addi %mul3A_1406, %add3A_1408 : vector<16xi32>
      %gather3A_1410 = tpu.vector_load_idx %arg13[%add3A_1409] : memref<1888xf32, #tpu.memory_space<vmem>>[vector<16xi32>], vector<16xf32>,
      %swap3A_1411 = arith.constant 0 : i32
      %swap3A_1412 = arith.constant 0 : i32
      %swap3A_1413 = arith.index_cast %swap3A_1411 : i32 to index
      %swap3A_1414 = arith.index_cast %swap3A_1412 : i32 to index
      %swap3A_1415 = arith.constant 48 : index
      %swap3A_1416 = tpu.vector_load %arg12[%swap3A_1413, %swap3A_1414, %swap3A_1415] {strides = array<i32>} : memref<8x1x256xf32, #tpu.memory_space<vmem>>, vector<16xf32>,
      tpu.vector_store %arg12[%swap3A_1413, %swap3A_1414, %swap3A_1415], %gather3A_1410 {strides = array<i32>} : memref<8x1x256xf32, #tpu.memory_space<vmem>>, vector<16xf32>,
      %add3A_1417 = arith.constant 1 : i32
      %add3A_1418 = vector.broadcast %add3A_1417 : i32 to vector<16xi32>
      %add3A_1419 = arith.addi %mul3A_1406, %add3A_1418 : vector<16xi32>
      %gather3A_1420 = tpu.vector_load_idx %arg13[%add3A_1419] : memref<1888xf32, #tpu.memory_space<vmem>>[vector<16xi32>], vector<16xf32>,
      %swap3A_1421 = arith.constant 1 : i32
      %swap3A_1422 = arith.constant 0 : i32
      %swap3A_1423 = arith.index_cast %swap3A_1421 : i32 to index
      %swap3A_1424 = arith.index_cast %swap3A_1422 : i32 to index
      %swap3A_1425 = arith.constant 48 : index
      %swap3A_1426 = tpu.vector_load %arg12[%swap3A_1423, %swap3A_1424, %swap3A_1425] {strides = array<i32>} : memref<8x1x256xf32, #tpu.memory_space<vmem>>, vector<16xf32>,
      tpu.vector_store %arg12[%swap3A_1423, %swap3A_1424, %swap3A_1425], %gather3A_1420 {strides = array<i32>} : memref<8x1x256xf32, #tpu.memory_space<vmem>>, vector<16xf32>,
      %add3A_1427 = arith.constant 2 : i32
      %add3A_1428 = vector.broadcast %add3A_1427 : i32 to vector<16xi32>
      %add3A_1429 = arith.addi %mul3A_1406, %add3A_1428 : vector<16xi32>
      %gather3A_1430 = tpu.vector_load_idx %arg13[%add3A_1429] : memref<1888xf32, #tpu.memory_space<vmem>>[vector<16xi32>], vector<16xf32>,
      %swap3A_1431 = arith.constant 2 : i32
      %swap3A_1432 = arith.constant 0 : i32
      %swap3A_1433 = arith.index_cast %swap3A_1431 : i32 to index
      %swap3A_1434 = arith.index_cast %swap3A_1432 : i32 to index
      %swap3A_1435 = arith.constant 48 : index
      %swap3A_1436 = tpu.vector_load %arg12[%swap3A_1433, %swap3A_1434, %swap3A_1435] {strides = array<i32>} : memref<8x1x256xf32, #tpu.memory_space<vmem>>, vector<16xf32>,
      tpu.vector_store %arg12[%swap3A_1433, %swap3A_1434, %swap3A_1435], %gather3A_1430 {strides = array<i32>} : memref<8x1x256xf32, #tpu.memory_space<vmem>>, vector<16xf32>,
      %add3A_1437 = arith.constant 3 : i32
      %add3A_1438 = vector.broadcast %add3A_1437 : i32 to vector<16xi32>
      %add3A_1439 = arith.addi %mul3A_1406, %add3A_1438 : vector<16xi32>
      %gather3A_1440 = tpu.vector_load_idx %arg13[%add3A_1439] : memref<1888xf32, #tpu.memory_space<vmem>>[vector<16xi32>], vector<16xf32>,
      %swap3A_1441 = arith.constant 3 : i32
      %swap3A_1442 = arith.constant 0 : i32
      %swap3A_1443 = arith.index_cast %swap3A_1441 : i32 to index
      %swap3A_1444 = arith.index_cast %swap3A_1442 : i32 to index
      %swap3A_1445 = arith.constant 48 : index
      %swap3A_1446 = tpu.vector_load %arg12[%swap3A_1443, %swap3A_1444, %swap3A_1445] {strides = array<i32>} : memref<8x1x256xf32, #tpu.memory_space<vmem>>, vector<16xf32>,
      tpu.vector_store %arg12[%swap3A_1443, %swap3A_1444, %swap3A_1445], %gather3A_1440 {strides = array<i32>} : memref<8x1x256xf32, #tpu.memory_space<vmem>>, vector<16xf32>,
      %add3A_1447 = arith.constant 4 : i32
      %add3A_1448 = vector.broadcast %add3A_1447 : i32 to vector<16xi32>
      %add3A_1449 = arith.addi %mul3A_1406, %add3A_1448 : vector<16xi32>
      %gather3A_1450 = tpu.vector_load_idx %arg13[%add3A_1449] : memref<1888xf32, #tpu.memory_space<vmem>>[vector<16xi32>], vector<16xf32>,
      %swap3A_1451 = arith.constant 4 : i32
      %swap3A_1452 = arith.constant 0 : i32
      %swap3A_1453 = arith.index_cast %swap3A_1451 : i32 to index
      %swap3A_1454 = arith.index_cast %swap3A_1452 : i32 to index
      %swap3A_1455 = arith.constant 48 : index
      %swap3A_1456 = tpu.vector_load %arg12[%swap3A_1453, %swap3A_1454, %swap3A_1455] {strides = array<i32>} : memref<8x1x256xf32, #tpu.memory_space<vmem>>, vector<16xf32>,
      tpu.vector_store %arg12[%swap3A_1453, %swap3A_1454, %swap3A_1455], %gather3A_1450 {strides = array<i32>} : memref<8x1x256xf32, #tpu.memory_space<vmem>>, vector<16xf32>,
      %add3A_1457 = arith.constant 5 : i32
      %add3A_1458 = vector.broadcast %add3A_1457 : i32 to vector<16xi32>
      %add3A_1459 = arith.addi %mul3A_1406, %add3A_1458 : vector<16xi32>
      %gather3A_1460 = tpu.vector_load_idx %arg13[%add3A_1459] : memref<1888xf32, #tpu.memory_space<vmem>>[vector<16xi32>], vector<16xf32>,
      %swap3A_1461 = arith.constant 5 : i32
      %swap3A_1462 = arith.constant 0 : i32
      %swap3A_1463 = arith.index_cast %swap3A_1461 : i32 to index
      %swap3A_1464 = arith.index_cast %swap3A_1462 : i32 to index
      %swap3A_1465 = arith.constant 48 : index
      %swap3A_1466 = tpu.vector_load %arg12[%swap3A_1463, %swap3A_1464, %swap3A_1465] {strides = array<i32>} : memref<8x1x256xf32, #tpu.memory_space<vmem>>, vector<16xf32>,
      tpu.vector_store %arg12[%swap3A_1463, %swap3A_1464, %swap3A_1465], %gather3A_1460 {strides = array<i32>} : memref<8x1x256xf32, #tpu.memory_space<vmem>>, vector<16xf32>,
      %get3A_1467 = arith.constant 0 : i32
      %get3A_1468 = arith.index_cast %get3A_1467 : i32 to index
      %get3A_1469 = arith.constant 320 : index
      %get3A_1470 = tpu.vector_load %arg8[%get3A_1468, %get3A_1469] {strides = array<i32>} : memref<1x512xi32, #tpu.memory_space<vmem>>, vector<16xi32>,
      %mul3A_1471 = arith.constant 8 : i32
      %mul3A_1472 = vector.broadcast %mul3A_1471 : i32 to vector<16xi32>
      %mul3A_1473 = arith.muli %get3A_1470, %mul3A_1472 : vector<16xi32>
      %add3A_1474 = arith.constant 0 : i32
      %add3A_1475 = vector.broadcast %add3A_1474 : i32 to vector<16xi32>
      %add3A_1476 = arith.addi %mul3A_1473, %add3A_1475 : vector<16xi32>
      %gather3A_1477 = tpu.vector_load_idx %arg13[%add3A_1476] : memref<1888xf32, #tpu.memory_space<vmem>>[vector<16xi32>], vector<16xf32>,
      %swap3A_1478 = arith.constant 0 : i32
      %swap3A_1479 = arith.constant 0 : i32
      %swap3A_1480 = arith.index_cast %swap3A_1478 : i32 to index
      %swap3A_1481 = arith.index_cast %swap3A_1479 : i32 to index
      %swap3A_1482 = arith.constant 64 : index
      %swap3A_1483 = tpu.vector_load %arg12[%swap3A_1480, %swap3A_1481, %swap3A_1482] {strides = array<i32>} : memref<8x1x256xf32, #tpu.memory_space<vmem>>, vector<16xf32>,
      tpu.vector_store %arg12[%swap3A_1480, %swap3A_1481, %swap3A_1482], %gather3A_1477 {strides = array<i32>} : memref<8x1x256xf32, #tpu.memory_space<vmem>>, vector<16xf32>,
      %add3A_1484 = arith.constant 1 : i32
      %add3A_1485 = vector.broadcast %add3A_1484 : i32 to vector<16xi32>
      %add3A_1486 = arith.addi %mul3A_1473, %add3A_1485 : vector<16xi32>
      %gather3A_1487 = tpu.vector_load_idx %arg13[%add3A_1486] : memref<1888xf32, #tpu.memory_space<vmem>>[vector<16xi32>], vector<16xf32>,
      %swap3A_1488 = arith.constant 1 : i32
      %swap3A_1489 = arith.constant 0 : i32
      %swap3A_1490 = arith.index_cast %swap3A_1488 : i32 to index
      %swap3A_1491 = arith.index_cast %swap3A_1489 : i32 to index
      %swap3A_1492 = arith.constant 64 : index
      %swap3A_1493 = tpu.vector_load %arg12[%swap3A_1490, %swap3A_1491, %swap3A_1492] {strides = array<i32>} : memref<8x1x256xf32, #tpu.memory_space<vmem>>, vector<16xf32>,
      tpu.vector_store %arg12[%swap3A_1490, %swap3A_1491, %swap3A_1492], %gather3A_1487 {strides = array<i32>} : memref<8x1x256xf32, #tpu.memory_space<vmem>>, vector<16xf32>,
      %add3A_1494 = arith.constant 2 : i32
      %add3A_1495 = vector.broadcast %add3A_1494 : i32 to vector<16xi32>
      %add3A_1496 = arith.addi %mul3A_1473, %add3A_1495 : vector<16xi32>
      %gather3A_1497 = tpu.vector_load_idx %arg13[%add3A_1496] : memref<1888xf32, #tpu.memory_space<vmem>>[vector<16xi32>], vector<16xf32>,
      %swap3A_1498 = arith.constant 2 : i32
      %swap3A_1499 = arith.constant 0 : i32
      %swap3A_1500 = arith.index_cast %swap3A_1498 : i32 to index
      %swap3A_1501 = arith.index_cast %swap3A_1499 : i32 to index
      %swap3A_1502 = arith.constant 64 : index
      %swap3A_1503 = tpu.vector_load %arg12[%swap3A_1500, %swap3A_1501, %swap3A_1502] {strides = array<i32>} : memref<8x1x256xf32, #tpu.memory_space<vmem>>, vector<16xf32>,
      tpu.vector_store %arg12[%swap3A_1500, %swap3A_1501, %swap3A_1502], %gather3A_1497 {strides = array<i32>} : memref<8x1x256xf32, #tpu.memory_space<vmem>>, vector<16xf32>,
      %add3A_1504 = arith.constant 3 : i32
      %add3A_1505 = vector.broadcast %add3A_1504 : i32 to vector<16xi32>
      %add3A_1506 = arith.addi %mul3A_1473, %add3A_1505 : vector<16xi32>
      %gather3A_1507 = tpu.vector_load_idx %arg13[%add3A_1506] : memref<1888xf32, #tpu.memory_space<vmem>>[vector<16xi32>], vector<16xf32>,
      %swap3A_1508 = arith.constant 3 : i32
      %swap3A_1509 = arith.constant 0 : i32
      %swap3A_1510 = arith.index_cast %swap3A_1508 : i32 to index
      %swap3A_1511 = arith.index_cast %swap3A_1509 : i32 to index
      %swap3A_1512 = arith.constant 64 : index
      %swap3A_1513 = tpu.vector_load %arg12[%swap3A_1510, %swap3A_1511, %swap3A_1512] {strides = array<i32>} : memref<8x1x256xf32, #tpu.memory_space<vmem>>, vector<16xf32>,
      tpu.vector_store %arg12[%swap3A_1510, %swap3A_1511, %swap3A_1512], %gather3A_1507 {strides = array<i32>} : memref<8x1x256xf32, #tpu.memory_space<vmem>>, vector<16xf32>,
      %add3A_1514 = arith.constant 4 : i32
      %add3A_1515 = vector.broadcast %add3A_1514 : i32 to vector<16xi32>
      %add3A_1516 = arith.addi %mul3A_1473, %add3A_1515 : vector<16xi32>
      %gather3A_1517 = tpu.vector_load_idx %arg13[%add3A_1516] : memref<1888xf32, #tpu.memory_space<vmem>>[vector<16xi32>], vector<16xf32>,
      %swap3A_1518 = arith.constant 4 : i32
      %swap3A_1519 = arith.constant 0 : i32
      %swap3A_1520 = arith.index_cast %swap3A_1518 : i32 to index
      %swap3A_1521 = arith.index_cast %swap3A_1519 : i32 to index
      %swap3A_1522 = arith.constant 64 : index
      %swap3A_1523 = tpu.vector_load %arg12[%swap3A_1520, %swap3A_1521, %swap3A_1522] {strides = array<i32>} : memref<8x1x256xf32, #tpu.memory_space<vmem>>, vector<16xf32>,
      tpu.vector_store %arg12[%swap3A_1520, %swap3A_1521, %swap3A_1522], %gather3A_1517 {strides = array<i32>} : memref<8x1x256xf32, #tpu.memory_space<vmem>>, vector<16xf32>,
      %add3A_1524 = arith.constant 5 : i32
      %add3A_1525 = vector.broadcast %add3A_1524 : i32 to vector<16xi32>
      %add3A_1526 = arith.addi %mul3A_1473, %add3A_1525 : vector<16xi32>
      %gather3A_1527 = tpu.vector_load_idx %arg13[%add3A_1526] : memref<1888xf32, #tpu.memory_space<vmem>>[vector<16xi32>], vector<16xf32>,
      %swap3A_1528 = arith.constant 5 : i32
      %swap3A_1529 = arith.constant 0 : i32
      %swap3A_1530 = arith.index_cast %swap3A_1528 : i32 to index
      %swap3A_1531 = arith.index_cast %swap3A_1529 : i32 to index
      %swap3A_1532 = arith.constant 64 : index
      %swap3A_1533 = tpu.vector_load %arg12[%swap3A_1530, %swap3A_1531, %swap3A_1532] {strides = array<i32>} : memref<8x1x256xf32, #tpu.memory_space<vmem>>, vector<16xf32>,
      tpu.vector_store %arg12[%swap3A_1530, %swap3A_1531, %swap3A_1532], %gather3A_1527 {strides = array<i32>} : memref<8x1x256xf32, #tpu.memory_space<vmem>>, vector<16xf32>,
      %get3A_1534 = arith.constant 0 : i32
      %get3A_1535 = arith.index_cast %get3A_1534 : i32 to index
      %get3A_1536 = arith.constant 336 : index
      %get3A_1537 = tpu.vector_load %arg8[%get3A_1535, %get3A_1536] {strides = array<i32>} : memref<1x512xi32, #tpu.memory_space<vmem>>, vector<16xi32>,
      %mul3A_1538 = arith.constant 8 : i32
      %mul3A_1539 = vector.broadcast %mul3A_1538 : i32 to vector<16xi32>
      %mul3A_1540 = arith.muli %get3A_1537, %mul3A_1539 : vector<16xi32>
      %add3A_1541 = arith.constant 0 : i32
      %add3A_1542 = vector.broadcast %add3A_1541 : i32 to vector<16xi32>
      %add3A_1543 = arith.addi %mul3A_1540, %add3A_1542 : vector<16xi32>
      %gather3A_1544 = tpu.vector_load_idx %arg13[%add3A_1543] : memref<1888xf32, #tpu.memory_space<vmem>>[vector<16xi32>], vector<16xf32>,
      %swap3A_1545 = arith.constant 0 : i32
      %swap3A_1546 = arith.constant 0 : i32
      %swap3A_1547 = arith.index_cast %swap3A_1545 : i32 to index
      %swap3A_1548 = arith.index_cast %swap3A_1546 : i32 to index
      %swap3A_1549 = arith.constant 80 : index
      %swap3A_1550 = tpu.vector_load %arg12[%swap3A_1547, %swap3A_1548, %swap3A_1549] {strides = array<i32>} : memref<8x1x256xf32, #tpu.memory_space<vmem>>, vector<16xf32>,
      tpu.vector_store %arg12[%swap3A_1547, %swap3A_1548, %swap3A_1549], %gather3A_1544 {strides = array<i32>} : memref<8x1x256xf32, #tpu.memory_space<vmem>>, vector<16xf32>,
      %add3A_1551 = arith.constant 1 : i32
      %add3A_1552 = vector.broadcast %add3A_1551 : i32 to vector<16xi32>
      %add3A_1553 = arith.addi %mul3A_1540, %add3A_1552 : vector<16xi32>
      %gather3A_1554 = tpu.vector_load_idx %arg13[%add3A_1553] : memref<1888xf32, #tpu.memory_space<vmem>>[vector<16xi32>], vector<16xf32>,
      %swap3A_1555 = arith.constant 1 : i32
      %swap3A_1556 = arith.constant 0 : i32
      %swap3A_1557 = arith.index_cast %swap3A_1555 : i32 to index
      %swap3A_1558 = arith.index_cast %swap3A_1556 : i32 to index
      %swap3A_1559 = arith.constant 80 : index
      %swap3A_1560 = tpu.vector_load %arg12[%swap3A_1557, %swap3A_1558, %swap3A_1559] {strides = array<i32>} : memref<8x1x256xf32, #tpu.memory_space<vmem>>, vector<16xf32>,
      tpu.vector_store %arg12[%swap3A_1557, %swap3A_1558, %swap3A_1559], %gather3A_1554 {strides = array<i32>} : memref<8x1x256xf32, #tpu.memory_space<vmem>>, vector<16xf32>,
      %add3A_1561 = arith.constant 2 : i32
      %add3A_1562 = vector.broadcast %add3A_1561 : i32 to vector<16xi32>
      %add3A_1563 = arith.addi %mul3A_1540, %add3A_1562 : vector<16xi32>
      %gather3A_1564 = tpu.vector_load_idx %arg13[%add3A_1563] : memref<1888xf32, #tpu.memory_space<vmem>>[vector<16xi32>], vector<16xf32>,
      %swap3A_1565 = arith.constant 2 : i32
      %swap3A_1566 = arith.constant 0 : i32
      %swap3A_1567 = arith.index_cast %swap3A_1565 : i32 to index
      %swap3A_1568 = arith.index_cast %swap3A_1566 : i32 to index
      %swap3A_1569 = arith.constant 80 : index
      %swap3A_1570 = tpu.vector_load %arg12[%swap3A_1567, %swap3A_1568, %swap3A_1569] {strides = array<i32>} : memref<8x1x256xf32, #tpu.memory_space<vmem>>, vector<16xf32>,
      tpu.vector_store %arg12[%swap3A_1567, %swap3A_1568, %swap3A_1569], %gather3A_1564 {strides = array<i32>} : memref<8x1x256xf32, #tpu.memory_space<vmem>>, vector<16xf32>,
      %add3A_1571 = arith.constant 3 : i32
      %add3A_1572 = vector.broadcast %add3A_1571 : i32 to vector<16xi32>
      %add3A_1573 = arith.addi %mul3A_1540, %add3A_1572 : vector<16xi32>
      %gather3A_1574 = tpu.vector_load_idx %arg13[%add3A_1573] : memref<1888xf32, #tpu.memory_space<vmem>>[vector<16xi32>], vector<16xf32>,
      %swap3A_1575 = arith.constant 3 : i32
      %swap3A_1576 = arith.constant 0 : i32
      %swap3A_1577 = arith.index_cast %swap3A_1575 : i32 to index
      %swap3A_1578 = arith.index_cast %swap3A_1576 : i32 to index
      %swap3A_1579 = arith.constant 80 : index
      %swap3A_1580 = tpu.vector_load %arg12[%swap3A_1577, %swap3A_1578, %swap3A_1579] {strides = array<i32>} : memref<8x1x256xf32, #tpu.memory_space<vmem>>, vector<16xf32>,
      tpu.vector_store %arg12[%swap3A_1577, %swap3A_1578, %swap3A_1579], %gather3A_1574 {strides = array<i32>} : memref<8x1x256xf32, #tpu.memory_space<vmem>>, vector<16xf32>,
      %add3A_1581 = arith.constant 4 : i32
      %add3A_1582 = vector.broadcast %add3A_1581 : i32 to vector<16xi32>
      %add3A_1583 = arith.addi %mul3A_1540, %add3A_1582 : vector<16xi32>
      %gather3A_1584 = tpu.vector_load_idx %arg13[%add3A_1583] : memref<1888xf32, #tpu.memory_space<vmem>>[vector<16xi32>], vector<16xf32>,
      %swap3A_1585 = arith.constant 4 : i32
      %swap3A_1586 = arith.constant 0 : i32
      %swap3A_1587 = arith.index_cast %swap3A_1585 : i32 to index
      %swap3A_1588 = arith.index_cast %swap3A_1586 : i32 to index
      %swap3A_1589 = arith.constant 80 : index
      %swap3A_1590 = tpu.vector_load %arg12[%swap3A_1587, %swap3A_1588, %swap3A_1589] {strides = array<i32>} : memref<8x1x256xf32, #tpu.memory_space<vmem>>, vector<16xf32>,
      tpu.vector_store %arg12[%swap3A_1587, %swap3A_1588, %swap3A_1589], %gather3A_1584 {strides = array<i32>} : memref<8x1x256xf32, #tpu.memory_space<vmem>>, vector<16xf32>,
      %add3A_1591 = arith.constant 5 : i32
      %add3A_1592 = vector.broadcast %add3A_1591 : i32 to vector<16xi32>
      %add3A_1593 = arith.addi %mul3A_1540, %add3A_1592 : vector<16xi32>
      %gather3A_1594 = tpu.vector_load_idx %arg13[%add3A_1593] : memref<1888xf32, #tpu.memory_space<vmem>>[vector<16xi32>], vector<16xf32>,
      %swap3A_1595 = arith.constant 5 : i32
      %swap3A_1596 = arith.constant 0 : i32
      %swap3A_1597 = arith.index_cast %swap3A_1595 : i32 to index
      %swap3A_1598 = arith.index_cast %swap3A_1596 : i32 to index
      %swap3A_1599 = arith.constant 80 : index
      %swap3A_1600 = tpu.vector_load %arg12[%swap3A_1597, %swap3A_1598, %swap3A_1599] {strides = array<i32>} : memref<8x1x256xf32, #tpu.memory_space<vmem>>, vector<16xf32>,
      tpu.vector_store %arg12[%swap3A_1597, %swap3A_1598, %swap3A_1599], %gather3A_1594 {strides = array<i32>} : memref<8x1x256xf32, #tpu.memory_space<vmem>>, vector<16xf32>,
      %get3A_1601 = arith.constant 0 : i32
      %get3A_1602 = arith.index_cast %get3A_1601 : i32 to index
      %get3A_1603 = arith.constant 352 : index
      %get3A_1604 = tpu.vector_load %arg8[%get3A_1602, %get3A_1603] {strides = array<i32>} : memref<1x512xi32, #tpu.memory_space<vmem>>, vector<16xi32>,
      %mul3A_1605 = arith.constant 8 : i32
      %mul3A_1606 = vector.broadcast %mul3A_1605 : i32 to vector<16xi32>
      %mul3A_1607 = arith.muli %get3A_1604, %mul3A_1606 : vector<16xi32>
      %add3A_1608 = arith.constant 0 : i32
      %add3A_1609 = vector.broadcast %add3A_1608 : i32 to vector<16xi32>
      %add3A_1610 = arith.addi %mul3A_1607, %add3A_1609 : vector<16xi32>
      %gather3A_1611 = tpu.vector_load_idx %arg13[%add3A_1610] : memref<1888xf32, #tpu.memory_space<vmem>>[vector<16xi32>], vector<16xf32>,
      %swap3A_1612 = arith.constant 0 : i32
      %swap3A_1613 = arith.constant 0 : i32
      %swap3A_1614 = arith.index_cast %swap3A_1612 : i32 to index
      %swap3A_1615 = arith.index_cast %swap3A_1613 : i32 to index
      %swap3A_1616 = arith.constant 96 : index
      %swap3A_1617 = tpu.vector_load %arg12[%swap3A_1614, %swap3A_1615, %swap3A_1616] {strides = array<i32>} : memref<8x1x256xf32, #tpu.memory_space<vmem>>, vector<16xf32>,
      tpu.vector_store %arg12[%swap3A_1614, %swap3A_1615, %swap3A_1616], %gather3A_1611 {strides = array<i32>} : memref<8x1x256xf32, #tpu.memory_space<vmem>>, vector<16xf32>,
      %add3A_1618 = arith.constant 1 : i32
      %add3A_1619 = vector.broadcast %add3A_1618 : i32 to vector<16xi32>
      %add3A_1620 = arith.addi %mul3A_1607, %add3A_1619 : vector<16xi32>
      %gather3A_1621 = tpu.vector_load_idx %arg13[%add3A_1620] : memref<1888xf32, #tpu.memory_space<vmem>>[vector<16xi32>], vector<16xf32>,
      %swap3A_1622 = arith.constant 1 : i32
      %swap3A_1623 = arith.constant 0 : i32
      %swap3A_1624 = arith.index_cast %swap3A_1622 : i32 to index
      %swap3A_1625 = arith.index_cast %swap3A_1623 : i32 to index
      %swap3A_1626 = arith.constant 96 : index
      %swap3A_1627 = tpu.vector_load %arg12[%swap3A_1624, %swap3A_1625, %swap3A_1626] {strides = array<i32>} : memref<8x1x256xf32, #tpu.memory_space<vmem>>, vector<16xf32>,
      tpu.vector_store %arg12[%swap3A_1624, %swap3A_1625, %swap3A_1626], %gather3A_1621 {strides = array<i32>} : memref<8x1x256xf32, #tpu.memory_space<vmem>>, vector<16xf32>,
      %add3A_1628 = arith.constant 2 : i32
      %add3A_1629 = vector.broadcast %add3A_1628 : i32 to vector<16xi32>
      %add3A_1630 = arith.addi %mul3A_1607, %add3A_1629 : vector<16xi32>
      %gather3A_1631 = tpu.vector_load_idx %arg13[%add3A_1630] : memref<1888xf32, #tpu.memory_space<vmem>>[vector<16xi32>], vector<16xf32>,
      %swap3A_1632 = arith.constant 2 : i32
      %swap3A_1633 = arith.constant 0 : i32
      %swap3A_1634 = arith.index_cast %swap3A_1632 : i32 to index
      %swap3A_1635 = arith.index_cast %swap3A_1633 : i32 to index
      %swap3A_1636 = arith.constant 96 : index
      %swap3A_1637 = tpu.vector_load %arg12[%swap3A_1634, %swap3A_1635, %swap3A_1636] {strides = array<i32>} : memref<8x1x256xf32, #tpu.memory_space<vmem>>, vector<16xf32>,
      tpu.vector_store %arg12[%swap3A_1634, %swap3A_1635, %swap3A_1636], %gather3A_1631 {strides = array<i32>} : memref<8x1x256xf32, #tpu.memory_space<vmem>>, vector<16xf32>,
      %add3A_1638 = arith.constant 3 : i32
      %add3A_1639 = vector.broadcast %add3A_1638 : i32 to vector<16xi32>
      %add3A_1640 = arith.addi %mul3A_1607, %add3A_1639 : vector<16xi32>
      %gather3A_1641 = tpu.vector_load_idx %arg13[%add3A_1640] : memref<1888xf32, #tpu.memory_space<vmem>>[vector<16xi32>], vector<16xf32>,
      %swap3A_1642 = arith.constant 3 : i32
      %swap3A_1643 = arith.constant 0 : i32
      %swap3A_1644 = arith.index_cast %swap3A_1642 : i32 to index
      %swap3A_1645 = arith.index_cast %swap3A_1643 : i32 to index
      %swap3A_1646 = arith.constant 96 : index
      %swap3A_1647 = tpu.vector_load %arg12[%swap3A_1644, %swap3A_1645, %swap3A_1646] {strides = array<i32>} : memref<8x1x256xf32, #tpu.memory_space<vmem>>, vector<16xf32>,
      tpu.vector_store %arg12[%swap3A_1644, %swap3A_1645, %swap3A_1646], %gather3A_1641 {strides = array<i32>} : memref<8x1x256xf32, #tpu.memory_space<vmem>>, vector<16xf32>,
      %add3A_1648 = arith.constant 4 : i32
      %add3A_1649 = vector.broadcast %add3A_1648 : i32 to vector<16xi32>
      %add3A_1650 = arith.addi %mul3A_1607, %add3A_1649 : vector<16xi32>
      %gather3A_1651 = tpu.vector_load_idx %arg13[%add3A_1650] : memref<1888xf32, #tpu.memory_space<vmem>>[vector<16xi32>], vector<16xf32>,
      %swap3A_1652 = arith.constant 4 : i32
      %swap3A_1653 = arith.constant 0 : i32
      %swap3A_1654 = arith.index_cast %swap3A_1652 : i32 to index
      %swap3A_1655 = arith.index_cast %swap3A_1653 : i32 to index
      %swap3A_1656 = arith.constant 96 : index
      %swap3A_1657 = tpu.vector_load %arg12[%swap3A_1654, %swap3A_1655, %swap3A_1656] {strides = array<i32>} : memref<8x1x256xf32, #tpu.memory_space<vmem>>, vector<16xf32>,
      tpu.vector_store %arg12[%swap3A_1654, %swap3A_1655, %swap3A_1656], %gather3A_1651 {strides = array<i32>} : memref<8x1x256xf32, #tpu.memory_space<vmem>>, vector<16xf32>,
      %add3A_1658 = arith.constant 5 : i32
      %add3A_1659 = vector.broadcast %add3A_1658 : i32 to vector<16xi32>
      %add3A_1660 = arith.addi %mul3A_1607, %add3A_1659 : vector<16xi32>
      %gather3A_1661 = tpu.vector_load_idx %arg13[%add3A_1660] : memref<1888xf32, #tpu.memory_space<vmem>>[vector<16xi32>], vector<16xf32>,
      %swap3A_1662 = arith.constant 5 : i32
      %swap3A_1663 = arith.constant 0 : i32
      %swap3A_1664 = arith.index_cast %swap3A_1662 : i32 to index
      %swap3A_1665 = arith.index_cast %swap3A_1663 : i32 to index
      %swap3A_1666 = arith.constant 96 : index
      %swap3A_1667 = tpu.vector_load %arg12[%swap3A_1664, %swap3A_1665, %swap3A_1666] {strides = array<i32>} : memref<8x1x256xf32, #tpu.memory_space<vmem>>, vector<16xf32>,
      tpu.vector_store %arg12[%swap3A_1664, %swap3A_1665, %swap3A_1666], %gather3A_1661 {strides = array<i32>} : memref<8x1x256xf32, #tpu.memory_space<vmem>>, vector<16xf32>,
      %get3A_1668 = arith.constant 0 : i32
      %get3A_1669 = arith.index_cast %get3A_1668 : i32 to index
      %get3A_1670 = arith.constant 368 : index
      %get3A_1671 = tpu.vector_load %arg8[%get3A_1669, %get3A_1670] {strides = array<i32>} : memref<1x512xi32, #tpu.memory_space<vmem>>, vector<16xi32>,
      %mul3A_1672 = arith.constant 8 : i32
      %mul3A_1673 = vector.broadcast %mul3A_1672 : i32 to vector<16xi32>
      %mul3A_1674 = arith.muli %get3A_1671, %mul3A_1673 : vector<16xi32>
      %add3A_1675 = arith.constant 0 : i32
      %add3A_1676 = vector.broadcast %add3A_1675 : i32 to vector<16xi32>
      %add3A_1677 = arith.addi %mul3A_1674, %add3A_1676 : vector<16xi32>
      %gather3A_1678 = tpu.vector_load_idx %arg13[%add3A_1677] : memref<1888xf32, #tpu.memory_space<vmem>>[vector<16xi32>], vector<16xf32>,
      %swap3A_1679 = arith.constant 0 : i32
      %swap3A_1680 = arith.constant 0 : i32
      %swap3A_1681 = arith.index_cast %swap3A_1679 : i32 to index
      %swap3A_1682 = arith.index_cast %swap3A_1680 : i32 to index
      %swap3A_1683 = arith.constant 112 : index
      %swap3A_1684 = tpu.vector_load %arg12[%swap3A_1681, %swap3A_1682, %swap3A_1683] {strides = array<i32>} : memref<8x1x256xf32, #tpu.memory_space<vmem>>, vector<16xf32>,
      tpu.vector_store %arg12[%swap3A_1681, %swap3A_1682, %swap3A_1683], %gather3A_1678 {strides = array<i32>} : memref<8x1x256xf32, #tpu.memory_space<vmem>>, vector<16xf32>,
      %add3A_1685 = arith.constant 1 : i32
      %add3A_1686 = vector.broadcast %add3A_1685 : i32 to vector<16xi32>
      %add3A_1687 = arith.addi %mul3A_1674, %add3A_1686 : vector<16xi32>
      %gather3A_1688 = tpu.vector_load_idx %arg13[%add3A_1687] : memref<1888xf32, #tpu.memory_space<vmem>>[vector<16xi32>], vector<16xf32>,
      %swap3A_1689 = arith.constant 1 : i32
      %swap3A_1690 = arith.constant 0 : i32
      %swap3A_1691 = arith.index_cast %swap3A_1689 : i32 to index
      %swap3A_1692 = arith.index_cast %swap3A_1690 : i32 to index
      %swap3A_1693 = arith.constant 112 : index
      %swap3A_1694 = tpu.vector_load %arg12[%swap3A_1691, %swap3A_1692, %swap3A_1693] {strides = array<i32>} : memref<8x1x256xf32, #tpu.memory_space<vmem>>, vector<16xf32>,
      tpu.vector_store %arg12[%swap3A_1691, %swap3A_1692, %swap3A_1693], %gather3A_1688 {strides = array<i32>} : memref<8x1x256xf32, #tpu.memory_space<vmem>>, vector<16xf32>,
      %add3A_1695 = arith.constant 2 : i32
      %add3A_1696 = vector.broadcast %add3A_1695 : i32 to vector<16xi32>
      %add3A_1697 = arith.addi %mul3A_1674, %add3A_1696 : vector<16xi32>
      %gather3A_1698 = tpu.vector_load_idx %arg13[%add3A_1697] : memref<1888xf32, #tpu.memory_space<vmem>>[vector<16xi32>], vector<16xf32>,
      %swap3A_1699 = arith.constant 2 : i32
      %swap3A_1700 = arith.constant 0 : i32
      %swap3A_1701 = arith.index_cast %swap3A_1699 : i32 to index
      %swap3A_1702 = arith.index_cast %swap3A_1700 : i32 to index
      %swap3A_1703 = arith.constant 112 : index
      %swap3A_1704 = tpu.vector_load %arg12[%swap3A_1701, %swap3A_1702, %swap3A_1703] {strides = array<i32>} : memref<8x1x256xf32, #tpu.memory_space<vmem>>, vector<16xf32>,
      tpu.vector_store %arg12[%swap3A_1701, %swap3A_1702, %swap3A_1703], %gather3A_1698 {strides = array<i32>} : memref<8x1x256xf32, #tpu.memory_space<vmem>>, vector<16xf32>,
      %add3A_1705 = arith.constant 3 : i32
      %add3A_1706 = vector.broadcast %add3A_1705 : i32 to vector<16xi32>
      %add3A_1707 = arith.addi %mul3A_1674, %add3A_1706 : vector<16xi32>
      %gather3A_1708 = tpu.vector_load_idx %arg13[%add3A_1707] : memref<1888xf32, #tpu.memory_space<vmem>>[vector<16xi32>], vector<16xf32>,
      %swap3A_1709 = arith.constant 3 : i32
      %swap3A_1710 = arith.constant 0 : i32
      %swap3A_1711 = arith.index_cast %swap3A_1709 : i32 to index
      %swap3A_1712 = arith.index_cast %swap3A_1710 : i32 to index
      %swap3A_1713 = arith.constant 112 : index
      %swap3A_1714 = tpu.vector_load %arg12[%swap3A_1711, %swap3A_1712, %swap3A_1713] {strides = array<i32>} : memref<8x1x256xf32, #tpu.memory_space<vmem>>, vector<16xf32>,
      tpu.vector_store %arg12[%swap3A_1711, %swap3A_1712, %swap3A_1713], %gather3A_1708 {strides = array<i32>} : memref<8x1x256xf32, #tpu.memory_space<vmem>>, vector<16xf32>,
      %add3A_1715 = arith.constant 4 : i32
      %add3A_1716 = vector.broadcast %add3A_1715 : i32 to vector<16xi32>
      %add3A_1717 = arith.addi %mul3A_1674, %add3A_1716 : vector<16xi32>
      %gather3A_1718 = tpu.vector_load_idx %arg13[%add3A_1717] : memref<1888xf32, #tpu.memory_space<vmem>>[vector<16xi32>], vector<16xf32>,
      %swap3A_1719 = arith.constant 4 : i32
      %swap3A_1720 = arith.constant 0 : i32
      %swap3A_1721 = arith.index_cast %swap3A_1719 : i32 to index
      %swap3A_1722 = arith.index_cast %swap3A_1720 : i32 to index
      %swap3A_1723 = arith.constant 112 : index
      %swap3A_1724 = tpu.vector_load %arg12[%swap3A_1721, %swap3A_1722, %swap3A_1723] {strides = array<i32>} : memref<8x1x256xf32, #tpu.memory_space<vmem>>, vector<16xf32>,
      tpu.vector_store %arg12[%swap3A_1721, %swap3A_1722, %swap3A_1723], %gather3A_1718 {strides = array<i32>} : memref<8x1x256xf32, #tpu.memory_space<vmem>>, vector<16xf32>,
      %add3A_1725 = arith.constant 5 : i32
      %add3A_1726 = vector.broadcast %add3A_1725 : i32 to vector<16xi32>
      %add3A_1727 = arith.addi %mul3A_1674, %add3A_1726 : vector<16xi32>
      %gather3A_1728 = tpu.vector_load_idx %arg13[%add3A_1727] : memref<1888xf32, #tpu.memory_space<vmem>>[vector<16xi32>], vector<16xf32>,
      %swap3A_1729 = arith.constant 5 : i32
      %swap3A_1730 = arith.constant 0 : i32
      %swap3A_1731 = arith.index_cast %swap3A_1729 : i32 to index
      %swap3A_1732 = arith.index_cast %swap3A_1730 : i32 to index
      %swap3A_1733 = arith.constant 112 : index
      %swap3A_1734 = tpu.vector_load %arg12[%swap3A_1731, %swap3A_1732, %swap3A_1733] {strides = array<i32>} : memref<8x1x256xf32, #tpu.memory_space<vmem>>, vector<16xf32>,
      tpu.vector_store %arg12[%swap3A_1731, %swap3A_1732, %swap3A_1733], %gather3A_1728 {strides = array<i32>} : memref<8x1x256xf32, #tpu.memory_space<vmem>>, vector<16xf32>,
      %get3A_1735 = arith.constant 0 : i32
      %get3A_1736 = arith.index_cast %get3A_1735 : i32 to index
      %get3A_1737 = arith.constant 384 : index
      %get3A_1738 = tpu.vector_load %arg8[%get3A_1736, %get3A_1737] {strides = array<i32>} : memref<1x512xi32, #tpu.memory_space<vmem>>, vector<16xi32>,
      %mul3A_1739 = arith.constant 8 : i32
      %mul3A_1740 = vector.broadcast %mul3A_1739 : i32 to vector<16xi32>
      %mul3A_1741 = arith.muli %get3A_1738, %mul3A_1740 : vector<16xi32>
      %add3A_1742 = arith.constant 0 : i32
      %add3A_1743 = vector.broadcast %add3A_1742 : i32 to vector<16xi32>
      %add3A_1744 = arith.addi %mul3A_1741, %add3A_1743 : vector<16xi32>
      %gather3A_1745 = tpu.vector_load_idx %arg13[%add3A_1744] : memref<1888xf32, #tpu.memory_space<vmem>>[vector<16xi32>], vector<16xf32>,
      %swap3A_1746 = arith.constant 0 : i32
      %swap3A_1747 = arith.constant 0 : i32
      %swap3A_1748 = arith.index_cast %swap3A_1746 : i32 to index
      %swap3A_1749 = arith.index_cast %swap3A_1747 : i32 to index
      %swap3A_1750 = arith.constant 128 : index
      %swap3A_1751 = tpu.vector_load %arg12[%swap3A_1748, %swap3A_1749, %swap3A_1750] {strides = array<i32>} : memref<8x1x256xf32, #tpu.memory_space<vmem>>, vector<16xf32>,
      tpu.vector_store %arg12[%swap3A_1748, %swap3A_1749, %swap3A_1750], %gather3A_1745 {strides = array<i32>} : memref<8x1x256xf32, #tpu.memory_space<vmem>>, vector<16xf32>,
      %add3A_1752 = arith.constant 1 : i32
      %add3A_1753 = vector.broadcast %add3A_1752 : i32 to vector<16xi32>
      %add3A_1754 = arith.addi %mul3A_1741, %add3A_1753 : vector<16xi32>
      %gather3A_1755 = tpu.vector_load_idx %arg13[%add3A_1754] : memref<1888xf32, #tpu.memory_space<vmem>>[vector<16xi32>], vector<16xf32>,
      %swap3A_1756 = arith.constant 1 : i32
      %swap3A_1757 = arith.constant 0 : i32
      %swap3A_1758 = arith.index_cast %swap3A_1756 : i32 to index
      %swap3A_1759 = arith.index_cast %swap3A_1757 : i32 to index
      %swap3A_1760 = arith.constant 128 : index
      %swap3A_1761 = tpu.vector_load %arg12[%swap3A_1758, %swap3A_1759, %swap3A_1760] {strides = array<i32>} : memref<8x1x256xf32, #tpu.memory_space<vmem>>, vector<16xf32>,
      tpu.vector_store %arg12[%swap3A_1758, %swap3A_1759, %swap3A_1760], %gather3A_1755 {strides = array<i32>} : memref<8x1x256xf32, #tpu.memory_space<vmem>>, vector<16xf32>,
      %add3A_1762 = arith.constant 2 : i32
      %add3A_1763 = vector.broadcast %add3A_1762 : i32 to vector<16xi32>
      %add3A_1764 = arith.addi %mul3A_1741, %add3A_1763 : vector<16xi32>
      %gather3A_1765 = tpu.vector_load_idx %arg13[%add3A_1764] : memref<1888xf32, #tpu.memory_space<vmem>>[vector<16xi32>], vector<16xf32>,
      %swap3A_1766 = arith.constant 2 : i32
      %swap3A_1767 = arith.constant 0 : i32
      %swap3A_1768 = arith.index_cast %swap3A_1766 : i32 to index
      %swap3A_1769 = arith.index_cast %swap3A_1767 : i32 to index
      %swap3A_1770 = arith.constant 128 : index
      %swap3A_1771 = tpu.vector_load %arg12[%swap3A_1768, %swap3A_1769, %swap3A_1770] {strides = array<i32>} : memref<8x1x256xf32, #tpu.memory_space<vmem>>, vector<16xf32>,
      tpu.vector_store %arg12[%swap3A_1768, %swap3A_1769, %swap3A_1770], %gather3A_1765 {strides = array<i32>} : memref<8x1x256xf32, #tpu.memory_space<vmem>>, vector<16xf32>,
      %add3A_1772 = arith.constant 3 : i32
      %add3A_1773 = vector.broadcast %add3A_1772 : i32 to vector<16xi32>
      %add3A_1774 = arith.addi %mul3A_1741, %add3A_1773 : vector<16xi32>
      %gather3A_1775 = tpu.vector_load_idx %arg13[%add3A_1774] : memref<1888xf32, #tpu.memory_space<vmem>>[vector<16xi32>], vector<16xf32>,
      %swap3A_1776 = arith.constant 3 : i32
      %swap3A_1777 = arith.constant 0 : i32
      %swap3A_1778 = arith.index_cast %swap3A_1776 : i32 to index
      %swap3A_1779 = arith.index_cast %swap3A_1777 : i32 to index
      %swap3A_1780 = arith.constant 128 : index
      %swap3A_1781 = tpu.vector_load %arg12[%swap3A_1778, %swap3A_1779, %swap3A_1780] {strides = array<i32>} : memref<8x1x256xf32, #tpu.memory_space<vmem>>, vector<16xf32>,
      tpu.vector_store %arg12[%swap3A_1778, %swap3A_1779, %swap3A_1780], %gather3A_1775 {strides = array<i32>} : memref<8x1x256xf32, #tpu.memory_space<vmem>>, vector<16xf32>,
      %add3A_1782 = arith.constant 4 : i32
      %add3A_1783 = vector.broadcast %add3A_1782 : i32 to vector<16xi32>
      %add3A_1784 = arith.addi %mul3A_1741, %add3A_1783 : vector<16xi32>
      %gather3A_1785 = tpu.vector_load_idx %arg13[%add3A_1784] : memref<1888xf32, #tpu.memory_space<vmem>>[vector<16xi32>], vector<16xf32>,
      %swap3A_1786 = arith.constant 4 : i32
      %swap3A_1787 = arith.constant 0 : i32
      %swap3A_1788 = arith.index_cast %swap3A_1786 : i32 to index
      %swap3A_1789 = arith.index_cast %swap3A_1787 : i32 to index
      %swap3A_1790 = arith.constant 128 : index
      %swap3A_1791 = tpu.vector_load %arg12[%swap3A_1788, %swap3A_1789, %swap3A_1790] {strides = array<i32>} : memref<8x1x256xf32, #tpu.memory_space<vmem>>, vector<16xf32>,
      tpu.vector_store %arg12[%swap3A_1788, %swap3A_1789, %swap3A_1790], %gather3A_1785 {strides = array<i32>} : memref<8x1x256xf32, #tpu.memory_space<vmem>>, vector<16xf32>,
      %add3A_1792 = arith.constant 5 : i32
      %add3A_1793 = vector.broadcast %add3A_1792 : i32 to vector<16xi32>
      %add3A_1794 = arith.addi %mul3A_1741, %add3A_1793 : vector<16xi32>
      %gather3A_1795 = tpu.vector_load_idx %arg13[%add3A_1794] : memref<1888xf32, #tpu.memory_space<vmem>>[vector<16xi32>], vector<16xf32>,
      %swap3A_1796 = arith.constant 5 : i32
      %swap3A_1797 = arith.constant 0 : i32
      %swap3A_1798 = arith.index_cast %swap3A_1796 : i32 to index
      %swap3A_1799 = arith.index_cast %swap3A_1797 : i32 to index
      %swap3A_1800 = arith.constant 128 : index
      %swap3A_1801 = tpu.vector_load %arg12[%swap3A_1798, %swap3A_1799, %swap3A_1800] {strides = array<i32>} : memref<8x1x256xf32, #tpu.memory_space<vmem>>, vector<16xf32>,
      tpu.vector_store %arg12[%swap3A_1798, %swap3A_1799, %swap3A_1800], %gather3A_1795 {strides = array<i32>} : memref<8x1x256xf32, #tpu.memory_space<vmem>>, vector<16xf32>,
      %get3A_1802 = arith.constant 0 : i32
      %get3A_1803 = arith.index_cast %get3A_1802 : i32 to index
      %get3A_1804 = arith.constant 400 : index
      %get3A_1805 = tpu.vector_load %arg8[%get3A_1803, %get3A_1804] {strides = array<i32>} : memref<1x512xi32, #tpu.memory_space<vmem>>, vector<16xi32>,
      %mul3A_1806 = arith.constant 8 : i32
      %mul3A_1807 = vector.broadcast %mul3A_1806 : i32 to vector<16xi32>
      %mul3A_1808 = arith.muli %get3A_1805, %mul3A_1807 : vector<16xi32>
      %add3A_1809 = arith.constant 0 : i32
      %add3A_1810 = vector.broadcast %add3A_1809 : i32 to vector<16xi32>
      %add3A_1811 = arith.addi %mul3A_1808, %add3A_1810 : vector<16xi32>
      %gather3A_1812 = tpu.vector_load_idx %arg13[%add3A_1811] : memref<1888xf32, #tpu.memory_space<vmem>>[vector<16xi32>], vector<16xf32>,
      %swap3A_1813 = arith.constant 0 : i32
      %swap3A_1814 = arith.constant 0 : i32
      %swap3A_1815 = arith.index_cast %swap3A_1813 : i32 to index
      %swap3A_1816 = arith.index_cast %swap3A_1814 : i32 to index
      %swap3A_1817 = arith.constant 144 : index
      %swap3A_1818 = tpu.vector_load %arg12[%swap3A_1815, %swap3A_1816, %swap3A_1817] {strides = array<i32>} : memref<8x1x256xf32, #tpu.memory_space<vmem>>, vector<16xf32>,
      tpu.vector_store %arg12[%swap3A_1815, %swap3A_1816, %swap3A_1817], %gather3A_1812 {strides = array<i32>} : memref<8x1x256xf32, #tpu.memory_space<vmem>>, vector<16xf32>,
      %add3A_1819 = arith.constant 1 : i32
      %add3A_1820 = vector.broadcast %add3A_1819 : i32 to vector<16xi32>
      %add3A_1821 = arith.addi %mul3A_1808, %add3A_1820 : vector<16xi32>
      %gather3A_1822 = tpu.vector_load_idx %arg13[%add3A_1821] : memref<1888xf32, #tpu.memory_space<vmem>>[vector<16xi32>], vector<16xf32>,
      %swap3A_1823 = arith.constant 1 : i32
      %swap3A_1824 = arith.constant 0 : i32
      %swap3A_1825 = arith.index_cast %swap3A_1823 : i32 to index
      %swap3A_1826 = arith.index_cast %swap3A_1824 : i32 to index
      %swap3A_1827 = arith.constant 144 : index
      %swap3A_1828 = tpu.vector_load %arg12[%swap3A_1825, %swap3A_1826, %swap3A_1827] {strides = array<i32>} : memref<8x1x256xf32, #tpu.memory_space<vmem>>, vector<16xf32>,
      tpu.vector_store %arg12[%swap3A_1825, %swap3A_1826, %swap3A_1827], %gather3A_1822 {strides = array<i32>} : memref<8x1x256xf32, #tpu.memory_space<vmem>>, vector<16xf32>,
      %add3A_1829 = arith.constant 2 : i32
      %add3A_1830 = vector.broadcast %add3A_1829 : i32 to vector<16xi32>
      %add3A_1831 = arith.addi %mul3A_1808, %add3A_1830 : vector<16xi32>
      %gather3A_1832 = tpu.vector_load_idx %arg13[%add3A_1831] : memref<1888xf32, #tpu.memory_space<vmem>>[vector<16xi32>], vector<16xf32>,
      %swap3A_1833 = arith.constant 2 : i32
      %swap3A_1834 = arith.constant 0 : i32
      %swap3A_1835 = arith.index_cast %swap3A_1833 : i32 to index
      %swap3A_1836 = arith.index_cast %swap3A_1834 : i32 to index
      %swap3A_1837 = arith.constant 144 : index
      %swap3A_1838 = tpu.vector_load %arg12[%swap3A_1835, %swap3A_1836, %swap3A_1837] {strides = array<i32>} : memref<8x1x256xf32, #tpu.memory_space<vmem>>, vector<16xf32>,
      tpu.vector_store %arg12[%swap3A_1835, %swap3A_1836, %swap3A_1837], %gather3A_1832 {strides = array<i32>} : memref<8x1x256xf32, #tpu.memory_space<vmem>>, vector<16xf32>,
      %add3A_1839 = arith.constant 3 : i32
      %add3A_1840 = vector.broadcast %add3A_1839 : i32 to vector<16xi32>
      %add3A_1841 = arith.addi %mul3A_1808, %add3A_1840 : vector<16xi32>
      %gather3A_1842 = tpu.vector_load_idx %arg13[%add3A_1841] : memref<1888xf32, #tpu.memory_space<vmem>>[vector<16xi32>], vector<16xf32>,
      %swap3A_1843 = arith.constant 3 : i32
      %swap3A_1844 = arith.constant 0 : i32
      %swap3A_1845 = arith.index_cast %swap3A_1843 : i32 to index
      %swap3A_1846 = arith.index_cast %swap3A_1844 : i32 to index
      %swap3A_1847 = arith.constant 144 : index
      %swap3A_1848 = tpu.vector_load %arg12[%swap3A_1845, %swap3A_1846, %swap3A_1847] {strides = array<i32>} : memref<8x1x256xf32, #tpu.memory_space<vmem>>, vector<16xf32>,
      tpu.vector_store %arg12[%swap3A_1845, %swap3A_1846, %swap3A_1847], %gather3A_1842 {strides = array<i32>} : memref<8x1x256xf32, #tpu.memory_space<vmem>>, vector<16xf32>,
      %add3A_1849 = arith.constant 4 : i32
      %add3A_1850 = vector.broadcast %add3A_1849 : i32 to vector<16xi32>
      %add3A_1851 = arith.addi %mul3A_1808, %add3A_1850 : vector<16xi32>
      %gather3A_1852 = tpu.vector_load_idx %arg13[%add3A_1851] : memref<1888xf32, #tpu.memory_space<vmem>>[vector<16xi32>], vector<16xf32>,
      %swap3A_1853 = arith.constant 4 : i32
      %swap3A_1854 = arith.constant 0 : i32
      %swap3A_1855 = arith.index_cast %swap3A_1853 : i32 to index
      %swap3A_1856 = arith.index_cast %swap3A_1854 : i32 to index
      %swap3A_1857 = arith.constant 144 : index
      %swap3A_1858 = tpu.vector_load %arg12[%swap3A_1855, %swap3A_1856, %swap3A_1857] {strides = array<i32>} : memref<8x1x256xf32, #tpu.memory_space<vmem>>, vector<16xf32>,
      tpu.vector_store %arg12[%swap3A_1855, %swap3A_1856, %swap3A_1857], %gather3A_1852 {strides = array<i32>} : memref<8x1x256xf32, #tpu.memory_space<vmem>>, vector<16xf32>,
      %add3A_1859 = arith.constant 5 : i32
      %add3A_1860 = vector.broadcast %add3A_1859 : i32 to vector<16xi32>
      %add3A_1861 = arith.addi %mul3A_1808, %add3A_1860 : vector<16xi32>
      %gather3A_1862 = tpu.vector_load_idx %arg13[%add3A_1861] : memref<1888xf32, #tpu.memory_space<vmem>>[vector<16xi32>], vector<16xf32>,
      %swap3A_1863 = arith.constant 5 : i32
      %swap3A_1864 = arith.constant 0 : i32
      %swap3A_1865 = arith.index_cast %swap3A_1863 : i32 to index
      %swap3A_1866 = arith.index_cast %swap3A_1864 : i32 to index
      %swap3A_1867 = arith.constant 144 : index
      %swap3A_1868 = tpu.vector_load %arg12[%swap3A_1865, %swap3A_1866, %swap3A_1867] {strides = array<i32>} : memref<8x1x256xf32, #tpu.memory_space<vmem>>, vector<16xf32>,
      tpu.vector_store %arg12[%swap3A_1865, %swap3A_1866, %swap3A_1867], %gather3A_1862 {strides = array<i32>} : memref<8x1x256xf32, #tpu.memory_space<vmem>>, vector<16xf32>,
      %get3A_1869 = arith.constant 0 : i32
      %get3A_1870 = arith.index_cast %get3A_1869 : i32 to index
      %get3A_1871 = arith.constant 416 : index
      %get3A_1872 = tpu.vector_load %arg8[%get3A_1870, %get3A_1871] {strides = array<i32>} : memref<1x512xi32, #tpu.memory_space<vmem>>, vector<16xi32>,
      %mul3A_1873 = arith.constant 8 : i32
      %mul3A_1874 = vector.broadcast %mul3A_1873 : i32 to vector<16xi32>
      %mul3A_1875 = arith.muli %get3A_1872, %mul3A_1874 : vector<16xi32>
      %add3A_1876 = arith.constant 0 : i32
      %add3A_1877 = vector.broadcast %add3A_1876 : i32 to vector<16xi32>
      %add3A_1878 = arith.addi %mul3A_1875, %add3A_1877 : vector<16xi32>
      %gather3A_1879 = tpu.vector_load_idx %arg13[%add3A_1878] : memref<1888xf32, #tpu.memory_space<vmem>>[vector<16xi32>], vector<16xf32>,
      %swap3A_1880 = arith.constant 0 : i32
      %swap3A_1881 = arith.constant 0 : i32
      %swap3A_1882 = arith.index_cast %swap3A_1880 : i32 to index
      %swap3A_1883 = arith.index_cast %swap3A_1881 : i32 to index
      %swap3A_1884 = arith.constant 160 : index
      %swap3A_1885 = tpu.vector_load %arg12[%swap3A_1882, %swap3A_1883, %swap3A_1884] {strides = array<i32>} : memref<8x1x256xf32, #tpu.memory_space<vmem>>, vector<16xf32>,
      tpu.vector_store %arg12[%swap3A_1882, %swap3A_1883, %swap3A_1884], %gather3A_1879 {strides = array<i32>} : memref<8x1x256xf32, #tpu.memory_space<vmem>>, vector<16xf32>,
      %add3A_1886 = arith.constant 1 : i32
      %add3A_1887 = vector.broadcast %add3A_1886 : i32 to vector<16xi32>
      %add3A_1888 = arith.addi %mul3A_1875, %add3A_1887 : vector<16xi32>
      %gather3A_1889 = tpu.vector_load_idx %arg13[%add3A_1888] : memref<1888xf32, #tpu.memory_space<vmem>>[vector<16xi32>], vector<16xf32>,
      %swap3A_1890 = arith.constant 1 : i32
      %swap3A_1891 = arith.constant 0 : i32
      %swap3A_1892 = arith.index_cast %swap3A_1890 : i32 to index
      %swap3A_1893 = arith.index_cast %swap3A_1891 : i32 to index
      %swap3A_1894 = arith.constant 160 : index
      %swap3A_1895 = tpu.vector_load %arg12[%swap3A_1892, %swap3A_1893, %swap3A_1894] {strides = array<i32>} : memref<8x1x256xf32, #tpu.memory_space<vmem>>, vector<16xf32>,
      tpu.vector_store %arg12[%swap3A_1892, %swap3A_1893, %swap3A_1894], %gather3A_1889 {strides = array<i32>} : memref<8x1x256xf32, #tpu.memory_space<vmem>>, vector<16xf32>,
      %add3A_1896 = arith.constant 2 : i32
      %add3A_1897 = vector.broadcast %add3A_1896 : i32 to vector<16xi32>
      %add3A_1898 = arith.addi %mul3A_1875, %add3A_1897 : vector<16xi32>
      %gather3A_1899 = tpu.vector_load_idx %arg13[%add3A_1898] : memref<1888xf32, #tpu.memory_space<vmem>>[vector<16xi32>], vector<16xf32>,
      %swap3A_1900 = arith.constant 2 : i32
      %swap3A_1901 = arith.constant 0 : i32
      %swap3A_1902 = arith.index_cast %swap3A_1900 : i32 to index
      %swap3A_1903 = arith.index_cast %swap3A_1901 : i32 to index
      %swap3A_1904 = arith.constant 160 : index
      %swap3A_1905 = tpu.vector_load %arg12[%swap3A_1902, %swap3A_1903, %swap3A_1904] {strides = array<i32>} : memref<8x1x256xf32, #tpu.memory_space<vmem>>, vector<16xf32>,
      tpu.vector_store %arg12[%swap3A_1902, %swap3A_1903, %swap3A_1904], %gather3A_1899 {strides = array<i32>} : memref<8x1x256xf32, #tpu.memory_space<vmem>>, vector<16xf32>,
      %add3A_1906 = arith.constant 3 : i32
      %add3A_1907 = vector.broadcast %add3A_1906 : i32 to vector<16xi32>
      %add3A_1908 = arith.addi %mul3A_1875, %add3A_1907 : vector<16xi32>
      %gather3A_1909 = tpu.vector_load_idx %arg13[%add3A_1908] : memref<1888xf32, #tpu.memory_space<vmem>>[vector<16xi32>], vector<16xf32>,
      %swap3A_1910 = arith.constant 3 : i32
      %swap3A_1911 = arith.constant 0 : i32
      %swap3A_1912 = arith.index_cast %swap3A_1910 : i32 to index
      %swap3A_1913 = arith.index_cast %swap3A_1911 : i32 to index
      %swap3A_1914 = arith.constant 160 : index
      %swap3A_1915 = tpu.vector_load %arg12[%swap3A_1912, %swap3A_1913, %swap3A_1914] {strides = array<i32>} : memref<8x1x256xf32, #tpu.memory_space<vmem>>, vector<16xf32>,
      tpu.vector_store %arg12[%swap3A_1912, %swap3A_1913, %swap3A_1914], %gather3A_1909 {strides = array<i32>} : memref<8x1x256xf32, #tpu.memory_space<vmem>>, vector<16xf32>,
      %add3A_1916 = arith.constant 4 : i32
      %add3A_1917 = vector.broadcast %add3A_1916 : i32 to vector<16xi32>
      %add3A_1918 = arith.addi %mul3A_1875, %add3A_1917 : vector<16xi32>
      %gather3A_1919 = tpu.vector_load_idx %arg13[%add3A_1918] : memref<1888xf32, #tpu.memory_space<vmem>>[vector<16xi32>], vector<16xf32>,
      %swap3A_1920 = arith.constant 4 : i32
      %swap3A_1921 = arith.constant 0 : i32
      %swap3A_1922 = arith.index_cast %swap3A_1920 : i32 to index
      %swap3A_1923 = arith.index_cast %swap3A_1921 : i32 to index
      %swap3A_1924 = arith.constant 160 : index
      %swap3A_1925 = tpu.vector_load %arg12[%swap3A_1922, %swap3A_1923, %swap3A_1924] {strides = array<i32>} : memref<8x1x256xf32, #tpu.memory_space<vmem>>, vector<16xf32>,
      tpu.vector_store %arg12[%swap3A_1922, %swap3A_1923, %swap3A_1924], %gather3A_1919 {strides = array<i32>} : memref<8x1x256xf32, #tpu.memory_space<vmem>>, vector<16xf32>,
      %add3A_1926 = arith.constant 5 : i32
      %add3A_1927 = vector.broadcast %add3A_1926 : i32 to vector<16xi32>
      %add3A_1928 = arith.addi %mul3A_1875, %add3A_1927 : vector<16xi32>
      %gather3A_1929 = tpu.vector_load_idx %arg13[%add3A_1928] : memref<1888xf32, #tpu.memory_space<vmem>>[vector<16xi32>], vector<16xf32>,
      %swap3A_1930 = arith.constant 5 : i32
      %swap3A_1931 = arith.constant 0 : i32
      %swap3A_1932 = arith.index_cast %swap3A_1930 : i32 to index
      %swap3A_1933 = arith.index_cast %swap3A_1931 : i32 to index
      %swap3A_1934 = arith.constant 160 : index
      %swap3A_1935 = tpu.vector_load %arg12[%swap3A_1932, %swap3A_1933, %swap3A_1934] {strides = array<i32>} : memref<8x1x256xf32, #tpu.memory_space<vmem>>, vector<16xf32>,
      tpu.vector_store %arg12[%swap3A_1932, %swap3A_1933, %swap3A_1934], %gather3A_1929 {strides = array<i32>} : memref<8x1x256xf32, #tpu.memory_space<vmem>>, vector<16xf32>,
      %get3A_1936 = arith.constant 0 : i32
      %get3A_1937 = arith.index_cast %get3A_1936 : i32 to index
      %get3A_1938 = arith.constant 432 : index
      %get3A_1939 = tpu.vector_load %arg8[%get3A_1937, %get3A_1938] {strides = array<i32>} : memref<1x512xi32, #tpu.memory_space<vmem>>, vector<16xi32>,
      %mul3A_1940 = arith.constant 8 : i32
      %mul3A_1941 = vector.broadcast %mul3A_1940 : i32 to vector<16xi32>
      %mul3A_1942 = arith.muli %get3A_1939, %mul3A_1941 : vector<16xi32>
      %add3A_1943 = arith.constant 0 : i32
      %add3A_1944 = vector.broadcast %add3A_1943 : i32 to vector<16xi32>
      %add3A_1945 = arith.addi %mul3A_1942, %add3A_1944 : vector<16xi32>
      %gather3A_1946 = tpu.vector_load_idx %arg13[%add3A_1945] : memref<1888xf32, #tpu.memory_space<vmem>>[vector<16xi32>], vector<16xf32>,
      %swap3A_1947 = arith.constant 0 : i32
      %swap3A_1948 = arith.constant 0 : i32
      %swap3A_1949 = arith.index_cast %swap3A_1947 : i32 to index
      %swap3A_1950 = arith.index_cast %swap3A_1948 : i32 to index
      %swap3A_1951 = arith.constant 176 : index
      %swap3A_1952 = tpu.vector_load %arg12[%swap3A_1949, %swap3A_1950, %swap3A_1951] {strides = array<i32>} : memref<8x1x256xf32, #tpu.memory_space<vmem>>, vector<16xf32>,
      tpu.vector_store %arg12[%swap3A_1949, %swap3A_1950, %swap3A_1951], %gather3A_1946 {strides = array<i32>} : memref<8x1x256xf32, #tpu.memory_space<vmem>>, vector<16xf32>,
      %add3A_1953 = arith.constant 1 : i32
      %add3A_1954 = vector.broadcast %add3A_1953 : i32 to vector<16xi32>
      %add3A_1955 = arith.addi %mul3A_1942, %add3A_1954 : vector<16xi32>
      %gather3A_1956 = tpu.vector_load_idx %arg13[%add3A_1955] : memref<1888xf32, #tpu.memory_space<vmem>>[vector<16xi32>], vector<16xf32>,
      %swap3A_1957 = arith.constant 1 : i32
      %swap3A_1958 = arith.constant 0 : i32
      %swap3A_1959 = arith.index_cast %swap3A_1957 : i32 to index
      %swap3A_1960 = arith.index_cast %swap3A_1958 : i32 to index
      %swap3A_1961 = arith.constant 176 : index
      %swap3A_1962 = tpu.vector_load %arg12[%swap3A_1959, %swap3A_1960, %swap3A_1961] {strides = array<i32>} : memref<8x1x256xf32, #tpu.memory_space<vmem>>, vector<16xf32>,
      tpu.vector_store %arg12[%swap3A_1959, %swap3A_1960, %swap3A_1961], %gather3A_1956 {strides = array<i32>} : memref<8x1x256xf32, #tpu.memory_space<vmem>>, vector<16xf32>,
      %add3A_1963 = arith.constant 2 : i32
      %add3A_1964 = vector.broadcast %add3A_1963 : i32 to vector<16xi32>
      %add3A_1965 = arith.addi %mul3A_1942, %add3A_1964 : vector<16xi32>
      %gather3A_1966 = tpu.vector_load_idx %arg13[%add3A_1965] : memref<1888xf32, #tpu.memory_space<vmem>>[vector<16xi32>], vector<16xf32>,
      %swap3A_1967 = arith.constant 2 : i32
      %swap3A_1968 = arith.constant 0 : i32
      %swap3A_1969 = arith.index_cast %swap3A_1967 : i32 to index
      %swap3A_1970 = arith.index_cast %swap3A_1968 : i32 to index
      %swap3A_1971 = arith.constant 176 : index
      %swap3A_1972 = tpu.vector_load %arg12[%swap3A_1969, %swap3A_1970, %swap3A_1971] {strides = array<i32>} : memref<8x1x256xf32, #tpu.memory_space<vmem>>, vector<16xf32>,
      tpu.vector_store %arg12[%swap3A_1969, %swap3A_1970, %swap3A_1971], %gather3A_1966 {strides = array<i32>} : memref<8x1x256xf32, #tpu.memory_space<vmem>>, vector<16xf32>,
      %add3A_1973 = arith.constant 3 : i32
      %add3A_1974 = vector.broadcast %add3A_1973 : i32 to vector<16xi32>
      %add3A_1975 = arith.addi %mul3A_1942, %add3A_1974 : vector<16xi32>
      %gather3A_1976 = tpu.vector_load_idx %arg13[%add3A_1975] : memref<1888xf32, #tpu.memory_space<vmem>>[vector<16xi32>], vector<16xf32>,
      %swap3A_1977 = arith.constant 3 : i32
      %swap3A_1978 = arith.constant 0 : i32
      %swap3A_1979 = arith.index_cast %swap3A_1977 : i32 to index
      %swap3A_1980 = arith.index_cast %swap3A_1978 : i32 to index
      %swap3A_1981 = arith.constant 176 : index
      %swap3A_1982 = tpu.vector_load %arg12[%swap3A_1979, %swap3A_1980, %swap3A_1981] {strides = array<i32>} : memref<8x1x256xf32, #tpu.memory_space<vmem>>, vector<16xf32>,
      tpu.vector_store %arg12[%swap3A_1979, %swap3A_1980, %swap3A_1981], %gather3A_1976 {strides = array<i32>} : memref<8x1x256xf32, #tpu.memory_space<vmem>>, vector<16xf32>,
      %add3A_1983 = arith.constant 4 : i32
      %add3A_1984 = vector.broadcast %add3A_1983 : i32 to vector<16xi32>
      %add3A_1985 = arith.addi %mul3A_1942, %add3A_1984 : vector<16xi32>
      %gather3A_1986 = tpu.vector_load_idx %arg13[%add3A_1985] : memref<1888xf32, #tpu.memory_space<vmem>>[vector<16xi32>], vector<16xf32>,
      %swap3A_1987 = arith.constant 4 : i32
      %swap3A_1988 = arith.constant 0 : i32
      %swap3A_1989 = arith.index_cast %swap3A_1987 : i32 to index
      %swap3A_1990 = arith.index_cast %swap3A_1988 : i32 to index
      %swap3A_1991 = arith.constant 176 : index
      %swap3A_1992 = tpu.vector_load %arg12[%swap3A_1989, %swap3A_1990, %swap3A_1991] {strides = array<i32>} : memref<8x1x256xf32, #tpu.memory_space<vmem>>, vector<16xf32>,
      tpu.vector_store %arg12[%swap3A_1989, %swap3A_1990, %swap3A_1991], %gather3A_1986 {strides = array<i32>} : memref<8x1x256xf32, #tpu.memory_space<vmem>>, vector<16xf32>,
      %add3A_1993 = arith.constant 5 : i32
      %add3A_1994 = vector.broadcast %add3A_1993 : i32 to vector<16xi32>
      %add3A_1995 = arith.addi %mul3A_1942, %add3A_1994 : vector<16xi32>
      %gather3A_1996 = tpu.vector_load_idx %arg13[%add3A_1995] : memref<1888xf32, #tpu.memory_space<vmem>>[vector<16xi32>], vector<16xf32>,
      %swap3A_1997 = arith.constant 5 : i32
      %swap3A_1998 = arith.constant 0 : i32
      %swap3A_1999 = arith.index_cast %swap3A_1997 : i32 to index
      %swap3A_2000 = arith.index_cast %swap3A_1998 : i32 to index
      %swap3A_2001 = arith.constant 176 : index
      %swap3A_2002 = tpu.vector_load %arg12[%swap3A_1999, %swap3A_2000, %swap3A_2001] {strides = array<i32>} : memref<8x1x256xf32, #tpu.memory_space<vmem>>, vector<16xf32>,
      tpu.vector_store %arg12[%swap3A_1999, %swap3A_2000, %swap3A_2001], %gather3A_1996 {strides = array<i32>} : memref<8x1x256xf32, #tpu.memory_space<vmem>>, vector<16xf32>,
      %get3A_2003 = arith.constant 0 : i32
      %get3A_2004 = arith.index_cast %get3A_2003 : i32 to index
      %get3A_2005 = arith.constant 448 : index
      %get3A_2006 = tpu.vector_load %arg8[%get3A_2004, %get3A_2005] {strides = array<i32>} : memref<1x512xi32, #tpu.memory_space<vmem>>, vector<16xi32>,
      %mul3A_2007 = arith.constant 8 : i32
      %mul3A_2008 = vector.broadcast %mul3A_2007 : i32 to vector<16xi32>
      %mul3A_2009 = arith.muli %get3A_2006, %mul3A_2008 : vector<16xi32>
      %add3A_2010 = arith.constant 0 : i32
      %add3A_2011 = vector.broadcast %add3A_2010 : i32 to vector<16xi32>
      %add3A_2012 = arith.addi %mul3A_2009, %add3A_2011 : vector<16xi32>
      %gather3A_2013 = tpu.vector_load_idx %arg13[%add3A_2012] : memref<1888xf32, #tpu.memory_space<vmem>>[vector<16xi32>], vector<16xf32>,
      %swap3A_2014 = arith.constant 0 : i32
      %swap3A_2015 = arith.constant 0 : i32
      %swap3A_2016 = arith.index_cast %swap3A_2014 : i32 to index
      %swap3A_2017 = arith.index_cast %swap3A_2015 : i32 to index
      %swap3A_2018 = arith.constant 192 : index
      %swap3A_2019 = tpu.vector_load %arg12[%swap3A_2016, %swap3A_2017, %swap3A_2018] {strides = array<i32>} : memref<8x1x256xf32, #tpu.memory_space<vmem>>, vector<16xf32>,
      tpu.vector_store %arg12[%swap3A_2016, %swap3A_2017, %swap3A_2018], %gather3A_2013 {strides = array<i32>} : memref<8x1x256xf32, #tpu.memory_space<vmem>>, vector<16xf32>,
      %add3A_2020 = arith.constant 1 : i32
      %add3A_2021 = vector.broadcast %add3A_2020 : i32 to vector<16xi32>
      %add3A_2022 = arith.addi %mul3A_2009, %add3A_2021 : vector<16xi32>
      %gather3A_2023 = tpu.vector_load_idx %arg13[%add3A_2022] : memref<1888xf32, #tpu.memory_space<vmem>>[vector<16xi32>], vector<16xf32>,
      %swap3A_2024 = arith.constant 1 : i32
      %swap3A_2025 = arith.constant 0 : i32
      %swap3A_2026 = arith.index_cast %swap3A_2024 : i32 to index
      %swap3A_2027 = arith.index_cast %swap3A_2025 : i32 to index
      %swap3A_2028 = arith.constant 192 : index
      %swap3A_2029 = tpu.vector_load %arg12[%swap3A_2026, %swap3A_2027, %swap3A_2028] {strides = array<i32>} : memref<8x1x256xf32, #tpu.memory_space<vmem>>, vector<16xf32>,
      tpu.vector_store %arg12[%swap3A_2026, %swap3A_2027, %swap3A_2028], %gather3A_2023 {strides = array<i32>} : memref<8x1x256xf32, #tpu.memory_space<vmem>>, vector<16xf32>,
      %add3A_2030 = arith.constant 2 : i32
      %add3A_2031 = vector.broadcast %add3A_2030 : i32 to vector<16xi32>
      %add3A_2032 = arith.addi %mul3A_2009, %add3A_2031 : vector<16xi32>
      %gather3A_2033 = tpu.vector_load_idx %arg13[%add3A_2032] : memref<1888xf32, #tpu.memory_space<vmem>>[vector<16xi32>], vector<16xf32>,
      %swap3A_2034 = arith.constant 2 : i32
      %swap3A_2035 = arith.constant 0 : i32
      %swap3A_2036 = arith.index_cast %swap3A_2034 : i32 to index
      %swap3A_2037 = arith.index_cast %swap3A_2035 : i32 to index
      %swap3A_2038 = arith.constant 192 : index
      %swap3A_2039 = tpu.vector_load %arg12[%swap3A_2036, %swap3A_2037, %swap3A_2038] {strides = array<i32>} : memref<8x1x256xf32, #tpu.memory_space<vmem>>, vector<16xf32>,
      tpu.vector_store %arg12[%swap3A_2036, %swap3A_2037, %swap3A_2038], %gather3A_2033 {strides = array<i32>} : memref<8x1x256xf32, #tpu.memory_space<vmem>>, vector<16xf32>,
      %add3A_2040 = arith.constant 3 : i32
      %add3A_2041 = vector.broadcast %add3A_2040 : i32 to vector<16xi32>
      %add3A_2042 = arith.addi %mul3A_2009, %add3A_2041 : vector<16xi32>
      %gather3A_2043 = tpu.vector_load_idx %arg13[%add3A_2042] : memref<1888xf32, #tpu.memory_space<vmem>>[vector<16xi32>], vector<16xf32>,
      %swap3A_2044 = arith.constant 3 : i32
      %swap3A_2045 = arith.constant 0 : i32
      %swap3A_2046 = arith.index_cast %swap3A_2044 : i32 to index
      %swap3A_2047 = arith.index_cast %swap3A_2045 : i32 to index
      %swap3A_2048 = arith.constant 192 : index
      %swap3A_2049 = tpu.vector_load %arg12[%swap3A_2046, %swap3A_2047, %swap3A_2048] {strides = array<i32>} : memref<8x1x256xf32, #tpu.memory_space<vmem>>, vector<16xf32>,
      tpu.vector_store %arg12[%swap3A_2046, %swap3A_2047, %swap3A_2048], %gather3A_2043 {strides = array<i32>} : memref<8x1x256xf32, #tpu.memory_space<vmem>>, vector<16xf32>,
      %add3A_2050 = arith.constant 4 : i32
      %add3A_2051 = vector.broadcast %add3A_2050 : i32 to vector<16xi32>
      %add3A_2052 = arith.addi %mul3A_2009, %add3A_2051 : vector<16xi32>
      %gather3A_2053 = tpu.vector_load_idx %arg13[%add3A_2052] : memref<1888xf32, #tpu.memory_space<vmem>>[vector<16xi32>], vector<16xf32>,
      %swap3A_2054 = arith.constant 4 : i32
      %swap3A_2055 = arith.constant 0 : i32
      %swap3A_2056 = arith.index_cast %swap3A_2054 : i32 to index
      %swap3A_2057 = arith.index_cast %swap3A_2055 : i32 to index
      %swap3A_2058 = arith.constant 192 : index
      %swap3A_2059 = tpu.vector_load %arg12[%swap3A_2056, %swap3A_2057, %swap3A_2058] {strides = array<i32>} : memref<8x1x256xf32, #tpu.memory_space<vmem>>, vector<16xf32>,
      tpu.vector_store %arg12[%swap3A_2056, %swap3A_2057, %swap3A_2058], %gather3A_2053 {strides = array<i32>} : memref<8x1x256xf32, #tpu.memory_space<vmem>>, vector<16xf32>,
      %add3A_2060 = arith.constant 5 : i32
      %add3A_2061 = vector.broadcast %add3A_2060 : i32 to vector<16xi32>
      %add3A_2062 = arith.addi %mul3A_2009, %add3A_2061 : vector<16xi32>
      %gather3A_2063 = tpu.vector_load_idx %arg13[%add3A_2062] : memref<1888xf32, #tpu.memory_space<vmem>>[vector<16xi32>], vector<16xf32>,
      %swap3A_2064 = arith.constant 5 : i32
      %swap3A_2065 = arith.constant 0 : i32
      %swap3A_2066 = arith.index_cast %swap3A_2064 : i32 to index
      %swap3A_2067 = arith.index_cast %swap3A_2065 : i32 to index
      %swap3A_2068 = arith.constant 192 : index
      %swap3A_2069 = tpu.vector_load %arg12[%swap3A_2066, %swap3A_2067, %swap3A_2068] {strides = array<i32>} : memref<8x1x256xf32, #tpu.memory_space<vmem>>, vector<16xf32>,
      tpu.vector_store %arg12[%swap3A_2066, %swap3A_2067, %swap3A_2068], %gather3A_2063 {strides = array<i32>} : memref<8x1x256xf32, #tpu.memory_space<vmem>>, vector<16xf32>,
      %get3A_2070 = arith.constant 0 : i32
      %get3A_2071 = arith.index_cast %get3A_2070 : i32 to index
      %get3A_2072 = arith.constant 464 : index
      %get3A_2073 = tpu.vector_load %arg8[%get3A_2071, %get3A_2072] {strides = array<i32>} : memref<1x512xi32, #tpu.memory_space<vmem>>, vector<16xi32>,
      %mul3A_2074 = arith.constant 8 : i32
      %mul3A_2075 = vector.broadcast %mul3A_2074 : i32 to vector<16xi32>
      %mul3A_2076 = arith.muli %get3A_2073, %mul3A_2075 : vector<16xi32>
      %add3A_2077 = arith.constant 0 : i32
      %add3A_2078 = vector.broadcast %add3A_2077 : i32 to vector<16xi32>
      %add3A_2079 = arith.addi %mul3A_2076, %add3A_2078 : vector<16xi32>
      %gather3A_2080 = tpu.vector_load_idx %arg13[%add3A_2079] : memref<1888xf32, #tpu.memory_space<vmem>>[vector<16xi32>], vector<16xf32>,
      %swap3A_2081 = arith.constant 0 : i32
      %swap3A_2082 = arith.constant 0 : i32
      %swap3A_2083 = arith.index_cast %swap3A_2081 : i32 to index
      %swap3A_2084 = arith.index_cast %swap3A_2082 : i32 to index
      %swap3A_2085 = arith.constant 208 : index
      %swap3A_2086 = tpu.vector_load %arg12[%swap3A_2083, %swap3A_2084, %swap3A_2085] {strides = array<i32>} : memref<8x1x256xf32, #tpu.memory_space<vmem>>, vector<16xf32>,
      tpu.vector_store %arg12[%swap3A_2083, %swap3A_2084, %swap3A_2085], %gather3A_2080 {strides = array<i32>} : memref<8x1x256xf32, #tpu.memory_space<vmem>>, vector<16xf32>,
      %add3A_2087 = arith.constant 1 : i32
      %add3A_2088 = vector.broadcast %add3A_2087 : i32 to vector<16xi32>
      %add3A_2089 = arith.addi %mul3A_2076, %add3A_2088 : vector<16xi32>
      %gather3A_2090 = tpu.vector_load_idx %arg13[%add3A_2089] : memref<1888xf32, #tpu.memory_space<vmem>>[vector<16xi32>], vector<16xf32>,
      %swap3A_2091 = arith.constant 1 : i32
      %swap3A_2092 = arith.constant 0 : i32
      %swap3A_2093 = arith.index_cast %swap3A_2091 : i32 to index
      %swap3A_2094 = arith.index_cast %swap3A_2092 : i32 to index
      %swap3A_2095 = arith.constant 208 : index
      %swap3A_2096 = tpu.vector_load %arg12[%swap3A_2093, %swap3A_2094, %swap3A_2095] {strides = array<i32>} : memref<8x1x256xf32, #tpu.memory_space<vmem>>, vector<16xf32>,
      tpu.vector_store %arg12[%swap3A_2093, %swap3A_2094, %swap3A_2095], %gather3A_2090 {strides = array<i32>} : memref<8x1x256xf32, #tpu.memory_space<vmem>>, vector<16xf32>,
      %add3A_2097 = arith.constant 2 : i32
      %add3A_2098 = vector.broadcast %add3A_2097 : i32 to vector<16xi32>
      %add3A_2099 = arith.addi %mul3A_2076, %add3A_2098 : vector<16xi32>
      %gather3A_2100 = tpu.vector_load_idx %arg13[%add3A_2099] : memref<1888xf32, #tpu.memory_space<vmem>>[vector<16xi32>], vector<16xf32>,
      %swap3A_2101 = arith.constant 2 : i32
      %swap3A_2102 = arith.constant 0 : i32
      %swap3A_2103 = arith.index_cast %swap3A_2101 : i32 to index
      %swap3A_2104 = arith.index_cast %swap3A_2102 : i32 to index
      %swap3A_2105 = arith.constant 208 : index
      %swap3A_2106 = tpu.vector_load %arg12[%swap3A_2103, %swap3A_2104, %swap3A_2105] {strides = array<i32>} : memref<8x1x256xf32, #tpu.memory_space<vmem>>, vector<16xf32>,
      tpu.vector_store %arg12[%swap3A_2103, %swap3A_2104, %swap3A_2105], %gather3A_2100 {strides = array<i32>} : memref<8x1x256xf32, #tpu.memory_space<vmem>>, vector<16xf32>,
      %add3A_2107 = arith.constant 3 : i32
      %add3A_2108 = vector.broadcast %add3A_2107 : i32 to vector<16xi32>
      %add3A_2109 = arith.addi %mul3A_2076, %add3A_2108 : vector<16xi32>
      %gather3A_2110 = tpu.vector_load_idx %arg13[%add3A_2109] : memref<1888xf32, #tpu.memory_space<vmem>>[vector<16xi32>], vector<16xf32>,
      %swap3A_2111 = arith.constant 3 : i32
      %swap3A_2112 = arith.constant 0 : i32
      %swap3A_2113 = arith.index_cast %swap3A_2111 : i32 to index
      %swap3A_2114 = arith.index_cast %swap3A_2112 : i32 to index
      %swap3A_2115 = arith.constant 208 : index
      %swap3A_2116 = tpu.vector_load %arg12[%swap3A_2113, %swap3A_2114, %swap3A_2115] {strides = array<i32>} : memref<8x1x256xf32, #tpu.memory_space<vmem>>, vector<16xf32>,
      tpu.vector_store %arg12[%swap3A_2113, %swap3A_2114, %swap3A_2115], %gather3A_2110 {strides = array<i32>} : memref<8x1x256xf32, #tpu.memory_space<vmem>>, vector<16xf32>,
      %add3A_2117 = arith.constant 4 : i32
      %add3A_2118 = vector.broadcast %add3A_2117 : i32 to vector<16xi32>
      %add3A_2119 = arith.addi %mul3A_2076, %add3A_2118 : vector<16xi32>
      %gather3A_2120 = tpu.vector_load_idx %arg13[%add3A_2119] : memref<1888xf32, #tpu.memory_space<vmem>>[vector<16xi32>], vector<16xf32>,
      %swap3A_2121 = arith.constant 4 : i32
      %swap3A_2122 = arith.constant 0 : i32
      %swap3A_2123 = arith.index_cast %swap3A_2121 : i32 to index
      %swap3A_2124 = arith.index_cast %swap3A_2122 : i32 to index
      %swap3A_2125 = arith.constant 208 : index
      %swap3A_2126 = tpu.vector_load %arg12[%swap3A_2123, %swap3A_2124, %swap3A_2125] {strides = array<i32>} : memref<8x1x256xf32, #tpu.memory_space<vmem>>, vector<16xf32>,
      tpu.vector_store %arg12[%swap3A_2123, %swap3A_2124, %swap3A_2125], %gather3A_2120 {strides = array<i32>} : memref<8x1x256xf32, #tpu.memory_space<vmem>>, vector<16xf32>,
      %add3A_2127 = arith.constant 5 : i32
      %add3A_2128 = vector.broadcast %add3A_2127 : i32 to vector<16xi32>
      %add3A_2129 = arith.addi %mul3A_2076, %add3A_2128 : vector<16xi32>
      %gather3A_2130 = tpu.vector_load_idx %arg13[%add3A_2129] : memref<1888xf32, #tpu.memory_space<vmem>>[vector<16xi32>], vector<16xf32>,
      %swap3A_2131 = arith.constant 5 : i32
      %swap3A_2132 = arith.constant 0 : i32
      %swap3A_2133 = arith.index_cast %swap3A_2131 : i32 to index
      %swap3A_2134 = arith.index_cast %swap3A_2132 : i32 to index
      %swap3A_2135 = arith.constant 208 : index
      %swap3A_2136 = tpu.vector_load %arg12[%swap3A_2133, %swap3A_2134, %swap3A_2135] {strides = array<i32>} : memref<8x1x256xf32, #tpu.memory_space<vmem>>, vector<16xf32>,
      tpu.vector_store %arg12[%swap3A_2133, %swap3A_2134, %swap3A_2135], %gather3A_2130 {strides = array<i32>} : memref<8x1x256xf32, #tpu.memory_space<vmem>>, vector<16xf32>,
      %get3A_2137 = arith.constant 0 : i32
      %get3A_2138 = arith.index_cast %get3A_2137 : i32 to index
      %get3A_2139 = arith.constant 480 : index
      %get3A_2140 = tpu.vector_load %arg8[%get3A_2138, %get3A_2139] {strides = array<i32>} : memref<1x512xi32, #tpu.memory_space<vmem>>, vector<16xi32>,
      %mul3A_2141 = arith.constant 8 : i32
      %mul3A_2142 = vector.broadcast %mul3A_2141 : i32 to vector<16xi32>
      %mul3A_2143 = arith.muli %get3A_2140, %mul3A_2142 : vector<16xi32>
      %add3A_2144 = arith.constant 0 : i32
      %add3A_2145 = vector.broadcast %add3A_2144 : i32 to vector<16xi32>
      %add3A_2146 = arith.addi %mul3A_2143, %add3A_2145 : vector<16xi32>
      %gather3A_2147 = tpu.vector_load_idx %arg13[%add3A_2146] : memref<1888xf32, #tpu.memory_space<vmem>>[vector<16xi32>], vector<16xf32>,
      %swap3A_2148 = arith.constant 0 : i32
      %swap3A_2149 = arith.constant 0 : i32
      %swap3A_2150 = arith.index_cast %swap3A_2148 : i32 to index
      %swap3A_2151 = arith.index_cast %swap3A_2149 : i32 to index
      %swap3A_2152 = arith.constant 224 : index
      %swap3A_2153 = tpu.vector_load %arg12[%swap3A_2150, %swap3A_2151, %swap3A_2152] {strides = array<i32>} : memref<8x1x256xf32, #tpu.memory_space<vmem>>, vector<16xf32>,
      tpu.vector_store %arg12[%swap3A_2150, %swap3A_2151, %swap3A_2152], %gather3A_2147 {strides = array<i32>} : memref<8x1x256xf32, #tpu.memory_space<vmem>>, vector<16xf32>,
      %add3A_2154 = arith.constant 1 : i32
      %add3A_2155 = vector.broadcast %add3A_2154 : i32 to vector<16xi32>
      %add3A_2156 = arith.addi %mul3A_2143, %add3A_2155 : vector<16xi32>
      %gather3A_2157 = tpu.vector_load_idx %arg13[%add3A_2156] : memref<1888xf32, #tpu.memory_space<vmem>>[vector<16xi32>], vector<16xf32>,
      %swap3A_2158 = arith.constant 1 : i32
      %swap3A_2159 = arith.constant 0 : i32
      %swap3A_2160 = arith.index_cast %swap3A_2158 : i32 to index
      %swap3A_2161 = arith.index_cast %swap3A_2159 : i32 to index
      %swap3A_2162 = arith.constant 224 : index
      %swap3A_2163 = tpu.vector_load %arg12[%swap3A_2160, %swap3A_2161, %swap3A_2162] {strides = array<i32>} : memref<8x1x256xf32, #tpu.memory_space<vmem>>, vector<16xf32>,
      tpu.vector_store %arg12[%swap3A_2160, %swap3A_2161, %swap3A_2162], %gather3A_2157 {strides = array<i32>} : memref<8x1x256xf32, #tpu.memory_space<vmem>>, vector<16xf32>,
      %add3A_2164 = arith.constant 2 : i32
      %add3A_2165 = vector.broadcast %add3A_2164 : i32 to vector<16xi32>
      %add3A_2166 = arith.addi %mul3A_2143, %add3A_2165 : vector<16xi32>
      %gather3A_2167 = tpu.vector_load_idx %arg13[%add3A_2166] : memref<1888xf32, #tpu.memory_space<vmem>>[vector<16xi32>], vector<16xf32>,
      %swap3A_2168 = arith.constant 2 : i32
      %swap3A_2169 = arith.constant 0 : i32
      %swap3A_2170 = arith.index_cast %swap3A_2168 : i32 to index
      %swap3A_2171 = arith.index_cast %swap3A_2169 : i32 to index
      %swap3A_2172 = arith.constant 224 : index
      %swap3A_2173 = tpu.vector_load %arg12[%swap3A_2170, %swap3A_2171, %swap3A_2172] {strides = array<i32>} : memref<8x1x256xf32, #tpu.memory_space<vmem>>, vector<16xf32>,
      tpu.vector_store %arg12[%swap3A_2170, %swap3A_2171, %swap3A_2172], %gather3A_2167 {strides = array<i32>} : memref<8x1x256xf32, #tpu.memory_space<vmem>>, vector<16xf32>,
      %add3A_2174 = arith.constant 3 : i32
      %add3A_2175 = vector.broadcast %add3A_2174 : i32 to vector<16xi32>
      %add3A_2176 = arith.addi %mul3A_2143, %add3A_2175 : vector<16xi32>
      %gather3A_2177 = tpu.vector_load_idx %arg13[%add3A_2176] : memref<1888xf32, #tpu.memory_space<vmem>>[vector<16xi32>], vector<16xf32>,
      %swap3A_2178 = arith.constant 3 : i32
      %swap3A_2179 = arith.constant 0 : i32
      %swap3A_2180 = arith.index_cast %swap3A_2178 : i32 to index
      %swap3A_2181 = arith.index_cast %swap3A_2179 : i32 to index
      %swap3A_2182 = arith.constant 224 : index
      %swap3A_2183 = tpu.vector_load %arg12[%swap3A_2180, %swap3A_2181, %swap3A_2182] {strides = array<i32>} : memref<8x1x256xf32, #tpu.memory_space<vmem>>, vector<16xf32>,
      tpu.vector_store %arg12[%swap3A_2180, %swap3A_2181, %swap3A_2182], %gather3A_2177 {strides = array<i32>} : memref<8x1x256xf32, #tpu.memory_space<vmem>>, vector<16xf32>,
      %add3A_2184 = arith.constant 4 : i32
      %add3A_2185 = vector.broadcast %add3A_2184 : i32 to vector<16xi32>
      %add3A_2186 = arith.addi %mul3A_2143, %add3A_2185 : vector<16xi32>
      %gather3A_2187 = tpu.vector_load_idx %arg13[%add3A_2186] : memref<1888xf32, #tpu.memory_space<vmem>>[vector<16xi32>], vector<16xf32>,
      %swap3A_2188 = arith.constant 4 : i32
      %swap3A_2189 = arith.constant 0 : i32
      %swap3A_2190 = arith.index_cast %swap3A_2188 : i32 to index
      %swap3A_2191 = arith.index_cast %swap3A_2189 : i32 to index
      %swap3A_2192 = arith.constant 224 : index
      %swap3A_2193 = tpu.vector_load %arg12[%swap3A_2190, %swap3A_2191, %swap3A_2192] {strides = array<i32>} : memref<8x1x256xf32, #tpu.memory_space<vmem>>, vector<16xf32>,
      tpu.vector_store %arg12[%swap3A_2190, %swap3A_2191, %swap3A_2192], %gather3A_2187 {strides = array<i32>} : memref<8x1x256xf32, #tpu.memory_space<vmem>>, vector<16xf32>,
      %add3A_2194 = arith.constant 5 : i32
      %add3A_2195 = vector.broadcast %add3A_2194 : i32 to vector<16xi32>
      %add3A_2196 = arith.addi %mul3A_2143, %add3A_2195 : vector<16xi32>
      %gather3A_2197 = tpu.vector_load_idx %arg13[%add3A_2196] : memref<1888xf32, #tpu.memory_space<vmem>>[vector<16xi32>], vector<16xf32>,
      %swap3A_2198 = arith.constant 5 : i32
      %swap3A_2199 = arith.constant 0 : i32
      %swap3A_2200 = arith.index_cast %swap3A_2198 : i32 to index
      %swap3A_2201 = arith.index_cast %swap3A_2199 : i32 to index
      %swap3A_2202 = arith.constant 224 : index
      %swap3A_2203 = tpu.vector_load %arg12[%swap3A_2200, %swap3A_2201, %swap3A_2202] {strides = array<i32>} : memref<8x1x256xf32, #tpu.memory_space<vmem>>, vector<16xf32>,
      tpu.vector_store %arg12[%swap3A_2200, %swap3A_2201, %swap3A_2202], %gather3A_2197 {strides = array<i32>} : memref<8x1x256xf32, #tpu.memory_space<vmem>>, vector<16xf32>,
      %get3A_2204 = arith.constant 0 : i32
      %get3A_2205 = arith.index_cast %get3A_2204 : i32 to index
      %get3A_2206 = arith.constant 496 : index
      %get3A_2207 = tpu.vector_load %arg8[%get3A_2205, %get3A_2206] {strides = array<i32>} : memref<1x512xi32, #tpu.memory_space<vmem>>, vector<16xi32>,
      %mul3A_2208 = arith.constant 8 : i32
      %mul3A_2209 = vector.broadcast %mul3A_2208 : i32 to vector<16xi32>
      %mul3A_2210 = arith.muli %get3A_2207, %mul3A_2209 : vector<16xi32>
      %add3A_2211 = arith.constant 0 : i32
      %add3A_2212 = vector.broadcast %add3A_2211 : i32 to vector<16xi32>
      %add3A_2213 = arith.addi %mul3A_2210, %add3A_2212 : vector<16xi32>
      %gather3A_2214 = tpu.vector_load_idx %arg13[%add3A_2213] : memref<1888xf32, #tpu.memory_space<vmem>>[vector<16xi32>], vector<16xf32>,
      %swap3A_2215 = arith.constant 0 : i32
      %swap3A_2216 = arith.constant 0 : i32
      %swap3A_2217 = arith.index_cast %swap3A_2215 : i32 to index
      %swap3A_2218 = arith.index_cast %swap3A_2216 : i32 to index
      %swap3A_2219 = arith.constant 240 : index
      %swap3A_2220 = tpu.vector_load %arg12[%swap3A_2217, %swap3A_2218, %swap3A_2219] {strides = array<i32>} : memref<8x1x256xf32, #tpu.memory_space<vmem>>, vector<16xf32>,
      tpu.vector_store %arg12[%swap3A_2217, %swap3A_2218, %swap3A_2219], %gather3A_2214 {strides = array<i32>} : memref<8x1x256xf32, #tpu.memory_space<vmem>>, vector<16xf32>,
      %add3A_2221 = arith.constant 1 : i32
      %add3A_2222 = vector.broadcast %add3A_2221 : i32 to vector<16xi32>
      %add3A_2223 = arith.addi %mul3A_2210, %add3A_2222 : vector<16xi32>
      %gather3A_2224 = tpu.vector_load_idx %arg13[%add3A_2223] : memref<1888xf32, #tpu.memory_space<vmem>>[vector<16xi32>], vector<16xf32>,
      %swap3A_2225 = arith.constant 1 : i32
      %swap3A_2226 = arith.constant 0 : i32
      %swap3A_2227 = arith.index_cast %swap3A_2225 : i32 to index
      %swap3A_2228 = arith.index_cast %swap3A_2226 : i32 to index
      %swap3A_2229 = arith.constant 240 : index
      %swap3A_2230 = tpu.vector_load %arg12[%swap3A_2227, %swap3A_2228, %swap3A_2229] {strides = array<i32>} : memref<8x1x256xf32, #tpu.memory_space<vmem>>, vector<16xf32>,
      tpu.vector_store %arg12[%swap3A_2227, %swap3A_2228, %swap3A_2229], %gather3A_2224 {strides = array<i32>} : memref<8x1x256xf32, #tpu.memory_space<vmem>>, vector<16xf32>,
      %add3A_2231 = arith.constant 2 : i32
      %add3A_2232 = vector.broadcast %add3A_2231 : i32 to vector<16xi32>
      %add3A_2233 = arith.addi %mul3A_2210, %add3A_2232 : vector<16xi32>
      %gather3A_2234 = tpu.vector_load_idx %arg13[%add3A_2233] : memref<1888xf32, #tpu.memory_space<vmem>>[vector<16xi32>], vector<16xf32>,
      %swap3A_2235 = arith.constant 2 : i32
      %swap3A_2236 = arith.constant 0 : i32
      %swap3A_2237 = arith.index_cast %swap3A_2235 : i32 to index
      %swap3A_2238 = arith.index_cast %swap3A_2236 : i32 to index
      %swap3A_2239 = arith.constant 240 : index
      %swap3A_2240 = tpu.vector_load %arg12[%swap3A_2237, %swap3A_2238, %swap3A_2239] {strides = array<i32>} : memref<8x1x256xf32, #tpu.memory_space<vmem>>, vector<16xf32>,
      tpu.vector_store %arg12[%swap3A_2237, %swap3A_2238, %swap3A_2239], %gather3A_2234 {strides = array<i32>} : memref<8x1x256xf32, #tpu.memory_space<vmem>>, vector<16xf32>,
      %add3A_2241 = arith.constant 3 : i32
      %add3A_2242 = vector.broadcast %add3A_2241 : i32 to vector<16xi32>
      %add3A_2243 = arith.addi %mul3A_2210, %add3A_2242 : vector<16xi32>
      %gather3A_2244 = tpu.vector_load_idx %arg13[%add3A_2243] : memref<1888xf32, #tpu.memory_space<vmem>>[vector<16xi32>], vector<16xf32>,
      %swap3A_2245 = arith.constant 3 : i32
      %swap3A_2246 = arith.constant 0 : i32
      %swap3A_2247 = arith.index_cast %swap3A_2245 : i32 to index
      %swap3A_2248 = arith.index_cast %swap3A_2246 : i32 to index
      %swap3A_2249 = arith.constant 240 : index
      %swap3A_2250 = tpu.vector_load %arg12[%swap3A_2247, %swap3A_2248, %swap3A_2249] {strides = array<i32>} : memref<8x1x256xf32, #tpu.memory_space<vmem>>, vector<16xf32>,
      tpu.vector_store %arg12[%swap3A_2247, %swap3A_2248, %swap3A_2249], %gather3A_2244 {strides = array<i32>} : memref<8x1x256xf32, #tpu.memory_space<vmem>>, vector<16xf32>,
      %add3A_2251 = arith.constant 4 : i32
      %add3A_2252 = vector.broadcast %add3A_2251 : i32 to vector<16xi32>
      %add3A_2253 = arith.addi %mul3A_2210, %add3A_2252 : vector<16xi32>
      %gather3A_2254 = tpu.vector_load_idx %arg13[%add3A_2253] : memref<1888xf32, #tpu.memory_space<vmem>>[vector<16xi32>], vector<16xf32>,
      %swap3A_2255 = arith.constant 4 : i32
      %swap3A_2256 = arith.constant 0 : i32
      %swap3A_2257 = arith.index_cast %swap3A_2255 : i32 to index
      %swap3A_2258 = arith.index_cast %swap3A_2256 : i32 to index
      %swap3A_2259 = arith.constant 240 : index
      %swap3A_2260 = tpu.vector_load %arg12[%swap3A_2257, %swap3A_2258, %swap3A_2259] {strides = array<i32>} : memref<8x1x256xf32, #tpu.memory_space<vmem>>, vector<16xf32>,
      tpu.vector_store %arg12[%swap3A_2257, %swap3A_2258, %swap3A_2259], %gather3A_2254 {strides = array<i32>} : memref<8x1x256xf32, #tpu.memory_space<vmem>>, vector<16xf32>,
      %add3A_2261 = arith.constant 5 : i32
      %add3A_2262 = vector.broadcast %add3A_2261 : i32 to vector<16xi32>
      %add3A_2263 = arith.addi %mul3A_2210, %add3A_2262 : vector<16xi32>
      %gather3A_2264 = tpu.vector_load_idx %arg13[%add3A_2263] : memref<1888xf32, #tpu.memory_space<vmem>>[vector<16xi32>], vector<16xf32>,
      %swap3A_2265 = arith.constant 5 : i32
      %swap3A_2266 = arith.constant 0 : i32
      %swap3A_2267 = arith.index_cast %swap3A_2265 : i32 to index
      %swap3A_2268 = arith.index_cast %swap3A_2266 : i32 to index
      %swap3A_2269 = arith.constant 240 : index
      %swap3A_2270 = tpu.vector_load %arg12[%swap3A_2267, %swap3A_2268, %swap3A_2269] {strides = array<i32>} : memref<8x1x256xf32, #tpu.memory_space<vmem>>, vector<16xf32>,
      tpu.vector_store %arg12[%swap3A_2267, %swap3A_2268, %swap3A_2269], %gather3A_2264 {strides = array<i32>} : memref<8x1x256xf32, #tpu.memory_space<vmem>>, vector<16xf32>,
      %dma_wait3A_2271 = arith.constant 0 : i32
      %dma_wait3A_2272 = arith.constant 0 : i32
      %dma_wait3A_2273 = arith.constant 0 : i32
      %dma_wait3A_2274 = tpu.memref_slice %arg10[%dma_wait3A_2272, %dma_wait3A_2273] : memref<256x128xf32, #tpu.memory_space<vmem>> -> memref<256x128xf32, #tpu.memory_space<vmem>>
      %dma_wait3A_2275 = arith.constant 0 : i32
      %dma_wait3A_2276 = tpu.memref_slice %arg8[%dma_wait3A_2271, %dma_wait3A_2275] : memref<1x512xi32, #tpu.memory_space<vmem>> -> memref<1x256xi32, #tpu.memory_space<vmem>>
      %dma_wait3A_2277 = tpu.memref_squeeze %dma_wait3A_2276 : memref<1x256xi32, #tpu.memory_space<vmem>> -> memref<256xi32, #tpu.memory_space<vmem>>
      %dma_wait3A_2278 = arith.constant 0 : i32
      %dma_wait3A_2279 = arith.constant 0 : i32
      %dma_wait3A_2280 = tpu.memref_slice %arg2[%dma_wait3A_2278, %dma_wait3A_2279] : memref<100000x128xf32, #tpu.memory_space<hbm>> -> memref<100000x128xf32, #tpu.memory_space<hbm>>
      tpu.wait_indirect_dma semaphore(%arg15 : memref<!tpu.dma_semaphore, #tpu.memory_space<semaphore_mem>>) src(%dma_wait3A_2280 : memref<100000x128xf32, #tpu.memory_space<hbm>>) dst(%dma_wait3A_2274 : memref<256x128xf32, #tpu.memory_space<vmem>>)
      %add3A_2281 = arith.constant 1 : i32
      %add3A_2282 = arith.addi %add3A_1190, %add3A_2281 : i32
      %lt3A_2283 = arith.constant 100 : i32
      %lt3A_2284 = arith.cmpi slt, %add3A_2282, %lt3A_2283 : i32
      %convert_element_type3A_2285 = arith.extui %lt3A_2284 : i1 to i32
      %cond3A_2286 = arith.constant 0 : i32
      %cond3A_2287 = arith.cmpi ne, %convert_element_type3A_2285, %cond3A_2286 : i32
      scf.if %cond3A_2287 {
        %dma_start3A_2311 = arith.constant 0 : i32
        %dma_start3A_2312 = arith.constant 0 : i32
        %dma_start3A_2313 = arith.constant 0 : i32
        %dma_start3A_2314 = tpu.memref_slice %arg9[%dma_start3A_2312, %dma_start3A_2313] : memref<256x128xf32, #tpu.memory_space<vmem>> -> memref<256x128xf32, #tpu.memory_space<vmem>>
        %dma_start3A_2315 = arith.constant 0 : i32
        %dma_start3A_2316 = tpu.memref_slice %arg7[%dma_start3A_2311, %dma_start3A_2315] : memref<1x512xi32, #tpu.memory_space<vmem>> -> memref<1x256xi32, #tpu.memory_space<vmem>>
        %dma_start3A_2317 = tpu.memref_squeeze %dma_start3A_2316 : memref<1x256xi32, #tpu.memory_space<vmem>> -> memref<256xi32, #tpu.memory_space<vmem>>
        %dma_start3A_2318 = arith.constant 0 : i32
        %dma_start3A_2319 = arith.constant 0 : i32
        %dma_start3A_2320 = tpu.memref_slice %arg2[%dma_start3A_2318, %dma_start3A_2319] : memref<100000x128xf32, #tpu.memory_space<hbm>> -> memref<100000x128xf32, #tpu.memory_space<hbm>>
        tpu.enqueue_indirect_dma source(%dma_start3A_2320 : memref<100000x128xf32, #tpu.memory_space<hbm>>) target(%dma_start3A_2314 : memref<256x128xf32, #tpu.memory_space<vmem>>) offsets(%dma_start3A_2317 : memref<256xi32, #tpu.memory_space<vmem>>) semaphore(%arg14 : memref<!tpu.dma_semaphore, #tpu.memory_space<semaphore_mem>>)
      } else {
      }
      %rem3A_2288 = arith.constant 100 : i32
      %rem3A_2289 = arith.remsi %add3A_1193, %rem3A_2288 : i32
      %add3A_2290 = arith.addi %select_n3A_36, %rem3A_2289 : i32
      %mul3A_2291 = arith.constant 256 : i32
      %mul3A_2292 = arith.muli %select_n3A, %mul3A_2291 : i32
      %mul3A_2293 = arith.constant 4096 : i32
      %mul3A_2294 = arith.muli %add3A_2290, %mul3A_2293 : i32
      %add3A_2295 = arith.addi %mul3A_2294, %mul3A_2292 : i32
      %dma_start3A_2296 = arith.constant 0 : i32
      %dma_start3A_2297 = tpu.memref_slice %arg5[%add3A_2295, %dma_start3A_2296] : memref<819200x128xf32, #tpu.memory_space<hbm>> -> memref<256x128xf32, #tpu.memory_space<hbm>>
      %dma_start3A_2298 = arith.constant 0 : i32
      %dma_start3A_2299 = tpu.memref_slice %arg5[%add3A_2295, %dma_start3A_2298] : memref<819200x128xf32, #tpu.memory_space<hbm>> -> memref<256x128xf32, #tpu.memory_space<hbm>>
      tpu.enqueue_dma source(%arg10 : memref<256x128xf32, #tpu.memory_space<vmem>>) target(%dma_start3A_2299 : memref<256x128xf32, #tpu.memory_space<hbm>>) target_semaphore(%arg17 : memref<!tpu.dma_semaphore, #tpu.memory_space<semaphore_mem>>)
      %dma_start3A_2300 = arith.constant 0 : i32
      %dma_start3A_2301 = tpu.memref_slice %arg6[%dma_start3A_2300, %add3A_2290, %mul3A_2292] : memref<8x200x4096xf32, #tpu.memory_space<hbm>> -> memref<8x1x256xf32, #tpu.memory_space<hbm>>
      %dma_start3A_2302 = arith.constant 0 : i32
      %dma_start3A_2303 = tpu.memref_slice %arg6[%dma_start3A_2302, %add3A_2290, %mul3A_2292] : memref<8x200x4096xf32, #tpu.memory_space<hbm>> -> memref<8x1x256xf32, #tpu.memory_space<hbm>>
      tpu.enqueue_dma source(%arg12 : memref<8x1x256xf32, #tpu.memory_space<vmem>>) target(%dma_start3A_2303 : memref<8x1x256xf32, #tpu.memory_space<hbm>>) target_semaphore(%arg17 : memref<!tpu.dma_semaphore, #tpu.memory_space<semaphore_mem>>)
      %add3A_2304 = arith.constant 2 : i32
      %add3A_2305 = arith.addi %add3A_1190, %add3A_2304 : i32
      %lt3A_2306 = arith.constant 100 : i32
      %lt3A_2307 = arith.cmpi slt, %add3A_2305, %lt3A_2306 : i32
      %convert_element_type3A_2308 = arith.extui %lt3A_2307 : i1 to i32
      %cond3A_2309 = arith.constant 0 : i32
      %cond3A_2310 = arith.cmpi ne, %convert_element_type3A_2308, %cond3A_2309 : i32
      scf.if %cond3A_2310 {
        %add3A_2311 = arith.constant 2 : i32
        %add3A_2312 = arith.addi %add3A_1193, %add3A_2311 : i32
        "tpu.region"() ({
          %run_scoped3A = tpu.sem_alloc : memref<!tpu.dma_semaphore, #tpu.memory_space<semaphore_mem>>
          %dma_start3A_2313 = arith.constant 0 : i32
          %dma_start3A_2314 = tpu.memref_slice %arg4[%add3A_2312, %dma_start3A_2313] : memref<3200x512xi32, #tpu.memory_space<hbm>> -> memref<1x512xi32, #tpu.memory_space<hbm>>
          %dma_start3A_2315 = arith.constant 0 : i32
          %dma_start3A_2316 = tpu.memref_slice %arg4[%add3A_2312, %dma_start3A_2315] : memref<3200x512xi32, #tpu.memory_space<hbm>> -> memref<1x512xi32, #tpu.memory_space<hbm>>
          tpu.enqueue_dma source(%dma_start3A_2316 : memref<1x512xi32, #tpu.memory_space<hbm>>) target(%arg8 : memref<1x512xi32, #tpu.memory_space<vmem>>) target_semaphore(%run_scoped3A : memref<!tpu.dma_semaphore, #tpu.memory_space<semaphore_mem>>)
          %dma_wait3A_2317 = arith.constant 0 : i32
          %dma_wait3A_2318 = tpu.memref_slice %arg4[%add3A_2312, %dma_wait3A_2317] : memref<3200x512xi32, #tpu.memory_space<hbm>> -> memref<1x512xi32, #tpu.memory_space<hbm>>
          %dma_wait3A_2319 = arith.constant 0 : i32
          %dma_wait3A_2320 = tpu.memref_slice %arg4[%add3A_2312, %dma_wait3A_2319] : memref<3200x512xi32, #tpu.memory_space<hbm>> -> memref<1x512xi32, #tpu.memory_space<hbm>>
          tpu.wait_dma2 semaphore(%run_scoped3A : memref<!tpu.dma_semaphore, #tpu.memory_space<semaphore_mem>>) src(%dma_wait3A_2320 : memref<1x512xi32, #tpu.memory_space<hbm>>) dst(%arg8 : memref<1x512xi32, #tpu.memory_space<vmem>>)
          tpu.yield
        }) : () -> ()
      } else {
      }
    }
    %scan3A_52 = arith.constant 50 : i32
    %add3A_53 = arith.constant 99 : i32
    %add3A_54 = arith.addi %mul3A_2, %add3A_53 : i32
    %rem3A_55 = arith.constant 100 : i32
    %rem3A_56 = arith.remsi %add3A_54, %rem3A_55 : i32
    %add3A_57 = arith.addi %select_n3A_36, %rem3A_56 : i32
    %mul3A_58 = arith.constant 256 : i32
    %mul3A_59 = arith.muli %select_n3A, %mul3A_58 : i32
    %mul3A_60 = arith.constant 4096 : i32
    %mul3A_61 = arith.muli %add3A_57, %mul3A_60 : i32
    %add3A_62 = arith.addi %mul3A_61, %mul3A_59 : i32
    %dma_wait3A = arith.constant 0 : i32
    %dma_wait3A_63 = tpu.memref_slice %arg5[%add3A_62, %dma_wait3A] : memref<819200x128xf32, #tpu.memory_space<hbm>> -> memref<256x128xf32, #tpu.memory_space<hbm>>
    %dma_wait3A_64 = arith.constant 0 : i32
    %dma_wait3A_65 = tpu.memref_slice %arg5[%add3A_62, %dma_wait3A_64] : memref<819200x128xf32, #tpu.memory_space<hbm>> -> memref<256x128xf32, #tpu.memory_space<hbm>>
    tpu.wait_dma2 semaphore(%arg17 : memref<!tpu.dma_semaphore, #tpu.memory_space<semaphore_mem>>) src(%arg10 : memref<256x128xf32, #tpu.memory_space<vmem>>) dst(%dma_wait3A_65 : memref<256x128xf32, #tpu.memory_space<hbm>>)
    %dma_wait3A_66 = arith.constant 0 : i32
    %dma_wait3A_67 = tpu.memref_slice %arg6[%dma_wait3A_66, %add3A_57, %mul3A_59] : memref<8x200x4096xf32, #tpu.memory_space<hbm>> -> memref<8x1x256xf32, #tpu.memory_space<hbm>>
    %dma_wait3A_68 = arith.constant 0 : i32
    %dma_wait3A_69 = tpu.memref_slice %arg6[%dma_wait3A_68, %add3A_57, %mul3A_59] : memref<8x200x4096xf32, #tpu.memory_space<hbm>> -> memref<8x1x256xf32, #tpu.memory_space<hbm>>
    tpu.wait_dma2 semaphore(%arg17 : memref<!tpu.dma_semaphore, #tpu.memory_space<semaphore_mem>>) src(%arg12 : memref<8x1x256xf32, #tpu.memory_space<vmem>>) dst(%dma_wait3A_69 : memref<8x1x256xf32, #tpu.memory_space<hbm>>)
    return
  }
}

module attributes {stable_mosaic.version = 14 : i64} {
  func.func @body(%arg0: i32, %arg1: memref<256x200xi32, #tpu.memory_space<vmem>>, %arg2: memref<256x200xi32, #tpu.memory_space<vmem>>, %arg3: memref<256x200xi32, #tpu.memory_space<vmem>>, %arg4: memref<256x200xi32, #tpu.memory_space<vmem>>, %arg5: memref<1x200x512xi32, #tpu.memory_space<vmem>>) attributes {dimension_semantics = [#tpu.dimension_semantics<arbitrary>], iteration_bounds = array<i64: 16>, scalar_prefetch = 0 : i64, scratch_operands = 0 : i64, tpu.core_type = #tpu.core_type<tc>, window_params = [{transform_indices = @transform_0, window_bounds = array<i64: 256, 200>}, {transform_indices = @transform_1, window_bounds = array<i64: 256, 200>}, {transform_indices = @transform_2, window_bounds = array<i64: 256, 200>}, {transform_indices = @transform_3, window_bounds = array<i64: 256, 200>}, {transform_indices = @transform_4, window_bounds = array<i64: 1, 200, 512>}]} {
    %get3A = arith.constant 0 : index
    %get3A_0 = arith.constant 0 : index
    %get3A_1 = vector.load %arg2[%get3A, %get3A_0] : memref<256x200xi32, #tpu.memory_space<vmem>>, vector<256x200xi32>
    %mul3A = arith.constant 4 : i32
    %mul3A_2 = vector.broadcast %mul3A : i32 to vector<256x200xi32>
    %mul3A_3 = arith.muli %get3A_1, %mul3A_2 : vector<256x200xi32>
    %get3A_4 = arith.constant 0 : index
    %get3A_5 = arith.constant 0 : index
    %get3A_6 = vector.load %arg3[%get3A_4, %get3A_5] : memref<256x200xi32, #tpu.memory_space<vmem>>, vector<256x200xi32>
    %mul3A_7 = arith.constant 2 : i32
    %mul3A_8 = vector.broadcast %mul3A_7 : i32 to vector<256x200xi32>
    %mul3A_9 = arith.muli %get3A_6, %mul3A_8 : vector<256x200xi32>
    %add3A = arith.addi %mul3A_3, %mul3A_9 : vector<256x200xi32>
    %get3A_10 = arith.constant 0 : index
    %get3A_11 = arith.constant 0 : index
    %get3A_12 = vector.load %arg4[%get3A_10, %get3A_11] : memref<256x200xi32, #tpu.memory_space<vmem>>, vector<256x200xi32>
    %add3A_13 = arith.addi %add3A, %get3A_12 : vector<256x200xi32>
    %get3A_14 = arith.constant 0 : index
    %get3A_15 = arith.constant 0 : index
    %get3A_16 = vector.load %arg1[%get3A_14, %get3A_15] : memref<256x200xi32, #tpu.memory_space<vmem>>, vector<256x200xi32>
    %transpose3A = tpu.transpose %get3A_16, [1, 0] : vector<256x200xi32> -> vector<200x256xi32>
    %swap3A = arith.constant 0 : index
    %swap3A_17 = arith.constant 0 : index
    %swap3A_18 = arith.constant 0 : index
    %swap3A_19 = vector.load %arg5[%swap3A, %swap3A_17, %swap3A_18] : memref<1x200x512xi32, #tpu.memory_space<vmem>>, vector<1x200x256xi32>
    %swap3A_20 = vector.shape_cast %swap3A_19 : vector<1x200x256xi32> to vector<200x256xi32>
    %swap3A_21 = vector.shape_cast %transpose3A : vector<200x256xi32> to vector<1x200x256xi32>
    tpu.vector_store %arg5[%swap3A, %swap3A_17, %swap3A_18], %swap3A_21 {strides = array<i32>} : memref<1x200x512xi32, #tpu.memory_space<vmem>>, vector<1x200x256xi32>,
    %transpose3A_22 = tpu.transpose %add3A_13, [1, 0] : vector<256x200xi32> -> vector<200x256xi32>
    %swap3A_23 = arith.constant 0 : index
    %swap3A_24 = arith.constant 0 : index
    %swap3A_25 = arith.constant 256 : index
    %swap3A_26 = vector.load %arg5[%swap3A_23, %swap3A_24, %swap3A_25] : memref<1x200x512xi32, #tpu.memory_space<vmem>>, vector<1x200x256xi32>
    %swap3A_27 = vector.shape_cast %swap3A_26 : vector<1x200x256xi32> to vector<200x256xi32>
    %swap3A_28 = vector.shape_cast %transpose3A_22 : vector<200x256xi32> to vector<1x200x256xi32>
    tpu.vector_store %arg5[%swap3A_23, %swap3A_24, %swap3A_25], %swap3A_28 {strides = array<i32>} : memref<1x200x512xi32, #tpu.memory_space<vmem>>, vector<1x200x256xi32>,
    return
  }
  func.func @transform_0(%arg0: i32) -> (i32, i32) {
    %c0_i32 = arith.constant 0 : i32
    %c0_i32_0 = arith.constant 0 : i32
    return %arg0, %c0_i32 : i32, i32
  }
  func.func @transform_1(%arg0: i32) -> (i32, i32) {
    %c0_i32 = arith.constant 0 : i32
    %c0_i32_0 = arith.constant 0 : i32
    return %arg0, %c0_i32 : i32, i32
  }
  func.func @transform_2(%arg0: i32) -> (i32, i32) {
    %c0_i32 = arith.constant 0 : i32
    %c0_i32_0 = arith.constant 0 : i32
    return %arg0, %c0_i32 : i32, i32
  }
  func.func @transform_3(%arg0: i32) -> (i32, i32) {
    %c0_i32 = arith.constant 0 : i32
    %c0_i32_0 = arith.constant 0 : i32
    return %arg0, %c0_i32 : i32, i32
  }
  func.func @transform_4(%arg0: i32) -> (i32, i32, i32) {
    %c0_i32 = arith.constant 0 : i32
    %c0_i32_0 = arith.constant 0 : i32
    %c0_i32_1 = arith.constant 0 : i32
    return %arg0, %c0_i32, %c0_i32_0 : i32, i32, i32
  }
}

</mosaic_0001>

<sc_bundles>
// kernel: kernel.4.cloned.1.call-start
scs
__scs_entry_jumppad:
0x0: {  	(pc) =	sbr.rel $0x88, $3  }
0x1: {  	(tag) =	ssettag $0x0;
	lr =	simm.s32 $0x1  }
0x2: {  	[smem:$0x3F9A] =	sst lr;
	_ =	strace $0xD0000000  }
0x3: {  	_ = 	snop  }
0x4: {  	_ = 	snop  }
0x5: {  	_ = 	snop  }
0x6: {  	_ = 	snop  }
0x7: {  	_ = 	snop  }
__scs_overlays_trampoline_lowered:
0x8: {  	[smem:$0x3FA9] =	sst s0  }
0x9: {  	[smem:$0x3FAA] =	sst s1  }
0xa: {  	[smem:$0x3FAB] =	sst s2  }
0xb: {  	[smem:$0x3FAC] =	sst s3  }
0xc: {  	[smem:$0x3FAD] =	sst s4  }
0xd: {  	[smem:$0x3FAE] =	sst s5  }
0xe: {  	[smem:$0x3FAF] =	sst s6  }
0xf: {  	[smem:$0x3FB0] =	sst s7  }
0x10: {  	[smem:$0x3FB1] =	sst s8  }
0x11: {  	[smem:$0x3FB2] =	sst s9;
	s0 =	simm.s32 @!p0 $0x0  }
0x12: {  	s1 =	sld [smem:$0x3F98];
	s0 =	simm.s32 @p0 $0x1  }
0x13: {  	[smem:$0x3FB3] =	sst s0;
	s0 =	simm.s32 @!p1 $0x0  }
0x14: {  	s2 =	sld [smem:$0x3F97];
	s0 =	simm.s32 @p1 $0x1  }
0x15: {  	[smem:$0x3FB4] =	sst s0;
	s0 =	simm.s32 @!p2 $0x0  }
0x16: {  	s3 =	sld [smem:$0x3FDB];
	s0 =	simm.s32 @p2 $0x1  }
0x17: {  	s4 =	simm.s32 $0x1BF5;
	[smem:$0x3FB6] =	sst s0  }
0x18: {  	s0 =	sld [smem:$0x3F99];
	_ =	swait.ge [sflag:s4], $0x0  }
0x19: {  	s7 =	sld [smem:$0x3F9A]  }
0x1a: {  	s8 =	sadd.s32 $0xFFFFE003, lr  }
0x1b: {  	s9 =	sadd.s32 $0xFFFFFEF7, lr;
	s5 =	simm.s32 $0xFFFFFFFF;
	p2 =	slt.u32 s8, $0xFFFFF086  }
0x1c: {  	p1 =	slt.u32 s9, $0xF7A;
	s5 =	simm.s32 @!p2 $0x0  }
0x1d: {  	s5 =	simm.s32 @p1 $0x1;
	p0 =	seq.s32 s7, s2  }
0x1e: {  	s7 =	smul.u32 @!p0 $0xF7A, s2;
	p2 =	seq.s32 @!p0 s5, $0x0  }
0x1f: {  	s9 =	smul.u32 $0xF7A, s1;
	s8 =	simm.s32 @!p0 $0x1BF5;
	p2 =	por !p2, p0  }
0x20: {  	[sflag:s8] =	ssyncset.s32 @!p0 $0xFFFFF086;
	s6 =	sadd.s32 @!p0 s3, s7;
	s7 =	simm.s32 @!p0 $0x108  }
0x21: {  	s3 =	sadd.s32 s3, s9;
	s6 =	sadd.s32 @!p0 $0x88, s6;
	s7 =	simm.s32 @p2 $0x1082  }
0x22: {  	[simem:s7], [sflag:s8] =	dma.local @!p0 [hbm:s6], $0xF7A  }
0x23: {  	s9 =	sor.u32 $0xD0000000, s2;
	s6 =	simm.s32 $0x108;
	_ =	swait.ge @!p0 [sflag:s8], $0x0  }
0x24: {  	s3 =	sadd.s32 $0x88, s3;
	s6 =	simm.s32 @!p1 $0x1082;
	[sflag:s4] =	ssyncset.s32 $0xFFFFF086  }
0x25: {  	[simem:s6], [sflag:s4] =	dma.local [hbm:s3], $0xF7A  }
0x26: {  	[smem:$0x3F9A] =	sst s1;
	(tag) =	ssettag s2;
	_ =	strace s9  }
0x27: {  	s1 =	sld [smem:$0x3FAA]  }
0x28: {  	s2 =	sld [smem:$0x3FAB]  }
0x29: {  	s4 =	sld [smem:$0x3FAD]  }
0x2a: {  	p0 =	seq.s32 s5, $0x0;
	s5 =	sld [smem:$0x3FAE]  }
0x2b: {  	s6 =	sld [smem:$0x3FAF]  }
0x2c: {  	s7 =	sld [smem:$0x3FB0]  }
0x2d: {  	s3 =	simm.s32 $0x108;
	s8 =	sld [smem:$0x3FB1]  }
0x2e: {  	s3 =	simm.s32 @!p0 $0x1082;
	s9 =	sld [smem:$0x3FB2]  }
0x2f: {  	lr =	sadd.s32 s0, s3;
	s0 =	sld [smem:$0x3FA9]  }
0x30: {  	s3 =	sld [smem:$0x3FAC]  }
0x31: {  	[smem:$0x3FB5] =	sst s10  }
0x32: {  	s10 =	sld [smem:$0x3FB3];
	_ =	sdelay $0x3  }
0x33: {  	p0 =	seq.s32 s10, $0x1;
	s10 =	sld [smem:$0x3FB5];
	_ =	sdelay $0x3  }
0x34: {  	[smem:$0x3FB5] =	sst s10  }
0x35: {  	s10 =	sld [smem:$0x3FB4];
	_ =	sdelay $0x3  }
0x36: {  	p1 =	seq.s32 s10, $0x1;
	s10 =	sld [smem:$0x3FB5];
	_ =	sdelay $0x3  }
0x37: {  	[smem:$0x3FB5] =	sst s10  }
0x38: {  	s10 =	sld [smem:$0x3FB6]  }
0x39: {  	_ = 	snop;
	(pc) =	sbr.ind lr, $3  }
0x3a: {  	_ = 	snop  }
0x3b: {  	_ = 	snop  }
0x3c: {  	p2 =	seq.s32 s10, $0x1;
	s10 =	sld [smem:$0x3FB5]  }
0x3d: {  	_ =	shalt  }
0x3e: {  	_ =	shalt  }
0x3f: {  	_ =	shalt  }
0x40: {  	_ =	shalt  }
0x41: {  	_ =	shalt  }
0x42: {  	_ =	shalt  }
0x43: {  	_ =	shalt  }
0x44: {  	_ =	shalt  }
0x45: {  	_ =	shalt  }
0x46: {  	_ =	shalt  }
0x47: {  	_ =	shalt  }
0x48: {  	_ =	shalt  }
0x49: {  	_ =	shalt  }
0x4a: {  	_ =	shalt  }
0x4b: {  	_ =	shalt  }
0x4c: {  	_ =	shalt  }
0x4d: {  	_ =	shalt  }
0x4e: {  	_ =	shalt  }
0x4f: {  	_ =	shalt  }
0x50: {  	_ =	shalt  }
0x51: {  	_ =	shalt  }
0x52: {  	_ =	shalt  }
0x53: {  	_ =	shalt  }
0x54: {  	_ =	shalt  }
0x55: {  	_ =	shalt  }
0x56: {  	_ =	shalt  }
0x57: {  	_ =	shalt  }
0x58: {  	_ =	shalt  }
0x59: {  	_ =	shalt  }
0x5a: {  	_ =	shalt  }
0x5b: {  	_ =	shalt  }
0x5c: {  	_ =	shalt  }
0x5d: {  	_ =	shalt  }
0x5e: {  	_ =	shalt  }
0x5f: {  	_ =	shalt  }
0x60: {  	_ =	shalt  }
0x61: {  	_ =	shalt  }
0x62: {  	_ =	shalt  }
0x63: {  	_ =	shalt  }
0x64: {  	_ =	shalt  }
0x65: {  	_ =	shalt  }
0x66: {  	_ =	shalt  }
0x67: {  	_ =	shalt  }
0x68: {  	_ =	shalt  }
0x69: {  	_ =	shalt  }
0x6a: {  	_ =	shalt  }
0x6b: {  	_ =	shalt  }
0x6c: {  	_ =	shalt  }
0x6d: {  	_ =	shalt  }
0x6e: {  	_ =	shalt  }
0x6f: {  	_ =	shalt  }
0x70: {  	_ =	shalt  }
0x71: {  	_ =	shalt  }
0x72: {  	_ =	shalt  }
0x73: {  	_ =	shalt  }
0x74: {  	_ =	shalt  }
0x75: {  	_ =	shalt  }
0x76: {  	_ =	shalt  }
0x77: {  	_ =	shalt  }
0x78: {  	_ =	shalt  }
0x79: {  	_ =	shalt  }
0x7a: {  	_ =	shalt  }
0x7b: {  	_ =	shalt  }
0x7c: {  	_ =	shalt  }
0x7d: {  	_ =	shalt  }
0x7e: {  	_ =	shalt  }
0x7f: {  	_ =	shalt  }
0x80: {  	_ =	shalt  }
0x81: {  	_ =	shalt  }
0x82: {  	_ =	shalt  }
0x83: {  	_ =	shalt  }
0x84: {  	_ =	shalt  }
0x85: {  	_ =	shalt  }
0x86: {  	_ =	shalt  }
0x87: {  	_ =	shalt  }
.Lfunc_end0:
.L_simem_size_0:
called_computation.1_lowered:
.L_overlay_start_0:
0x88: {  	s2 =	sld [smem:$0x3FD9]  }
0x89: {  	s3 =	sld [smem:$0x3FFE];
	_ =	sdelay $0x1  }
0x8a: {  	s1 =	srdreg.scid  }
0x8b: {  	s0 =	sand.u32 $0x1, s1  }
0x8c: {  	s17 =	sshll.u32 s0, $0xA;
	s2 =	sadd.s32 s3, s2  }
0x8d: {  	s2 =	sadd.s32 s2, s17  }
0x8e: {  	[smem:$0x3FC1] =	sst s2  }
0x8f: {  	_ = 	snop  }
0x90: {  	s2 =	sld [smem:$0x3FD0];
	(tm) =	ssettm $0x1  }
0x91: {  	s18 =	sld [smem:$0x3FFB];
	_ =	sdelay $0x3  }
0x92: {  	_ =	strace s18  }
0x93: {  	s3 =	sld [smem:$0x3FFC];
	_ =	sdelay $0x3  }
0x94: {  	_ =	strace s3  }
0x95: {  	s3 =	sld [smem:$0x3FFD];
	_ =	sdelay $0x3  }
0x96: {  	_ =	strace s3  }
0x97: {  	_ =	strace $0x8FFFFFFF  }
0x98: {  	s19 =	sld [smem:$0x3FDB];
	_ =	sdelay $0x1  }
0x99: {  	s4 =	simm.s32 $_scs_section_size  }
0x9a: {  	s5 =	simm.s32 $_size__tile_overlayer_lowered;
	s6 =	simm.s32 $_tile_overlayer_lowered  }
0x9b: {  	s22 =	simm.s32 $0x1BFF;
	s21 =	sshll.u32 s6, $0x1;
	s3 =	sadd.s32 s4, s19  }
0x9c: {  	s7 =	simm.s32 $0x0;
	s20 =	sshll.u32 s5, $0x1;
	s5 =	sadd.s32 s21, s3  }
0x9d: {  	[timem:s7], [sflag:s22] =	dma.local [hbm:s5], s20  }
0x9e: {  	_ =	swait.ge [sflag:s22], s20  }
0x9f: {  	s4 =	ssub.s32 $0x0, s20;
	[sflag:s22] =	ssyncset.done $0x0  }
0xa0: {  	[sflag:s22] =	ssyncadd.s32 s4;
	_ =	sdelay $0x1  }
0xa1: {  	s23 =	simm.s32 $0x1B8B  }
0xa2: {  	_ =	swait.ge [sflag:s23], $0x1  }
0xa3: {  	[sflag:s23] =	ssyncset.done $0x0  }
0xa4: {  	s25 =	simm.s32 $0x1B8E;
	s24 =	sld [smem:$0x3FFE];
	[sflag:s23] =	ssyncadd.s32 $0xFFFFFFFF  }
0xa5: {  	s26 =	simm.s32 $execute0_lowered;
	[smem:$0x3FD2] =	sst s25  }
0xa6: {  	s5 =	sshll.u32 s26, $0x1;
	_ =	strace $0x80000046;
	[dreg:$0x1] =	wrdreg $0xFFFFFFFF  }
0xa7: {  	s28 =	simm.s32 $_size_execute0_lowered;
	s3 =	sadd.s32 s3, s5;
	[dreg:$0x0] =	wrdreg $0x0  }
0xa8: {  	s5 =	sshll.u32 s28, $0x1;
	[dreg:$0x2] =	wrdreg s3  }
0xa9: {  	[dreg:$0x3] =	wrdreg s5  }
0xaa: {  	[dreg:$0x4] =	wrdreg $0xC0  }
0xab: {  	_ =	task [dreg:s7], $0x5FFFF  }
0xac: {  	[dreg:$0x1] =	wrdreg $0xFFFFFFFF  }
0xad: {  	[dreg:$0x0] =	wrdreg $0x60  }
0xae: {  	[dreg:$0x2] =	wrdreg s24  }
0xaf: {  	[dreg:$0x3] =	wrdreg s2  }
0xb0: {  	[dreg:$0x4] =	wrdreg $0x9  }
0xb1: {  	_ =	task.clear_ibuf [dreg:s7], $0x5FFFF;
	_ =	strace $0x90000046  }
0xb2: {  	s29 =	simm.s32 $0x9;
	_ =	strace $0x80000048  }
0xb3: {  	_ =	swait.ge [sflag:s29], $0x1  }
0xb4: {  	[sflag:s29] =	ssyncadd.s32 $0xFFFFFFFF  }
0xb5: {  	_ =	strace $0x90000048  }
0xb6: {  	_ =	sfence  }
0xb7: {  	s30 =	sld [smem:$0x0];
	_ =	sdelay $0x2  }
0xb8: {  	s31 =	sshll.u32 s1, $0xD;
	s1 =	sshrl.u32 s1, $0x2  }
0xb9: {  	s3 =	sand.u32 $0x4000, s31;
	s1 =	sadd.s32 s1, s30  }
0xba: {  	s0 =	sor.u32 s3, s0;
	s1 =	sshll.u32 s1, $0x11  }
0xbb: {  	s0 =	sor.u32 s1, s0  }
0xbc: {  	s0 =	sadd.s32 $0x8F2B, s0  }
0xbd: {  	[sflag:s0] =	ssyncadd.remote.s32 $0x1  }
0xbe: {  	_ =	sfence.sel $0xFFFF  }
0xbf: {  	[dreg:$0x0] =	wrdreg $0xFFFFFFFF;
	(pc) =	sbr.abs _section_cstart, $3  }
0xc0: {  	[dreg:$0x1] =	wrdreg $0xFFFFFFFF  }
0xc1: {  	_ =	task.clear_ibuf [dreg:s7], $0x2FFFF;
	_ =	strace $0x9FFFFFFF  }
0xc2: {  	(tm) =	ssettm $0x7FFFFFFF  }
0xc3: {  	_ =	shalt  }
tec
execute0_lowered:
.L_overlay_start_1:
0x0: {  	(tag) =	ssettag $0x1  }
0x1: {  	s14 =	stileid.u32  }
0x2: {  	s0 =	srdreg.scid;
	s4 =	smul.u32 $0xC8, s14  }
0x3: {  	s1 =	rddreg [dreg:$0x0];
	s8 =	smul.u32 $0x3200, s14  }
0x4: {  	s2 =	rddreg [dreg:$0x1];
	s12 =	smul.u32 $0xC81000, s14  }
0x5: {  	s28 =	simm.s32 $0x3;
	s0 =	sand.u32 $0x1, s0;
	s22 =	smul.u32 $0xC8100, s14  }
0x6: {  	s29 =	simm.s32 $0x2;
	s30 =	simm.s32 $0x10C00;
	s5 =	smul.u32 $0x64, s0  }
0x7: {  	s3 =	sshll.u32 s14, $0x1;
	s10 =	sadd.s32 $0xE00, s1;
	s9 =	smul.u32 $0x1900, s0  }
0x8: {  	s19 =	sadd.s32 $0x1000, s1;
	s6 =	sor.u32 s0, s3;
	s20 =	smul.u32 $0x640000, s0  }
0x9: {  	s3 =	simm.s32 $0x0;
	s11 =	ssub.s32 $0x2, s0;
	s0 =	smul.u32 $0x64000, s0  }
0xa: {  	s7 =	smul.u32 $0x1900, s6;
	[smem:$0x7FF] =	sst s3;
	s13 =	sshrl.u32 s11, $0x1  }
0xb: {  	s8 =	sadd.s32 s8, s19;
	s18 =	sadd.s32 s5, s4;
	_ =	strace $0x80000047  }
0xc: {  	s5 =	sadd.s32 $0x33000, s1;
	[dreg:$0x4] =	wrdreg s10;
	s1 =	sadd.s32 $0x1B9A00, s1  }
0xd: {  	s11 =	ssub.s32 s11, s13;
	s10 =	sadd.s32 s9, s8;
	s0 =	sadd.s32 s0, s22  }
0xe: {  	s22 =	simm.s32 $0x200;
	s4 =	smul.u32 $0x147B, s18;
	s15 =	sadd.s32 s19, s7  }
0xf: {  	s23 =	smax.u32 s11, $0x1;
	s11 =	sadd.s32 s20, s12;
	[dreg:$0x3] =	wrdreg s18  }
0x10: {  	s31 =	sor.u32 $0x1, s18;
	s19 =	simm.s32 $0x5;
	[dreg:$0x5] =	wrdreg s15  }
0x11: {  	s20 =	simm.s32 $0x100;
	[dreg:$0x7] =	wrdreg s23;
	s4 =	sshrl.u32 s4, $0x14  }
0x12: {  	s21 =	sadd.s32 $0x40, s15;
	[dreg:$0xa] =	wrdreg s31;
	s4 =	smul.u32 $0xC8, s4  }
0x13: {  	s26 =	sadd.s32 s1, s11;
	s23 =	simm.s32 $0x1;
	[dreg:$0x6] =	wrdreg s21  }
0x14: {  	s21 =	simm.s32 $0x400;
	s4 =	ssub.s32 s18, s4;
	s18 =	simm.s32 $0x11400  }
.Ltmp0:
0x15: {  	s24 =	sand.u32 $0xFFFC, s4;
	s12 =	sshll.u32 s4, $0x10;
	(pc) =	sbr.rel .LBB2_1-.Ltmp0, $4  }
0x16: {  	s4 =	sadd.s32 $0x10000, s26;
	s26 =	simm.s32 $0x10400;
	s25 =	sshll.u32 s24, $0xC  }
0x17: {  	[dreg:$0x9] =	wrdreg s4;
	s17 =	sadd.s32 s12, s1;
	s0 =	sadd.s32 s25, s0  }
0x18: {  	s24 =	simm.s32 $0x8400;
	[dreg:$0x8] =	wrdreg s0;
	s0 =	sadd.s32 $0x1000, s0  }
0x19: {  	s4 =	simm.s32 $0x0;
	s25 =	simm.s32 $0xC8000;
	[dreg:$0xb] =	wrdreg s0  }
.LBB2_4:
0x1a: {  	s1 =	simm.s32 $0x4  }
0x1b: {  	_ =	swait.ge [sflag:s1], $0x8000  }
0x1c: {  	[sflag:s1] =	ssyncset.done $0x0  }
0x1d: {  	[sflag:s1] =	ssyncadd.s32 $0xFFFF8000  }
0x1e: {  	_ =	swait.ge [sflag:s1], $0x800  }
0x1f: {  	s4 =	rddreg [dreg:$0xc]  }
0x20: {  	s0 =	rddreg [dreg:$0x7];
	s4 =	sadd.s32 $0x1, s4  }
0x21: {  	p0 =	sne.s32 s4, s0  }
.Ltmp1:
0x22: {  	_ = 	snop;
	(pc) =	sbr.rel @!p0 .LBB2_5-.Ltmp1, $3  }
0x23: {  	_ =	sdelay $0x1  }
0x24: {  	[sflag:s1] =	ssyncset.done $0x0  }
0x25: {  	[sflag:s1] =	ssyncadd.s32 $0xFFFFF800  }
.LBB2_1:
0x26: {  	[dreg:$0xc] =	wrdreg s4  }
0x27: {  	s0 =	rddreg [dreg:$0x4]  }
0x28: {  	[tilespmem:s18], [sflag:$0x5] =	stream.linear.gather [hbm4b:s0+s3], $0x760, $0x38;
	[tilespmem:$0x11B60] =	vst v63  }
0x29: {  	_ =	swait.ge [sflag:s19], $0x760  }
0x2a: {  	[sflag:s19] =	ssyncset.done $0x0  }
0x2b: {  	s16 =	rddreg [dreg:$0x5];
	[sflag:s19] =	ssyncadd.s32 $0xFFFFF8A0  }
0x2c: {  	[tilespmem:s3], [sflag:$0x5] =	stream.linear.gather [hbm4b:s16+s3], $0x200, $0x38;
	[tilespmem:$0x11B60] =	vst v63  }
0x2d: {  	_ =	swait.ge [sflag:s19], $0x200  }
0x2e: {  	[sflag:s19] =	ssyncset.done $0x0  }
0x2f: {  	[sflag:s19] =	ssyncadd.s32 $0xFFFFFE00  }
0x30: {  	[tilespmem:s21], [sflag:$0x1] =	stream.indirect.gather [hbm4b:s5+s20], $0x80, s3, s20, $0xb8;
	[tilespmem:$0x11B60] =	vst v63  }
0x31: {  	s31 =	rddreg [dreg:$0x6]  }
0x32: {  	[tilespmem:s22], [sflag:$0x5] =	stream.linear.gather [hbm4b:s31+s3], $0x200, $0x38;
	[tilespmem:$0x11B60] =	vst v63  }
0x33: {  	_ =	swait.ge [sflag:s19], $0x200  }
0x34: {  	s13 =	rddreg [dreg:$0x8]  }
0x35: {  	s4 =	rddreg [dreg:$0x3]  }
0x36: {  	s16 =	rddreg [dreg:$0xb]  }
0x37: {  	s8 =	simm.s32 $0x0;
	[sflag:s19] =	ssyncset.done $0x0;
	s15 =	rddreg [dreg:$0xa]  }
0x38: {  	s7 =	simm.s32 $0x0;
	s14 =	rddreg [dreg:$0x9];
	[sflag:s19] =	ssyncadd.s32 $0xFFFFFE00  }
.LBB2_2:
0x39: {  	p0 =	seq.s32 s7, $0x0  }
0x3a: {  	s9 =	simm.s32 @!p0 $0x4  }
0x3b: {  	_ =	swait.ge @!p0 [sflag:s9], $0x8000  }
0x3c: {  	[sflag:s9] =	ssyncset.done @!p0 $0x0  }
0x3d: {  	[sflag:s9] =	ssyncadd.s32 @!p0 $0xFFFF8000  }
0x3e: {  	_ =	swait.ge @!p0 [sflag:s9], $0x800  }
0x3f: {  	[sflag:s9] =	ssyncset.done @!p0 $0x0  }
0x40: {  	[sflag:s9] =	ssyncadd.s32 @!p0 $0xFFFFF800  }
0x41: {  	v0 =	vld [tilespmem:$0x100];
	_ =	sdelay $0x4  }
0x42: {  	v0 =	vshll.u32 v0, $0x3;
	_ =	sdelay $0x4  }
0x43: {  	v1 =	vld.idx.msk [tilespmem:v0+s18+$0x0], $0xffff  }
0x44: {  	v2 =	vor.u32 $0x1, v0;
	_ =	sdelay $0x3  }
0x45: {  	[tilespmem:$0x10400] =	vst v1  }
0x46: {  	v1 =	vld.idx.msk [tilespmem:v2+s18+$0x0], $0xffff  }
0x47: {  	v25 =	vor.u32 $0x2, v0;
	_ =	sdelay $0x3  }
0x48: {  	[tilespmem:$0x10500] =	vst v1  }
0x49: {  	v1 =	vld.idx.msk [tilespmem:v25+s18+$0x0], $0xffff  }
0x4a: {  	v26 =	vor.u32 $0x3, v0;
	_ =	sdelay $0x3  }
0x4b: {  	[tilespmem:$0x10600] =	vst v1  }
0x4c: {  	v1 =	vld.idx.msk [tilespmem:v26+s18+$0x0], $0xffff  }
0x4d: {  	v27 =	vor.u32 $0x4, v0;
	_ =	sdelay $0x3  }
0x4e: {  	[tilespmem:$0x10700] =	vst v1  }
0x4f: {  	v1 =	vld.idx.msk [tilespmem:v27+s18+$0x0], $0xffff  }
0x50: {  	v0 =	vor.u32 $0x5, v0  }
0x51: {  	v28 =	vld [tilespmem:$0x110];
	_ =	sdelay $0x2  }
0x52: {  	[tilespmem:$0x10800] =	vst v1  }
0x53: {  	v0 =	vld.idx.msk [tilespmem:v0+s18+$0x0], $0xffff  }
0x54: {  	v29 =	vshll.u32 v28, $0x3;
	_ =	sdelay $0x3  }
0x55: {  	[tilespmem:$0x10900] =	vst v0  }
0x56: {  	v0 =	vld.idx.msk [tilespmem:v29+s18+$0x0], $0xffff  }
0x57: {  	v2 =	vor.u32 $0x1, v29;
	_ =	sdelay $0x3  }
0x58: {  	[tilespmem:$0x10410] =	vst v0  }
0x59: {  	v0 =	vld.idx.msk [tilespmem:v2+s18+$0x0], $0xffff  }
0x5a: {  	v30 =	vor.u32 $0x2, v29;
	_ =	sdelay $0x3  }
0x5b: {  	[tilespmem:$0x10510] =	vst v0  }
0x5c: {  	v0 =	vld.idx.msk [tilespmem:v30+s18+$0x0], $0xffff  }
0x5d: {  	v31 =	vor.u32 $0x3, v29;
	_ =	sdelay $0x3  }
0x5e: {  	[tilespmem:$0x10610] =	vst v0  }
0x5f: {  	v0 =	vld.idx.msk [tilespmem:v31+s18+$0x0], $0xffff  }
0x60: {  	v32 =	vor.u32 $0x4, v29;
	_ =	sdelay $0x3  }
0x61: {  	[tilespmem:$0x10710] =	vst v0  }
0x62: {  	v0 =	vld.idx.msk [tilespmem:v32+s18+$0x0], $0xffff  }
0x63: {  	v1 =	vor.u32 $0x5, v29  }
0x64: {  	v33 =	vld [tilespmem:$0x120];
	_ =	sdelay $0x2  }
0x65: {  	[tilespmem:$0x10810] =	vst v0  }
0x66: {  	v0 =	vld.idx.msk [tilespmem:v1+s18+$0x0], $0xffff  }
0x67: {  	v34 =	vshll.u32 v33, $0x3;
	_ =	sdelay $0x3  }
0x68: {  	[tilespmem:$0x10910] =	vst v0  }
0x69: {  	v0 =	vld.idx.msk [tilespmem:v34+s18+$0x0], $0xffff  }
0x6a: {  	v2 =	vor.u32 $0x1, v34;
	_ =	sdelay $0x3  }
0x6b: {  	[tilespmem:$0x10420] =	vst v0  }
0x6c: {  	v0 =	vld.idx.msk [tilespmem:v2+s18+$0x0], $0xffff  }
0x6d: {  	v35 =	vor.u32 $0x2, v34;
	_ =	sdelay $0x3  }
0x6e: {  	[tilespmem:$0x10520] =	vst v0  }
0x6f: {  	v0 =	vld.idx.msk [tilespmem:v35+s18+$0x0], $0xffff  }
0x70: {  	v36 =	vor.u32 $0x3, v34;
	_ =	sdelay $0x3  }
0x71: {  	[tilespmem:$0x10620] =	vst v0  }
0x72: {  	v0 =	vld.idx.msk [tilespmem:v36+s18+$0x0], $0xffff  }
0x73: {  	v37 =	vor.u32 $0x4, v34;
	_ =	sdelay $0x3  }
0x74: {  	[tilespmem:$0x10720] =	vst v0  }
0x75: {  	v0 =	vld.idx.msk [tilespmem:v37+s18+$0x0], $0xffff  }
0x76: {  	v1 =	vor.u32 $0x5, v34  }
0x77: {  	v38 =	vld [tilespmem:$0x130];
	_ =	sdelay $0x2  }
0x78: {  	[tilespmem:$0x10820] =	vst v0  }
0x79: {  	v0 =	vld.idx.msk [tilespmem:v1+s18+$0x0], $0xffff  }
0x7a: {  	v39 =	vshll.u32 v38, $0x3;
	_ =	sdelay $0x3  }
0x7b: {  	[tilespmem:$0x10920] =	vst v0  }
0x7c: {  	v0 =	vld.idx.msk [tilespmem:v39+s18+$0x0], $0xffff  }
0x7d: {  	v2 =	vor.u32 $0x1, v39;
	_ =	sdelay $0x3  }
0x7e: {  	[tilespmem:$0x10430] =	vst v0  }
0x7f: {  	v0 =	vld.idx.msk [tilespmem:v2+s18+$0x0], $0xffff  }
0x80: {  	v40 =	vor.u32 $0x2, v39;
	_ =	sdelay $0x3  }
0x81: {  	[tilespmem:$0x10530] =	vst v0  }
0x82: {  	v0 =	vld.idx.msk [tilespmem:v40+s18+$0x0], $0xffff  }
0x83: {  	v41 =	vor.u32 $0x3, v39;
	_ =	sdelay $0x3  }
0x84: {  	[tilespmem:$0x10630] =	vst v0  }
0x85: {  	v0 =	vld.idx.msk [tilespmem:v41+s18+$0x0], $0xffff  }
0x86: {  	v42 =	vor.u32 $0x4, v39;
	_ =	sdelay $0x3  }
0x87: {  	[tilespmem:$0x10730] =	vst v0  }
0x88: {  	v0 =	vld.idx.msk [tilespmem:v42+s18+$0x0], $0xffff  }
0x89: {  	v1 =	vor.u32 $0x5, v39  }
0x8a: {  	v43 =	vld [tilespmem:$0x140];
	_ =	sdelay $0x2  }
0x8b: {  	[tilespmem:$0x10830] =	vst v0  }
0x8c: {  	v0 =	vld.idx.msk [tilespmem:v1+s18+$0x0], $0xffff  }
0x8d: {  	v44 =	vshll.u32 v43, $0x3;
	_ =	sdelay $0x3  }
0x8e: {  	[tilespmem:$0x10930] =	vst v0  }
0x8f: {  	v0 =	vld.idx.msk [tilespmem:v44+s18+$0x0], $0xffff  }
0x90: {  	v2 =	vor.u32 $0x1, v44;
	_ =	sdelay $0x3  }
0x91: {  	[tilespmem:$0x10440] =	vst v0  }
0x92: {  	v0 =	vld.idx.msk [tilespmem:v2+s18+$0x0], $0xffff  }
0x93: {  	v45 =	vor.u32 $0x2, v44;
	_ =	sdelay $0x3  }
0x94: {  	[tilespmem:$0x10540] =	vst v0  }
0x95: {  	v0 =	vld.idx.msk [tilespmem:v45+s18+$0x0], $0xffff  }
0x96: {  	v46 =	vor.u32 $0x3, v44;
	_ =	sdelay $0x3  }
0x97: {  	[tilespmem:$0x10640] =	vst v0  }
0x98: {  	v0 =	vld.idx.msk [tilespmem:v46+s18+$0x0], $0xffff  }
0x99: {  	v47 =	vor.u32 $0x4, v44;
	_ =	sdelay $0x3  }
0x9a: {  	[tilespmem:$0x10740] =	vst v0  }
0x9b: {  	v0 =	vld.idx.msk [tilespmem:v47+s18+$0x0], $0xffff  }
0x9c: {  	v1 =	vor.u32 $0x5, v44  }
0x9d: {  	v48 =	vld [tilespmem:$0x150];
	_ =	sdelay $0x2  }
0x9e: {  	[tilespmem:$0x10840] =	vst v0  }
0x9f: {  	v0 =	vld.idx.msk [tilespmem:v1+s18+$0x0], $0xffff  }
0xa0: {  	v49 =	vshll.u32 v48, $0x3;
	_ =	sdelay $0x3  }
0xa1: {  	[tilespmem:$0x10940] =	vst v0  }
0xa2: {  	v0 =	vld.idx.msk [tilespmem:v49+s18+$0x0], $0xffff  }
0xa3: {  	v2 =	vor.u32 $0x1, v49;
	_ =	sdelay $0x3  }
0xa4: {  	[tilespmem:$0x10450] =	vst v0  }
0xa5: {  	v0 =	vld.idx.msk [tilespmem:v2+s18+$0x0], $0xffff  }
0xa6: {  	v50 =	vor.u32 $0x2, v49;
	_ =	sdelay $0x3  }
0xa7: {  	[tilespmem:$0x10550] =	vst v0  }
0xa8: {  	v0 =	vld.idx.msk [tilespmem:v50+s18+$0x0], $0xffff  }
0xa9: {  	v51 =	vor.u32 $0x3, v49;
	_ =	sdelay $0x3  }
0xaa: {  	[tilespmem:$0x10650] =	vst v0  }
0xab: {  	v0 =	vld.idx.msk [tilespmem:v51+s18+$0x0], $0xffff  }
0xac: {  	v52 =	vor.u32 $0x4, v49;
	_ =	sdelay $0x3  }
0xad: {  	[tilespmem:$0x10750] =	vst v0  }
0xae: {  	v0 =	vld.idx.msk [tilespmem:v52+s18+$0x0], $0xffff  }
0xaf: {  	v1 =	vor.u32 $0x5, v49  }
0xb0: {  	v53 =	vld [tilespmem:$0x160];
	_ =	sdelay $0x2  }
0xb1: {  	[tilespmem:$0x10850] =	vst v0  }
0xb2: {  	v0 =	vld.idx.msk [tilespmem:v1+s18+$0x0], $0xffff  }
0xb3: {  	v54 =	vshll.u32 v53, $0x3;
	_ =	sdelay $0x3  }
0xb4: {  	[tilespmem:$0x10950] =	vst v0  }
0xb5: {  	v0 =	vld.idx.msk [tilespmem:v54+s18+$0x0], $0xffff  }
0xb6: {  	v2 =	vor.u32 $0x1, v54;
	_ =	sdelay $0x3  }
0xb7: {  	[tilespmem:$0x10460] =	vst v0  }
0xb8: {  	v0 =	vld.idx.msk [tilespmem:v2+s18+$0x0], $0xffff  }
0xb9: {  	v55 =	vor.u32 $0x2, v54;
	_ =	sdelay $0x3  }
0xba: {  	[tilespmem:$0x10560] =	vst v0  }
0xbb: {  	v0 =	vld.idx.msk [tilespmem:v55+s18+$0x0], $0xffff  }
0xbc: {  	v56 =	vor.u32 $0x3, v54;
	_ =	sdelay $0x3  }
0xbd: {  	[tilespmem:$0x10660] =	vst v0  }
0xbe: {  	v0 =	vld.idx.msk [tilespmem:v56+s18+$0x0], $0xffff  }
0xbf: {  	v57 =	vor.u32 $0x4, v54;
	_ =	sdelay $0x3  }
0xc0: {  	[tilespmem:$0x10760] =	vst v0  }
0xc1: {  	v0 =	vld.idx.msk [tilespmem:v57+s18+$0x0], $0xffff  }
0xc2: {  	v1 =	vor.u32 $0x5, v54  }
0xc3: {  	v58 =	vld [tilespmem:$0x170];
	_ =	sdelay $0x2  }
0xc4: {  	[tilespmem:$0x10860] =	vst v0  }
0xc5: {  	v0 =	vld.idx.msk [tilespmem:v1+s18+$0x0], $0xffff  }
0xc6: {  	v59 =	vshll.u32 v58, $0x3;
	_ =	sdelay $0x3  }
0xc7: {  	[tilespmem:$0x10960] =	vst v0  }
0xc8: {  	v0 =	vld.idx.msk [tilespmem:v59+s18+$0x0], $0xffff  }
0xc9: {  	v2 =	vor.u32 $0x1, v59;
	_ =	sdelay $0x3  }
0xca: {  	[tilespmem:$0x10470] =	vst v0  }
0xcb: {  	v0 =	vld.idx.msk [tilespmem:v2+s18+$0x0], $0xffff  }
0xcc: {  	v60 =	vor.u32 $0x2, v59;
	_ =	sdelay $0x3  }
0xcd: {  	[tilespmem:$0x10570] =	vst v0  }
0xce: {  	v0 =	vld.idx.msk [tilespmem:v60+s18+$0x0], $0xffff  }
0xcf: {  	v61 =	vor.u32 $0x3, v59;
	_ =	sdelay $0x3  }
0xd0: {  	[tilespmem:$0x10670] =	vst v0  }
0xd1: {  	v0 =	vld.idx.msk [tilespmem:v61+s18+$0x0], $0xffff  }
0xd2: {  	v62 =	vor.u32 $0x4, v59;
	_ =	sdelay $0x3  }
0xd3: {  	[tilespmem:$0x10770] =	vst v0  }
0xd4: {  	v0 =	vld.idx.msk [tilespmem:v62+s18+$0x0], $0xffff  }
0xd5: {  	v1 =	vor.u32 $0x5, v59  }
0xd6: {  	v63 =	vld [tilespmem:$0x180];
	_ =	sdelay $0x2  }
0xd7: {  	[tilespmem:$0x10870] =	vst v0  }
0xd8: {  	v0 =	vld.idx.msk [tilespmem:v1+s18+$0x0], $0xffff  }
0xd9: {  	v4 =	vshll.u32 v63, $0x3;
	_ =	sdelay $0x3  }
0xda: {  	[tilespmem:$0x10970] =	vst v0  }
0xdb: {  	v0 =	vld.idx.msk [tilespmem:v4+s18+$0x0], $0xffff  }
0xdc: {  	v2 =	vor.u32 $0x1, v4;
	_ =	sdelay $0x3  }
0xdd: {  	[tilespmem:$0x10480] =	vst v0  }
0xde: {  	v0 =	vld.idx.msk [tilespmem:v2+s18+$0x0], $0xffff  }
0xdf: {  	v5 =	vor.u32 $0x2, v4;
	_ =	sdelay $0x3  }
0xe0: {  	[tilespmem:$0x10580] =	vst v0  }
0xe1: {  	v0 =	vld.idx.msk [tilespmem:v5+s18+$0x0], $0xffff  }
0xe2: {  	v6 =	vor.u32 $0x3, v4;
	_ =	sdelay $0x3  }
0xe3: {  	[tilespmem:$0x10680] =	vst v0  }
0xe4: {  	v0 =	vld.idx.msk [tilespmem:v6+s18+$0x0], $0xffff  }
0xe5: {  	v7 =	vor.u32 $0x4, v4;
	_ =	sdelay $0x3  }
0xe6: {  	[tilespmem:$0x10780] =	vst v0  }
0xe7: {  	v0 =	vld.idx.msk [tilespmem:v7+s18+$0x0], $0xffff  }
0xe8: {  	v1 =	vor.u32 $0x5, v4  }
0xe9: {  	v8 =	vld [tilespmem:$0x190];
	_ =	sdelay $0x2  }
0xea: {  	[tilespmem:$0x10880] =	vst v0  }
0xeb: {  	v0 =	vld.idx.msk [tilespmem:v1+s18+$0x0], $0xffff  }
0xec: {  	v9 =	vshll.u32 v8, $0x3;
	_ =	sdelay $0x3  }
0xed: {  	[tilespmem:$0x10980] =	vst v0  }
0xee: {  	v0 =	vld.idx.msk [tilespmem:v9+s18+$0x0], $0xffff  }
0xef: {  	v2 =	vor.u32 $0x1, v9;
	_ =	sdelay $0x3  }
0xf0: {  	[tilespmem:$0x10490] =	vst v0  }
0xf1: {  	v0 =	vld.idx.msk [tilespmem:v2+s18+$0x0], $0xffff  }
0xf2: {  	v10 =	vor.u32 $0x2, v9;
	_ =	sdelay $0x3  }
0xf3: {  	[tilespmem:$0x10590] =	vst v0  }
0xf4: {  	v0 =	vld.idx.msk [tilespmem:v10+s18+$0x0], $0xffff  }
0xf5: {  	v11 =	vor.u32 $0x3, v9;
	_ =	sdelay $0x3  }
0xf6: {  	[tilespmem:$0x10690] =	vst v0  }
0xf7: {  	v0 =	vld.idx.msk [tilespmem:v11+s18+$0x0], $0xffff  }
0xf8: {  	v12 =	vor.u32 $0x4, v9;
	_ =	sdelay $0x3  }
0xf9: {  	[tilespmem:$0x10790] =	vst v0  }
0xfa: {  	v0 =	vld.idx.msk [tilespmem:v12+s18+$0x0], $0xffff  }
0xfb: {  	v1 =	vor.u32 $0x5, v9  }
0xfc: {  	v13 =	vld [tilespmem:$0x1A0];
	_ =	sdelay $0x2  }
0xfd: {  	[tilespmem:$0x10890] =	vst v0  }
0xfe: {  	v0 =	vld.idx.msk [tilespmem:v1+s18+$0x0], $0xffff  }
0xff: {  	v14 =	vshll.u32 v13, $0x3;
	_ =	sdelay $0x3  }
0x100: {  	[tilespmem:$0x10990] =	vst v0  }
0x101: {  	v0 =	vld.idx.msk [tilespmem:v14+s18+$0x0], $0xffff  }
0x102: {  	v2 =	vor.u32 $0x1, v14;
	_ =	sdelay $0x3  }
0x103: {  	[tilespmem:$0x104A0] =	vst v0  }
0x104: {  	v0 =	vld.idx.msk [tilespmem:v2+s18+$0x0], $0xffff  }
0x105: {  	v15 =	vor.u32 $0x2, v14;
	_ =	sdelay $0x3  }
0x106: {  	[tilespmem:$0x105A0] =	vst v0  }
0x107: {  	v0 =	vld.idx.msk [tilespmem:v15+s18+$0x0], $0xffff  }
0x108: {  	v16 =	vor.u32 $0x3, v14;
	_ =	sdelay $0x3  }
0x109: {  	[tilespmem:$0x106A0] =	vst v0  }
0x10a: {  	v0 =	vld.idx.msk [tilespmem:v16+s18+$0x0], $0xffff  }
0x10b: {  	v17 =	vor.u32 $0x4, v14;
	_ =	sdelay $0x3  }
0x10c: {  	[tilespmem:$0x107A0] =	vst v0  }
0x10d: {  	v0 =	vld.idx.msk [tilespmem:v17+s18+$0x0], $0xffff  }
0x10e: {  	v1 =	vor.u32 $0x5, v14  }
0x10f: {  	v18 =	vld [tilespmem:$0x1B0];
	_ =	sdelay $0x2  }
0x110: {  	[tilespmem:$0x108A0] =	vst v0  }
0x111: {  	v0 =	vld.idx.msk [tilespmem:v1+s18+$0x0], $0xffff  }
0x112: {  	v19 =	vshll.u32 v18, $0x3;
	_ =	sdelay $0x3  }
0x113: {  	[tilespmem:$0x109A0] =	vst v0  }
0x114: {  	v0 =	vld.idx.msk [tilespmem:v19+s18+$0x0], $0xffff  }
0x115: {  	v2 =	vor.u32 $0x1, v19;
	_ =	sdelay $0x3  }
0x116: {  	[tilespmem:$0x104B0] =	vst v0  }
0x117: {  	v0 =	vld.idx.msk [tilespmem:v2+s18+$0x0], $0xffff  }
0x118: {  	v20 =	vor.u32 $0x2, v19;
	_ =	sdelay $0x3  }
0x119: {  	[tilespmem:$0x105B0] =	vst v0  }
0x11a: {  	v0 =	vld.idx.msk [tilespmem:v20+s18+$0x0], $0xffff  }
0x11b: {  	v21 =	vor.u32 $0x3, v19;
	_ =	sdelay $0x3  }
0x11c: {  	[tilespmem:$0x106B0] =	vst v0  }
0x11d: {  	v0 =	vld.idx.msk [tilespmem:v21+s18+$0x0], $0xffff  }
0x11e: {  	v22 =	vor.u32 $0x4, v19;
	_ =	sdelay $0x3  }
0x11f: {  	[tilespmem:$0x107B0] =	vst v0  }
0x120: {  	v0 =	vld.idx.msk [tilespmem:v22+s18+$0x0], $0xffff  }
0x121: {  	v1 =	vor.u32 $0x5, v19  }
0x122: {  	v23 =	vld [tilespmem:$0x1C0];
	_ =	sdelay $0x2  }
0x123: {  	[tilespmem:$0x108B0] =	vst v0  }
0x124: {  	v0 =	vld.idx.msk [tilespmem:v1+s18+$0x0], $0xffff  }
0x125: {  	v24 =	vshll.u32 v23, $0x3;
	_ =	sdelay $0x3  }
0x126: {  	[tilespmem:$0x109B0] =	vst v0  }
0x127: {  	v0 =	vld.idx.msk [tilespmem:v24+s18+$0x0], $0xffff  }
0x128: {  	v2 =	vor.u32 $0x1, v24;
	_ =	sdelay $0x3  }
0x129: {  	[tilespmem:$0x104C0] =	vst v0  }
0x12a: {  	v0 =	vld.idx.msk [tilespmem:v2+s18+$0x0], $0xffff  }
0x12b: {  	v25 =	vor.u32 $0x2, v24;
	_ =	sdelay $0x3  }
0x12c: {  	[tilespmem:$0x105C0] =	vst v0  }
0x12d: {  	v0 =	vld.idx.msk [tilespmem:v25+s18+$0x0], $0xffff  }
0x12e: {  	v26 =	vor.u32 $0x3, v24;
	_ =	sdelay $0x3  }
0x12f: {  	[tilespmem:$0x106C0] =	vst v0  }
0x130: {  	v0 =	vld.idx.msk [tilespmem:v26+s18+$0x0], $0xffff  }
0x131: {  	v27 =	vor.u32 $0x4, v24;
	_ =	sdelay $0x3  }
0x132: {  	[tilespmem:$0x107C0] =	vst v0  }
0x133: {  	v0 =	vld.idx.msk [tilespmem:v27+s18+$0x0], $0xffff  }
0x134: {  	v1 =	vor.u32 $0x5, v24  }
0x135: {  	v28 =	vld [tilespmem:$0x1D0];
	_ =	sdelay $0x2  }
0x136: {  	[tilespmem:$0x108C0] =	vst v0  }
0x137: {  	v0 =	vld.idx.msk [tilespmem:v1+s18+$0x0], $0xffff  }
0x138: {  	v29 =	vshll.u32 v28, $0x3;
	_ =	sdelay $0x3  }
0x139: {  	[tilespmem:$0x109C0] =	vst v0  }
0x13a: {  	v0 =	vld.idx.msk [tilespmem:v29+s18+$0x0], $0xffff  }
0x13b: {  	v2 =	vor.u32 $0x1, v29;
	_ =	sdelay $0x3  }
0x13c: {  	[tilespmem:$0x104D0] =	vst v0  }
0x13d: {  	v0 =	vld.idx.msk [tilespmem:v2+s18+$0x0], $0xffff  }
0x13e: {  	v30 =	vor.u32 $0x2, v29;
	_ =	sdelay $0x3  }
0x13f: {  	[tilespmem:$0x105D0] =	vst v0  }
0x140: {  	v0 =	vld.idx.msk [tilespmem:v30+s18+$0x0], $0xffff  }
0x141: {  	v31 =	vor.u32 $0x3, v29;
	_ =	sdelay $0x3  }
0x142: {  	[tilespmem:$0x106D0] =	vst v0  }
0x143: {  	v0 =	vld.idx.msk [tilespmem:v31+s18+$0x0], $0xffff  }
0x144: {  	v32 =	vor.u32 $0x4, v29;
	_ =	sdelay $0x3  }
0x145: {  	[tilespmem:$0x107D0] =	vst v0  }
0x146: {  	v0 =	vld.idx.msk [tilespmem:v32+s18+$0x0], $0xffff  }
0x147: {  	v1 =	vor.u32 $0x5, v29  }
0x148: {  	v33 =	vld [tilespmem:$0x1E0];
	_ =	sdelay $0x2  }
0x149: {  	[tilespmem:$0x108D0] =	vst v0  }
0x14a: {  	v0 =	vld.idx.msk [tilespmem:v1+s18+$0x0], $0xffff  }
0x14b: {  	v34 =	vshll.u32 v33, $0x3;
	_ =	sdelay $0x3  }
0x14c: {  	[tilespmem:$0x109D0] =	vst v0  }
0x14d: {  	v0 =	vld.idx.msk [tilespmem:v34+s18+$0x0], $0xffff  }
0x14e: {  	v2 =	vor.u32 $0x1, v34;
	_ =	sdelay $0x3  }
0x14f: {  	[tilespmem:$0x104E0] =	vst v0  }
0x150: {  	v0 =	vld.idx.msk [tilespmem:v2+s18+$0x0], $0xffff  }
0x151: {  	v35 =	vor.u32 $0x2, v34;
	_ =	sdelay $0x3  }
0x152: {  	[tilespmem:$0x105E0] =	vst v0  }
0x153: {  	v0 =	vld.idx.msk [tilespmem:v35+s18+$0x0], $0xffff  }
0x154: {  	v36 =	vor.u32 $0x3, v34;
	_ =	sdelay $0x3  }
0x155: {  	[tilespmem:$0x106E0] =	vst v0  }
0x156: {  	v0 =	vld.idx.msk [tilespmem:v36+s18+$0x0], $0xffff  }
0x157: {  	v37 =	vor.u32 $0x4, v34;
	_ =	sdelay $0x3  }
0x158: {  	[tilespmem:$0x107E0] =	vst v0  }
0x159: {  	v0 =	vld.idx.msk [tilespmem:v37+s18+$0x0], $0xffff  }
0x15a: {  	v1 =	vor.u32 $0x5, v34  }
0x15b: {  	v38 =	vld [tilespmem:$0x1F0];
	_ =	sdelay $0x2  }
0x15c: {  	[tilespmem:$0x108E0] =	vst v0  }
0x15d: {  	v0 =	vld.idx.msk [tilespmem:v1+s18+$0x0], $0xffff  }
0x15e: {  	v39 =	vshll.u32 v38, $0x3;
	_ =	sdelay $0x3  }
0x15f: {  	[tilespmem:$0x109E0] =	vst v0  }
0x160: {  	v0 =	vld.idx.msk [tilespmem:v39+s18+$0x0], $0xffff  }
0x161: {  	v2 =	vor.u32 $0x1, v39;
	_ =	sdelay $0x3  }
0x162: {  	[tilespmem:$0x104F0] =	vst v0  }
0x163: {  	v0 =	vld.idx.msk [tilespmem:v2+s18+$0x0], $0xffff  }
0x164: {  	v40 =	vor.u32 $0x2, v39;
	_ =	sdelay $0x3  }
0x165: {  	[tilespmem:$0x105F0] =	vst v0  }
0x166: {  	v0 =	vld.idx.msk [tilespmem:v40+s18+$0x0], $0xffff  }
0x167: {  	v41 =	vor.u32 $0x3, v39;
	_ =	sdelay $0x3  }
0x168: {  	[tilespmem:$0x106F0] =	vst v0  }
0x169: {  	v0 =	vld.idx.msk [tilespmem:v41+s18+$0x0], $0xffff  }
0x16a: {  	v42 =	vor.u32 $0x4, v39;
	_ =	sdelay $0x3  }
0x16b: {  	[tilespmem:$0x107F0] =	vst v0  }
0x16c: {  	v0 =	vld.idx.msk [tilespmem:v42+s18+$0x0], $0xffff  }
0x16d: {  	v1 =	vor.u32 $0x5, v39;
	_ =	sdelay $0x3  }
0x16e: {  	[tilespmem:$0x108F0] =	vst v0  }
0x16f: {  	v0 =	vld.idx.msk [tilespmem:v1+s18+$0x0], $0xffff;
	_ =	sdelay $0x1  }
0x170: {  	s0 =	smulhi.u32 $0x51EB851F, s4;
	_ =	sdelay $0x1  }
0x171: {  	s9 =	sshrl.u32 s0, $0x5  }
0x172: {  	s0 =	smul.u32 $0x640000, s9;
	[tilespmem:$0x109F0] =	vst v0  }
0x173: {  	s9 =	smul.u32 $0x64000, s9;
	_ =	swait.ge [sflag:s23], $0x8000  }
0x174: {  	s6 =	sadd.s32 s8, s17;
	[sflag:s23] =	ssyncset.done $0x0  }
0x175: {  	s0 =	ssub.s32 s11, s0;
	s9 =	ssub.s32 s13, s9;
	[sflag:s23] =	ssyncadd.s32 $0xFFFF8000  }
0x176: {  	[tilespmem:s24], [sflag:$0x2] =	stream.indirect.gather [hbm4b:s5+s20], $0x80, s22, s20, $0xb8;
	[tilespmem:$0x11B60] =	vst v63  }
0x177: {  	s0 =	sadd.s32 s0, s6;
	s1 =	sshrl.u32 s9, $0x3  }
0x178: {  	[hbm4b:s0+s3] =	stream.linear.scatter [tilespmem:s21], [sflag:$0x3], $0x8000, $0x38;
	[tilespmem:$0x11B60] =	vst v63  }
0x179: {  	p0 =	seq.s32 s7, $0x1880;
	s0 =	sadd.s32 s2, s1  }
0x17a: {  	[hbm4b:s0+s20] =	stream.strided.scatter [tilespmem:s26], [sflag:$0x3], $0x800, s25, s20, $0x38;
	[tilespmem:$0x11B60] =	vst v63  }
0x17b: {  	s0 =	sadd.s32 @!p0 s7, s10  }
0x17c: {  	s9 =	simm.s32 @!p0 $0x0;
	s0 =	sadd.s32 @!p0 $0x80, s0  }
0x17d: {  	[tilespmem:s9], [sflag:$0x6] =	stream.linear.gather @!p0 [hbm4b:s0+s9], $0x200, $0x38;
	[tilespmem:$0x11B60] =	vst v63  }
0x17e: {  	s0 =	simm.s32 @!p0 $0x6  }
0x17f: {  	_ =	swait.ge @!p0 [sflag:s0], $0x200  }
0x180: {  	[sflag:s0] =	ssyncset.done @!p0 $0x0  }
0x181: {  	[sflag:s0] =	ssyncadd.s32 @!p0 $0xFFFFFE00  }
0x182: {  	_ =	swait.ge [sflag:s28], $0x8000  }
0x183: {  	[sflag:s28] =	ssyncset.done $0x0  }
0x184: {  	[sflag:s28] =	ssyncadd.s32 $0xFFFF8000  }
0x185: {  	_ =	swait.ge [sflag:s28], $0x800  }
0x186: {  	[sflag:s28] =	ssyncset.done $0x0  }
0x187: {  	[sflag:s28] =	ssyncadd.s32 $0xFFFFF800  }
0x188: {  	v43 =	vld [tilespmem:$0x300];
	_ =	sdelay $0x4  }
0x189: {  	v0 =	vshll.u32 v43, $0x3;
	_ =	sdelay $0x4  }
0x18a: {  	v44 =	vld.idx.msk [tilespmem:v0+s18+$0x0], $0xffff  }
0x18b: {  	v45 =	vor.u32 $0x1, v0;
	_ =	sdelay $0x3  }
0x18c: {  	[tilespmem:$0x10C00] =	vst v44  }
0x18d: {  	v1 =	vld.idx.msk [tilespmem:v45+s18+$0x0], $0xffff  }
0x18e: {  	v46 =	vor.u32 $0x2, v0;
	_ =	sdelay $0x3  }
0x18f: {  	[tilespmem:$0x10D00] =	vst v1  }
0x190: {  	v1 =	vld.idx.msk [tilespmem:v46+s18+$0x0], $0xffff  }
0x191: {  	v47 =	vor.u32 $0x3, v0;
	_ =	sdelay $0x3  }
0x192: {  	[tilespmem:$0x10E00] =	vst v1  }
0x193: {  	v1 =	vld.idx.msk [tilespmem:v47+s18+$0x0], $0xffff  }
0x194: {  	v48 =	vor.u32 $0x4, v0;
	_ =	sdelay $0x3  }
0x195: {  	[tilespmem:$0x10F00] =	vst v1  }
0x196: {  	v1 =	vld.idx.msk [tilespmem:v48+s18+$0x0], $0xffff  }
0x197: {  	v0 =	vor.u32 $0x5, v0  }
0x198: {  	v49 =	vld [tilespmem:$0x310];
	_ =	sdelay $0x2  }
0x199: {  	[tilespmem:$0x11000] =	vst v1  }
0x19a: {  	v0 =	vld.idx.msk [tilespmem:v0+s18+$0x0], $0xffff  }
0x19b: {  	v50 =	vshll.u32 v49, $0x3;
	_ =	sdelay $0x3  }
0x19c: {  	[tilespmem:$0x11100] =	vst v0  }
0x19d: {  	v0 =	vld.idx.msk [tilespmem:v50+s18+$0x0], $0xffff  }
0x19e: {  	v2 =	vor.u32 $0x1, v50;
	_ =	sdelay $0x3  }
0x19f: {  	[tilespmem:$0x10C10] =	vst v0  }
0x1a0: {  	v0 =	vld.idx.msk [tilespmem:v2+s18+$0x0], $0xffff  }
0x1a1: {  	v51 =	vor.u32 $0x2, v50;
	_ =	sdelay $0x3  }
0x1a2: {  	[tilespmem:$0x10D10] =	vst v0  }
0x1a3: {  	v0 =	vld.idx.msk [tilespmem:v51+s18+$0x0], $0xffff  }
0x1a4: {  	v52 =	vor.u32 $0x3, v50;
	_ =	sdelay $0x3  }
0x1a5: {  	[tilespmem:$0x10E10] =	vst v0  }
0x1a6: {  	v0 =	vld.idx.msk [tilespmem:v52+s18+$0x0], $0xffff  }
0x1a7: {  	v53 =	vor.u32 $0x4, v50;
	_ =	sdelay $0x3  }
0x1a8: {  	[tilespmem:$0x10F10] =	vst v0  }
0x1a9: {  	v0 =	vld.idx.msk [tilespmem:v53+s18+$0x0], $0xffff  }
0x1aa: {  	v1 =	vor.u32 $0x5, v50  }
0x1ab: {  	v54 =	vld [tilespmem:$0x320];
	_ =	sdelay $0x2  }
0x1ac: {  	[tilespmem:$0x11010] =	vst v0  }
0x1ad: {  	v0 =	vld.idx.msk [tilespmem:v1+s18+$0x0], $0xffff  }
0x1ae: {  	v55 =	vshll.u32 v54, $0x3;
	_ =	sdelay $0x3  }
0x1af: {  	[tilespmem:$0x11110] =	vst v0  }
0x1b0: {  	v0 =	vld.idx.msk [tilespmem:v55+s18+$0x0], $0xffff  }
0x1b1: {  	v2 =	vor.u32 $0x1, v55;
	_ =	sdelay $0x3  }
0x1b2: {  	[tilespmem:$0x10C20] =	vst v0  }
0x1b3: {  	v0 =	vld.idx.msk [tilespmem:v2+s18+$0x0], $0xffff  }
0x1b4: {  	v56 =	vor.u32 $0x2, v55;
	_ =	sdelay $0x3  }
0x1b5: {  	[tilespmem:$0x10D20] =	vst v0  }
0x1b6: {  	v0 =	vld.idx.msk [tilespmem:v56+s18+$0x0], $0xffff  }
0x1b7: {  	v57 =	vor.u32 $0x3, v55;
	_ =	sdelay $0x3  }
0x1b8: {  	[tilespmem:$0x10E20] =	vst v0  }
0x1b9: {  	v0 =	vld.idx.msk [tilespmem:v57+s18+$0x0], $0xffff  }
0x1ba: {  	v58 =	vor.u32 $0x4, v55;
	_ =	sdelay $0x3  }
0x1bb: {  	[tilespmem:$0x10F20] =	vst v0  }
0x1bc: {  	v0 =	vld.idx.msk [tilespmem:v58+s18+$0x0], $0xffff  }
0x1bd: {  	v1 =	vor.u32 $0x5, v55  }
0x1be: {  	v59 =	vld [tilespmem:$0x330];
	_ =	sdelay $0x2  }
0x1bf: {  	[tilespmem:$0x11020] =	vst v0  }
0x1c0: {  	v0 =	vld.idx.msk [tilespmem:v1+s18+$0x0], $0xffff  }
0x1c1: {  	v60 =	vshll.u32 v59, $0x3;
	_ =	sdelay $0x3  }
0x1c2: {  	[tilespmem:$0x11120] =	vst v0  }
0x1c3: {  	v0 =	vld.idx.msk [tilespmem:v60+s18+$0x0], $0xffff  }
0x1c4: {  	v2 =	vor.u32 $0x1, v60;
	_ =	sdelay $0x3  }
0x1c5: {  	[tilespmem:$0x10C30] =	vst v0  }
0x1c6: {  	v0 =	vld.idx.msk [tilespmem:v2+s18+$0x0], $0xffff  }
0x1c7: {  	v61 =	vor.u32 $0x2, v60;
	_ =	sdelay $0x3  }
0x1c8: {  	[tilespmem:$0x10D30] =	vst v0  }
0x1c9: {  	v0 =	vld.idx.msk [tilespmem:v61+s18+$0x0], $0xffff  }
0x1ca: {  	v62 =	vor.u32 $0x3, v60;
	_ =	sdelay $0x3  }
0x1cb: {  	[tilespmem:$0x10E30] =	vst v0  }
0x1cc: {  	v0 =	vld.idx.msk [tilespmem:v62+s18+$0x0], $0xffff  }
0x1cd: {  	v63 =	vor.u32 $0x4, v60;
	_ =	sdelay $0x3  }
0x1ce: {  	[tilespmem:$0x10F30] =	vst v0  }
0x1cf: {  	v0 =	vld.idx.msk [tilespmem:v63+s18+$0x0], $0xffff  }
0x1d0: {  	v1 =	vor.u32 $0x5, v60  }
0x1d1: {  	v4 =	vld [tilespmem:$0x340];
	_ =	sdelay $0x2  }
0x1d2: {  	[tilespmem:$0x11030] =	vst v0  }
0x1d3: {  	v0 =	vld.idx.msk [tilespmem:v1+s18+$0x0], $0xffff  }
0x1d4: {  	v5 =	vshll.u32 v4, $0x3;
	_ =	sdelay $0x3  }
0x1d5: {  	[tilespmem:$0x11130] =	vst v0  }
0x1d6: {  	v0 =	vld.idx.msk [tilespmem:v5+s18+$0x0], $0xffff  }
0x1d7: {  	v2 =	vor.u32 $0x1, v5;
	_ =	sdelay $0x3  }
0x1d8: {  	[tilespmem:$0x10C40] =	vst v0  }
0x1d9: {  	v0 =	vld.idx.msk [tilespmem:v2+s18+$0x0], $0xffff  }
0x1da: {  	v6 =	vor.u32 $0x2, v5;
	_ =	sdelay $0x3  }
0x1db: {  	[tilespmem:$0x10D40] =	vst v0  }
0x1dc: {  	v0 =	vld.idx.msk [tilespmem:v6+s18+$0x0], $0xffff  }
0x1dd: {  	v7 =	vor.u32 $0x3, v5;
	_ =	sdelay $0x3  }
0x1de: {  	[tilespmem:$0x10E40] =	vst v0  }
0x1df: {  	v0 =	vld.idx.msk [tilespmem:v7+s18+$0x0], $0xffff  }
0x1e0: {  	v8 =	vor.u32 $0x4, v5;
	_ =	sdelay $0x3  }
0x1e1: {  	[tilespmem:$0x10F40] =	vst v0  }
0x1e2: {  	v0 =	vld.idx.msk [tilespmem:v8+s18+$0x0], $0xffff  }
0x1e3: {  	v1 =	vor.u32 $0x5, v5  }
0x1e4: {  	v9 =	vld [tilespmem:$0x350];
	_ =	sdelay $0x2  }
0x1e5: {  	[tilespmem:$0x11040] =	vst v0  }
0x1e6: {  	v0 =	vld.idx.msk [tilespmem:v1+s18+$0x0], $0xffff  }
0x1e7: {  	v10 =	vshll.u32 v9, $0x3;
	_ =	sdelay $0x3  }
0x1e8: {  	[tilespmem:$0x11140] =	vst v0  }
0x1e9: {  	v0 =	vld.idx.msk [tilespmem:v10+s18+$0x0], $0xffff  }
0x1ea: {  	v2 =	vor.u32 $0x1, v10;
	_ =	sdelay $0x3  }
0x1eb: {  	[tilespmem:$0x10C50] =	vst v0  }
0x1ec: {  	v0 =	vld.idx.msk [tilespmem:v2+s18+$0x0], $0xffff  }
0x1ed: {  	v11 =	vor.u32 $0x2, v10;
	_ =	sdelay $0x3  }
0x1ee: {  	[tilespmem:$0x10D50] =	vst v0  }
0x1ef: {  	v0 =	vld.idx.msk [tilespmem:v11+s18+$0x0], $0xffff  }
0x1f0: {  	v12 =	vor.u32 $0x3, v10;
	_ =	sdelay $0x3  }
0x1f1: {  	[tilespmem:$0x10E50] =	vst v0  }
0x1f2: {  	v0 =	vld.idx.msk [tilespmem:v12+s18+$0x0], $0xffff  }
0x1f3: {  	v13 =	vor.u32 $0x4, v10;
	_ =	sdelay $0x3  }
0x1f4: {  	[tilespmem:$0x10F50] =	vst v0  }
0x1f5: {  	v0 =	vld.idx.msk [tilespmem:v13+s18+$0x0], $0xffff  }
0x1f6: {  	v1 =	vor.u32 $0x5, v10  }
0x1f7: {  	v14 =	vld [tilespmem:$0x360];
	_ =	sdelay $0x2  }
0x1f8: {  	[tilespmem:$0x11050] =	vst v0  }
0x1f9: {  	v0 =	vld.idx.msk [tilespmem:v1+s18+$0x0], $0xffff  }
0x1fa: {  	v15 =	vshll.u32 v14, $0x3;
	_ =	sdelay $0x3  }
0x1fb: {  	[tilespmem:$0x11150] =	vst v0  }
0x1fc: {  	v0 =	vld.idx.msk [tilespmem:v15+s18+$0x0], $0xffff  }
0x1fd: {  	v2 =	vor.u32 $0x1, v15;
	_ =	sdelay $0x3  }
0x1fe: {  	[tilespmem:$0x10C60] =	vst v0  }
0x1ff: {  	v0 =	vld.idx.msk [tilespmem:v2+s18+$0x0], $0xffff  }
0x200: {  	v16 =	vor.u32 $0x2, v15;
	_ =	sdelay $0x3  }
0x201: {  	[tilespmem:$0x10D60] =	vst v0  }
0x202: {  	v0 =	vld.idx.msk [tilespmem:v16+s18+$0x0], $0xffff  }
0x203: {  	v17 =	vor.u32 $0x3, v15;
	_ =	sdelay $0x3  }
0x204: {  	[tilespmem:$0x10E60] =	vst v0  }
0x205: {  	v0 =	vld.idx.msk [tilespmem:v17+s18+$0x0], $0xffff  }
0x206: {  	v18 =	vor.u32 $0x4, v15;
	_ =	sdelay $0x3  }
0x207: {  	[tilespmem:$0x10F60] =	vst v0  }
0x208: {  	v0 =	vld.idx.msk [tilespmem:v18+s18+$0x0], $0xffff  }
0x209: {  	v1 =	vor.u32 $0x5, v15  }
0x20a: {  	v19 =	vld [tilespmem:$0x370];
	_ =	sdelay $0x2  }
0x20b: {  	[tilespmem:$0x11060] =	vst v0  }
0x20c: {  	v0 =	vld.idx.msk [tilespmem:v1+s18+$0x0], $0xffff  }
0x20d: {  	v20 =	vshll.u32 v19, $0x3;
	_ =	sdelay $0x3  }
0x20e: {  	[tilespmem:$0x11160] =	vst v0  }
0x20f: {  	v0 =	vld.idx.msk [tilespmem:v20+s18+$0x0], $0xffff  }
0x210: {  	v2 =	vor.u32 $0x1, v20;
	_ =	sdelay $0x3  }
0x211: {  	[tilespmem:$0x10C70] =	vst v0  }
0x212: {  	v0 =	vld.idx.msk [tilespmem:v2+s18+$0x0], $0xffff  }
0x213: {  	v21 =	vor.u32 $0x2, v20;
	_ =	sdelay $0x3  }
0x214: {  	[tilespmem:$0x10D70] =	vst v0  }
0x215: {  	v0 =	vld.idx.msk [tilespmem:v21+s18+$0x0], $0xffff  }
0x216: {  	v22 =	vor.u32 $0x3, v20;
	_ =	sdelay $0x3  }
0x217: {  	[tilespmem:$0x10E70] =	vst v0  }
0x218: {  	v0 =	vld.idx.msk [tilespmem:v22+s18+$0x0], $0xffff  }
0x219: {  	v23 =	vor.u32 $0x4, v20;
	_ =	sdelay $0x3  }
0x21a: {  	[tilespmem:$0x10F70] =	vst v0  }
0x21b: {  	v0 =	vld.idx.msk [tilespmem:v23+s18+$0x0], $0xffff  }
0x21c: {  	v1 =	vor.u32 $0x5, v20  }
0x21d: {  	v24 =	vld [tilespmem:$0x380];
	_ =	sdelay $0x2  }
0x21e: {  	[tilespmem:$0x11070] =	vst v0  }
0x21f: {  	v0 =	vld.idx.msk [tilespmem:v1+s18+$0x0], $0xffff  }
0x220: {  	v25 =	vshll.u32 v24, $0x3;
	_ =	sdelay $0x3  }
0x221: {  	[tilespmem:$0x11170] =	vst v0  }
0x222: {  	v0 =	vld.idx.msk [tilespmem:v25+s18+$0x0], $0xffff  }
0x223: {  	v2 =	vor.u32 $0x1, v25;
	_ =	sdelay $0x3  }
0x224: {  	[tilespmem:$0x10C80] =	vst v0  }
0x225: {  	v0 =	vld.idx.msk [tilespmem:v2+s18+$0x0], $0xffff  }
0x226: {  	v26 =	vor.u32 $0x2, v25;
	_ =	sdelay $0x3  }
0x227: {  	[tilespmem:$0x10D80] =	vst v0  }
0x228: {  	v0 =	vld.idx.msk [tilespmem:v26+s18+$0x0], $0xffff  }
0x229: {  	v27 =	vor.u32 $0x3, v25;
	_ =	sdelay $0x3  }
0x22a: {  	[tilespmem:$0x10E80] =	vst v0  }
0x22b: {  	v0 =	vld.idx.msk [tilespmem:v27+s18+$0x0], $0xffff  }
0x22c: {  	v28 =	vor.u32 $0x4, v25;
	_ =	sdelay $0x3  }
0x22d: {  	[tilespmem:$0x10F80] =	vst v0  }
0x22e: {  	v0 =	vld.idx.msk [tilespmem:v28+s18+$0x0], $0xffff  }
0x22f: {  	v1 =	vor.u32 $0x5, v25  }
0x230: {  	v29 =	vld [tilespmem:$0x390];
	_ =	sdelay $0x2  }
0x231: {  	[tilespmem:$0x11080] =	vst v0  }
0x232: {  	v0 =	vld.idx.msk [tilespmem:v1+s18+$0x0], $0xffff  }
0x233: {  	v30 =	vshll.u32 v29, $0x3;
	_ =	sdelay $0x3  }
0x234: {  	[tilespmem:$0x11180] =	vst v0  }
0x235: {  	v0 =	vld.idx.msk [tilespmem:v30+s18+$0x0], $0xffff  }
0x236: {  	v2 =	vor.u32 $0x1, v30;
	_ =	sdelay $0x3  }
0x237: {  	[tilespmem:$0x10C90] =	vst v0  }
0x238: {  	v0 =	vld.idx.msk [tilespmem:v2+s18+$0x0], $0xffff  }
0x239: {  	v31 =	vor.u32 $0x2, v30;
	_ =	sdelay $0x3  }
0x23a: {  	[tilespmem:$0x10D90] =	vst v0  }
0x23b: {  	v0 =	vld.idx.msk [tilespmem:v31+s18+$0x0], $0xffff  }
0x23c: {  	v32 =	vor.u32 $0x3, v30;
	_ =	sdelay $0x3  }
0x23d: {  	[tilespmem:$0x10E90] =	vst v0  }
0x23e: {  	v0 =	vld.idx.msk [tilespmem:v32+s18+$0x0], $0xffff  }
0x23f: {  	v33 =	vor.u32 $0x4, v30;
	_ =	sdelay $0x3  }
0x240: {  	[tilespmem:$0x10F90] =	vst v0  }
0x241: {  	v0 =	vld.idx.msk [tilespmem:v33+s18+$0x0], $0xffff  }
0x242: {  	v1 =	vor.u32 $0x5, v30  }
0x243: {  	v34 =	vld [tilespmem:$0x3A0];
	_ =	sdelay $0x2  }
0x244: {  	[tilespmem:$0x11090] =	vst v0  }
0x245: {  	v0 =	vld.idx.msk [tilespmem:v1+s18+$0x0], $0xffff  }
0x246: {  	v35 =	vshll.u32 v34, $0x3;
	_ =	sdelay $0x3  }
0x247: {  	[tilespmem:$0x11190] =	vst v0  }
0x248: {  	v0 =	vld.idx.msk [tilespmem:v35+s18+$0x0], $0xffff  }
0x249: {  	v2 =	vor.u32 $0x1, v35;
	_ =	sdelay $0x3  }
0x24a: {  	[tilespmem:$0x10CA0] =	vst v0  }
0x24b: {  	v0 =	vld.idx.msk [tilespmem:v2+s18+$0x0], $0xffff  }
0x24c: {  	v36 =	vor.u32 $0x2, v35;
	_ =	sdelay $0x3  }
0x24d: {  	[tilespmem:$0x10DA0] =	vst v0  }
0x24e: {  	v0 =	vld.idx.msk [tilespmem:v36+s18+$0x0], $0xffff  }
0x24f: {  	v37 =	vor.u32 $0x3, v35;
	_ =	sdelay $0x3  }
0x250: {  	[tilespmem:$0x10EA0] =	vst v0  }
0x251: {  	v0 =	vld.idx.msk [tilespmem:v37+s18+$0x0], $0xffff  }
0x252: {  	v38 =	vor.u32 $0x4, v35;
	_ =	sdelay $0x3  }
0x253: {  	[tilespmem:$0x10FA0] =	vst v0  }
0x254: {  	v0 =	vld.idx.msk [tilespmem:v38+s18+$0x0], $0xffff  }
0x255: {  	v1 =	vor.u32 $0x5, v35  }
0x256: {  	v39 =	vld [tilespmem:$0x3B0];
	_ =	sdelay $0x2  }
0x257: {  	[tilespmem:$0x110A0] =	vst v0  }
0x258: {  	v0 =	vld.idx.msk [tilespmem:v1+s18+$0x0], $0xffff  }
0x259: {  	v40 =	vshll.u32 v39, $0x3;
	_ =	sdelay $0x3  }
0x25a: {  	[tilespmem:$0x111A0] =	vst v0  }
0x25b: {  	v0 =	vld.idx.msk [tilespmem:v40+s18+$0x0], $0xffff  }
0x25c: {  	v2 =	vor.u32 $0x1, v40;
	_ =	sdelay $0x3  }
0x25d: {  	[tilespmem:$0x10CB0] =	vst v0  }
0x25e: {  	v0 =	vld.idx.msk [tilespmem:v2+s18+$0x0], $0xffff  }
0x25f: {  	v41 =	vor.u32 $0x2, v40;
	_ =	sdelay $0x3  }
0x260: {  	[tilespmem:$0x10DB0] =	vst v0  }
0x261: {  	v0 =	vld.idx.msk [tilespmem:v41+s18+$0x0], $0xffff  }
0x262: {  	v42 =	vor.u32 $0x3, v40;
	_ =	sdelay $0x3  }
0x263: {  	[tilespmem:$0x10EB0] =	vst v0  }
0x264: {  	v0 =	vld.idx.msk [tilespmem:v42+s18+$0x0], $0xffff  }
0x265: {  	v43 =	vor.u32 $0x4, v40;
	_ =	sdelay $0x3  }
0x266: {  	[tilespmem:$0x10FB0] =	vst v0  }
0x267: {  	v0 =	vld.idx.msk [tilespmem:v43+s18+$0x0], $0xffff  }
0x268: {  	v1 =	vor.u32 $0x5, v40  }
0x269: {  	v44 =	vld [tilespmem:$0x3C0];
	_ =	sdelay $0x2  }
0x26a: {  	[tilespmem:$0x110B0] =	vst v0  }
0x26b: {  	v0 =	vld.idx.msk [tilespmem:v1+s18+$0x0], $0xffff  }
0x26c: {  	v45 =	vshll.u32 v44, $0x3;
	_ =	sdelay $0x3  }
0x26d: {  	[tilespmem:$0x111B0] =	vst v0  }
0x26e: {  	v0 =	vld.idx.msk [tilespmem:v45+s18+$0x0], $0xffff  }
0x26f: {  	v2 =	vor.u32 $0x1, v45;
	_ =	sdelay $0x3  }
0x270: {  	[tilespmem:$0x10CC0] =	vst v0  }
0x271: {  	v0 =	vld.idx.msk [tilespmem:v2+s18+$0x0], $0xffff  }
0x272: {  	v46 =	vor.u32 $0x2, v45;
	_ =	sdelay $0x3  }
0x273: {  	[tilespmem:$0x10DC0] =	vst v0  }
0x274: {  	v0 =	vld.idx.msk [tilespmem:v46+s18+$0x0], $0xffff  }
0x275: {  	v47 =	vor.u32 $0x3, v45;
	_ =	sdelay $0x3  }
0x276: {  	[tilespmem:$0x10EC0] =	vst v0  }
0x277: {  	v0 =	vld.idx.msk [tilespmem:v47+s18+$0x0], $0xffff  }
0x278: {  	v48 =	vor.u32 $0x4, v45;
	_ =	sdelay $0x3  }
0x279: {  	[tilespmem:$0x10FC0] =	vst v0  }
0x27a: {  	v0 =	vld.idx.msk [tilespmem:v48+s18+$0x0], $0xffff  }
0x27b: {  	v1 =	vor.u32 $0x5, v45  }
0x27c: {  	v49 =	vld [tilespmem:$0x3D0];
	_ =	sdelay $0x2  }
0x27d: {  	[tilespmem:$0x110C0] =	vst v0  }
0x27e: {  	v0 =	vld.idx.msk [tilespmem:v1+s18+$0x0], $0xffff  }
0x27f: {  	v50 =	vshll.u32 v49, $0x3;
	_ =	sdelay $0x3  }
0x280: {  	[tilespmem:$0x111C0] =	vst v0  }
0x281: {  	v0 =	vld.idx.msk [tilespmem:v50+s18+$0x0], $0xffff  }
0x282: {  	v2 =	vor.u32 $0x1, v50;
	_ =	sdelay $0x3  }
0x283: {  	[tilespmem:$0x10CD0] =	vst v0  }
0x284: {  	v0 =	vld.idx.msk [tilespmem:v2+s18+$0x0], $0xffff  }
0x285: {  	v51 =	vor.u32 $0x2, v50;
	_ =	sdelay $0x3  }
0x286: {  	[tilespmem:$0x10DD0] =	vst v0  }
0x287: {  	v0 =	vld.idx.msk [tilespmem:v51+s18+$0x0], $0xffff  }
0x288: {  	v52 =	vor.u32 $0x3, v50;
	_ =	sdelay $0x3  }
0x289: {  	[tilespmem:$0x10ED0] =	vst v0  }
0x28a: {  	v0 =	vld.idx.msk [tilespmem:v52+s18+$0x0], $0xffff  }
0x28b: {  	v53 =	vor.u32 $0x4, v50;
	_ =	sdelay $0x3  }
0x28c: {  	[tilespmem:$0x10FD0] =	vst v0  }
0x28d: {  	v0 =	vld.idx.msk [tilespmem:v53+s18+$0x0], $0xffff  }
0x28e: {  	v1 =	vor.u32 $0x5, v50  }
0x28f: {  	v54 =	vld [tilespmem:$0x3E0];
	_ =	sdelay $0x2  }
0x290: {  	[tilespmem:$0x110D0] =	vst v0  }
0x291: {  	v0 =	vld.idx.msk [tilespmem:v1+s18+$0x0], $0xffff  }
0x292: {  	v55 =	vshll.u32 v54, $0x3;
	_ =	sdelay $0x3  }
0x293: {  	[tilespmem:$0x111D0] =	vst v0  }
0x294: {  	v0 =	vld.idx.msk [tilespmem:v55+s18+$0x0], $0xffff  }
0x295: {  	v2 =	vor.u32 $0x1, v55;
	_ =	sdelay $0x3  }
0x296: {  	[tilespmem:$0x10CE0] =	vst v0  }
0x297: {  	v0 =	vld.idx.msk [tilespmem:v2+s18+$0x0], $0xffff  }
0x298: {  	v56 =	vor.u32 $0x2, v55;
	_ =	sdelay $0x3  }
0x299: {  	[tilespmem:$0x10DE0] =	vst v0  }
0x29a: {  	v0 =	vld.idx.msk [tilespmem:v56+s18+$0x0], $0xffff  }
0x29b: {  	v57 =	vor.u32 $0x3, v55;
	_ =	sdelay $0x3  }
0x29c: {  	[tilespmem:$0x10EE0] =	vst v0  }
0x29d: {  	v0 =	vld.idx.msk [tilespmem:v57+s18+$0x0], $0xffff  }
0x29e: {  	v58 =	vor.u32 $0x4, v55;
	_ =	sdelay $0x3  }
0x29f: {  	[tilespmem:$0x10FE0] =	vst v0  }
0x2a0: {  	v0 =	vld.idx.msk [tilespmem:v58+s18+$0x0], $0xffff  }
0x2a1: {  	v1 =	vor.u32 $0x5, v55  }
0x2a2: {  	v59 =	vld [tilespmem:$0x3F0];
	_ =	sdelay $0x2  }
0x2a3: {  	[tilespmem:$0x110E0] =	vst v0  }
0x2a4: {  	v0 =	vld.idx.msk [tilespmem:v1+s18+$0x0], $0xffff  }
0x2a5: {  	v60 =	vshll.u32 v59, $0x3;
	_ =	sdelay $0x3  }
0x2a6: {  	[tilespmem:$0x111E0] =	vst v0  }
0x2a7: {  	v0 =	vld.idx.msk [tilespmem:v60+s18+$0x0], $0xffff  }
0x2a8: {  	v2 =	vor.u32 $0x1, v60;
	_ =	sdelay $0x3  }
0x2a9: {  	[tilespmem:$0x10CF0] =	vst v0  }
0x2aa: {  	v0 =	vld.idx.msk [tilespmem:v2+s18+$0x0], $0xffff  }
0x2ab: {  	v61 =	vor.u32 $0x2, v60;
	_ =	sdelay $0x3  }
0x2ac: {  	[tilespmem:$0x10DF0] =	vst v0  }
0x2ad: {  	v0 =	vld.idx.msk [tilespmem:v61+s18+$0x0], $0xffff  }
0x2ae: {  	v62 =	vor.u32 $0x3, v60;
	_ =	sdelay $0x3  }
0x2af: {  	[tilespmem:$0x10EF0] =	vst v0  }
0x2b0: {  	v0 =	vld.idx.msk [tilespmem:v62+s18+$0x0], $0xffff  }
0x2b1: {  	v63 =	vor.u32 $0x4, v60;
	_ =	sdelay $0x3  }
0x2b2: {  	[tilespmem:$0x10FF0] =	vst v0  }
0x2b3: {  	v0 =	vld.idx.msk [tilespmem:v63+s18+$0x0], $0xffff  }
0x2b4: {  	v1 =	vor.u32 $0x5, v60;
	_ =	sdelay $0x3  }
0x2b5: {  	[tilespmem:$0x110F0] =	vst v0  }
0x2b6: {  	v0 =	vld.idx.msk [tilespmem:v1+s18+$0x0], $0xffff;
	_ =	sdelay $0x3  }
0x2b7: {  	s6 =	smulhi.u32 $0x51EB851F, s15  }
0x2b8: {  	[tilespmem:$0x111F0] =	vst v0  }
0x2b9: {  	s0 =	sshrl.u32 s6, $0x5;
	_ =	swait.ge [sflag:s29], $0x8000  }
0x2ba: {  	s31 =	simm.s32 @!p0 $0x100;
	s6 =	smul.u32 $0x640000, s0;
	[sflag:s29] =	ssyncset.done $0x0  }
0x2bb: {  	s1 =	simm.s32 @!p0 $0x400;
	s0 =	smul.u32 $0x64000, s0;
	[sflag:s29] =	ssyncadd.s32 $0xFFFF8000  }
0x2bc: {  	[tilespmem:s1], [sflag:$0x1] =	stream.indirect.gather @!p0 [hbm4b:s5+s31], $0x80, s9, s31, $0xb8;
	[tilespmem:$0x11B60] =	vst v63  }
.Ltmp2:
0x2bd: {  	s0 =	ssub.s32 s16, s0;
	s31 =	ssub.s32 s14, s6;
	(pc) =	sbr.rel @p0 .LBB2_4-.Ltmp2, $4  }
0x2be: {  	s0 =	sshrl.u32 s0, $0x3;
	s1 =	sadd.s32 s31, s12  }
0x2bf: {  	[hbm4b:s1+s3] =	stream.linear.scatter [tilespmem:s24], [sflag:$0x4], $0x8000, $0x38;
	[tilespmem:$0x11B60] =	vst v63  }
0x2c0: {  	s0 =	sadd.s32 s2, s0  }
0x2c1: {  	[hbm4b:s0+s20] =	stream.strided.scatter [tilespmem:s30], [sflag:$0x4], $0x800, s25, s20, $0x38;
	[tilespmem:$0x11B60] =	vst v63  }
0x2c2: {  	s0 =	sadd.s32 s7, s10  }
.Ltmp3:
0x2c3: {  	s7 =	sadd.s32 $0x80, s7;
	s0 =	sadd.s32 $0xC0, s0;
	(pc) =	sbr.rel .LBB2_2-.Ltmp3, $4  }
0x2c4: {  	[tilespmem:s22], [sflag:$0x5] =	stream.linear.gather [hbm4b:s0+s3], $0x200, $0x38;
	[tilespmem:$0x11B60] =	vst v63  }
0x2c5: {  	s14 =	sadd.s32 $0x20000, s14;
	s15 =	sadd.s32 $0x2, s15;
	_ =	swait.ge [sflag:s19], $0x200  }
0x2c6: {  	s16 =	sadd.s32 $0x2000, s16;
	s8 =	sadd.s32 $0x20000, s8;
	[sflag:s19] =	ssyncset.done $0x0  }
0x2c7: {  	s4 =	sadd.s32 $0x2, s4;
	s13 =	sadd.s32 $0x2000, s13;
	[sflag:s19] =	ssyncadd.s32 $0xFFFFFE00  }
.LBB2_5:
0x2c8: {  	_ =	sfence.sel $0x180000  }
0x2c9: {  	[bflag:$0x0] =	sbarrier.arrive $0xFFFF  }
0x2ca: {  	_ =	strace $0x90000047  }
0x2cb: {  	s0 =	stileid.u32;
	[bflag:$0x2] =	sbarrier.arrive $0xFFFF  }
0x2cc: {  	p0 =	sne.s32 s0, $0x0;
	s0 =	rddreg [dreg:$0x2]  }
0x2cd: {  	s0 =	sadd.s32 @!p0 $0x100000, s0  }
0x2ce: {  	[sflag:s0] =	ssyncadd.tile.s32 @!p0 $0x1;
	_ =	shalt  }
.Lfunc_end2:
_tile_overlayer_lowered:
.L_overlay_start_2:
0x2cf: {  	(tag) =	ssettag $0x2  }
0x2d0: {  	s0 =	rddreg [dreg:$0x0];
	s2 =	stileid.u32  }
0x2d1: {  	s1 =	rddreg [dreg:$0x1];
	p0 =	sne.s32 s2, $0x0  }
0x2d2: {  	s3 =	rddreg [dreg:$0x2];
	[bflag:$0x3] =	sbarrier.arrive $0xFFFF;
	s2 =	simm.s32 @!p0 $0x1C05  }
0x2d3: {  	[timem:s3], [sflag:s2] =	dma.local @!p0 [hbm:s0], s1  }
0x2d4: {  	s0 =	simm.s32 @!p0 $0x5  }
0x2d5: {  	_ =	swait.ge @!p0 [sflag:s0], s1  }
0x2d6: {  	s1 =	ssub.s32 @!p0 $0x0, s1;
	[sflag:s0] =	ssyncset.done @!p0 $0x0  }
0x2d7: {  	[sflag:s0] =	ssyncadd.s32 @!p0 s1  }
0x2d8: {  	[bflag:$0x3] =	sbarrier.arrive $0xFFFF  }
0x2d9: {  	_ =	shalt  }

// kernel: sparse-core-data-format-call.cloned.1.call-start
scs
called_computation_lowered:
.L_overlay_start_0:
0x0: {  	s1 =	sld [smem:$0x3FD9]  }
0x1: {  	s2 =	sld [smem:$0x3FFE];
	_ =	sdelay $0x1  }
0x2: {  	s3 =	srdreg.scid  }
0x3: {  	s0 =	sand.u32 $0x1, s3  }
0x4: {  	s17 =	sshll.u32 s0, $0xA;
	s1 =	sadd.s32 s2, s1  }
0x5: {  	s1 =	sadd.s32 s1, s17  }
0x6: {  	[smem:$0x3FC1] =	sst s1  }
0x7: {  	_ = 	snop  }
0x8: {  	(tm) =	ssettm $0x1  }
0x9: {  	s18 =	sld [smem:$0x3FFB];
	_ =	sdelay $0x3  }
0xa: {  	_ =	strace s18  }
0xb: {  	s1 =	sld [smem:$0x3FFC];
	_ =	sdelay $0x3  }
0xc: {  	_ =	strace s1  }
0xd: {  	s1 =	sld [smem:$0x3FFD];
	_ =	sdelay $0x3  }
0xe: {  	_ =	strace s1  }
0xf: {  	_ =	strace $0x8FFFFFFF  }
0x10: {  	s19 =	sld [smem:$0x3FDB];
	_ =	sdelay $0x1  }
0x11: {  	s20 =	simm.s32 $_scs_section_size  }
0x12: {  	s4 =	simm.s32 $_size__tile_overlayer_lowered;
	s5 =	simm.s32 $_tile_overlayer_lowered  }
0x13: {  	s23 =	simm.s32 $0x1BFF;
	s22 =	sshll.u32 s5, $0x1;
	s1 =	sadd.s32 s20, s19  }
0x14: {  	s6 =	simm.s32 $0x0;
	s21 =	sshll.u32 s4, $0x1;
	s4 =	sadd.s32 s22, s1  }
0x15: {  	[timem:s6], [sflag:s23] =	dma.local [hbm:s4], s21  }
0x16: {  	_ =	swait.ge [sflag:s23], s21  }
0x17: {  	s2 =	ssub.s32 $0x0, s21;
	[sflag:s23] =	ssyncset.done $0x0  }
0x18: {  	[sflag:s23] =	ssyncadd.s32 s2;
	_ =	sdelay $0x1  }
0x19: {  	s24 =	simm.s32 $0x1B8B  }
0x1a: {  	_ =	swait.ge [sflag:s24], $0x1  }
0x1b: {  	[sflag:s24] =	ssyncset.done $0x0  }
0x1c: {  	s26 =	simm.s32 $0x1B8E;
	s25 =	sld [smem:$0x3FFE];
	[sflag:s24] =	ssyncadd.s32 $0xFFFFFFFF  }
0x1d: {  	s27 =	simm.s32 $execute0_lowered;
	[smem:$0x3FD2] =	sst s26  }
0x1e: {  	s4 =	sshll.u32 s27, $0x1;
	_ =	strace $0x80000049;
	[dreg:$0x1] =	wrdreg $0xFFFFFFFF  }
0x1f: {  	s28 =	simm.s32 $_size_execute0_lowered;
	s1 =	sadd.s32 s1, s4;
	[dreg:$0x0] =	wrdreg $0x0  }
0x20: {  	s4 =	sshll.u32 s28, $0x1;
	[dreg:$0x2] =	wrdreg s1  }
0x21: {  	[dreg:$0x3] =	wrdreg s4  }
0x22: {  	[dreg:$0x4] =	wrdreg $0xC0  }
0x23: {  	_ =	task [dreg:s6], $0x5FFFF  }
0x24: {  	[dreg:$0x1] =	wrdreg $0xFFFFFFFF  }
0x25: {  	[dreg:$0x0] =	wrdreg $0x60  }
0x26: {  	[dreg:$0x2] =	wrdreg s25  }
0x27: {  	[dreg:$0x3] =	wrdreg $0x9  }
0x28: {  	_ =	task.clear_ibuf [dreg:s6], $0x4FFFF;
	_ =	strace $0x90000049  }
0x29: {  	s29 =	simm.s32 $0x9;
	_ =	strace $0x8000004B  }
0x2a: {  	_ =	swait.ge [sflag:s29], $0x1  }
0x2b: {  	[sflag:s29] =	ssyncadd.s32 $0xFFFFFFFF  }
0x2c: {  	_ =	strace $0x9000004B  }
0x2d: {  	_ =	sfence  }
0x2e: {  	s30 =	sld [smem:$0x0];
	_ =	sdelay $0x2  }
0x2f: {  	s31 =	sshll.u32 s3, $0xD;
	s3 =	sshrl.u32 s3, $0x2  }
0x30: {  	s2 =	sand.u32 $0x4000, s31;
	s1 =	sadd.s32 s3, s30  }
0x31: {  	s0 =	sor.u32 s2, s0;
	s1 =	sshll.u32 s1, $0x11  }
0x32: {  	s0 =	sor.u32 s1, s0  }
0x33: {  	s0 =	sadd.s32 $0x8F2B, s0  }
0x34: {  	[sflag:s0] =	ssyncadd.remote.s32 $0x1  }
0x35: {  	_ =	sfence.sel $0xFFFF  }
0x36: {  	[dreg:$0x0] =	wrdreg $0xFFFFFFFF;
	(pc) =	sbr.abs _section_cstart, $3  }
0x37: {  	[dreg:$0x1] =	wrdreg $0xFFFFFFFF  }
0x38: {  	_ =	task.clear_ibuf [dreg:s6], $0x2FFFF;
	_ =	strace $0x9FFFFFFF  }
0x39: {  	(tm) =	ssettm $0x7FFFFFFF  }
tec
execute0_lowered:
.L_overlay_start_1:
0x0: {  	(tag) =	ssettag $0x1  }
0x1: {  	s0 =	srdreg.scid  }
0x2: {  	s1 =	sshll.u32 s0, $0x4  }
0x3: {  	s5 =	rddreg [dreg:$0x0];
	s0 =	stileid.u32;
	s1 =	sand.u32 $0x10, s1  }
0x4: {  	s31 =	simm.s32 $0x2;
	s14 =	simm.s32 $0x0;
	s3 =	sor.u32 s0, s1  }
0x5: {  	s9 =	simm.s32 $0x100;
	s10 =	simm.s32 $0xC8000;
	s2 =	sshll.u32 s3, $0x7  }
0x6: {  	s13 =	simm.s32 $0x0;
	s11 =	simm.s32 $0x0;
	s4 =	ssub.s32 $0x1000, s2  }
0x7: {  	s1 =	rddreg [dreg:$0x1];
	_ =	strace $0x8000004A;
	s6 =	sand.u32 $0xF80, s4  }
0x8: {  	s3 =	sshll.u32 s3, $0xB;
	p0 =	sne.s32 s6, $0x0;
	s6 =	simm.s32 $0x1  }
.Ltmp0:
0x9: {  	s4 =	sshrl.u32 s4, $0xC;
	s6 =	simm.s32 @!p0 $0x0;
	(pc) =	sbr.rel .LBB1_1-.Ltmp0, $4  }
0xa: {  	s7 =	sadd.s32 s3, s5;
	s3 =	simm.s32 $0x1;
	s4 =	sadd.s32 s6, s4  }
0xb: {  	s12 =	simm.s32 $0x0;
	[sflag:s3] =	ssyncpa.u1 $0x0;
	s4 =	smul.u32 $0x64, s4  }
0xc: {  	s5 =	sadd.s32 $0xE39A00, s5;
	[sflag:s31] =	ssyncpa.u1 $0x0;
	p0 =	por $0x0, $0x0  }
0xd: {  	s6 =	sadd.s32 $0x1B9A00, s7;
	s7 =	sadd.s32 $0x1C9A00, s7;
	s8 =	sor.u32 $0x1, s4  }
.LBB1_7:
0xe: {  	s15 =	sadd.s32 $0x2, s11  }
0xf: {  	p2 =	sgt.s32 s15, $0xC7  }
0x10: {  	s15 =	simm.s32 @p2 $0x0;
	p2 =	sne.s32 s12, s8  }
.Ltmp1:
0x11: {  	p1 =	slt.u32 s12, $0x2;
	(pc) =	sbr.rel @!p2 .LBB1_8-.Ltmp1, $4  }
0x12: {  	s14 =	simm.s32 @!p1 $0x2  }
0x13: {  	s16 =	sadd.s32 $0x1, s12;
	s13 =	smov.u32 s11;
	_ =	swait.ge @!p1 [sflag:s14], $0x4000  }
0x14: {  	p0 =	por !p0, !p0;
	s12 =	smov.u32 s16;
	[sflag:s14] =	ssyncset.done @!p1 $0x0  }
0x15: {  	s11 =	smov.u32 s15;
	[sflag:s14] =	ssyncadd.s32 @!p1 $0xFFFFC000;
	s14 =	smov.u32 s2  }
.LBB1_1:
0x16: {  	p1 =	sge.u32 s12, s4  }
0x17: {  	s15 =	sxor.u32 @!p1 $0xFFFFFFFF, s12  }
0x18: {  	s16 =	sshll.u32 @!p1 s11, $0x10;
	s18 =	simm.s32 @!p1 $0x40;
	s15 =	sshll.u32 @!p1 s15, $0xE  }
0x19: {  	s19 =	simm.s32 @!p1 $0x80;
	s17 =	sadd.s32 @!p1 s16, s6;
	s15 =	sand.u32 @!p1 $0x4000, s15  }
0x1a: {  	[tilespmem:s15], [sflag:$0x1] =	stream.strided.gather @!p1 [hbm4b:s17+s18], $0x2000, s19, s18, $0x38;
	[tilespmem:$0x10100] =	vst v63  }
0x1b: {  	s31 =	sadd.s32 $0xFFFFFFFF, s12;
	s16 =	sadd.s32 @!p1 s16, s7;
	s15 =	sor.u32 @!p1 $0x2000, s15  }
0x1c: {  	[tilespmem:s15], [sflag:$0x1] =	stream.strided.gather @!p1 [hbm4b:s16+s18], $0x2000, s19, s18, $0x38;
	[tilespmem:$0x10100] =	vst v63  }
0x1d: {  	p1 =	sge.u32 s31, s4  }
.Ltmp2:
0x1e: {  	_ = 	snop;
	(pc) =	sbr.rel @p1 .LBB1_7-.Ltmp2, $1  }
0x1f: {  	_ =	sdelay $0x3  }
0x20: {  	s15 =	simm.s32 $0x1;
	s17 =	sand.u32 $0x1, s12  }
0x21: {  	_ =	swait.ge [sflag:s3], $0x4000;
	s15 =	simm.s32 @!p0 $0x0;
	s17 =	smul.u32 $0x10200, s17  }
0x22: {  	p2 =	por $0x1, $0x1;
	[sflag:s3] =	ssyncset.done $0x0;
	s16 =	smul.u32 $0x10200, s15  }
0x23: {  	s18 =	sshll.u32 s15, $0x10;
	[sflag:s3] =	ssyncadd.s32 $0xFFFFC000;
	s30 =	sshrl.u32 s17, $0x2  }
0x24: {  	s31 =	sshrl.u32 s18, $0x2;
	s18 =	simm.s32 $0x0;
	s16 =	sshrl.u32 s16, $0x2  }
0x25: {  	s15 =	sor.u32 $0x8000, s30;
	s17 =	sadd.s32 $0x20, s31;
	s16 =	sor.u32 $0x8000, s16  }
.LBB1_3:
0x26: {  	s19 =	sshll.u32 s18, $0xD  }
0x27: {  	s19 =	sand.u32 $0x3FFFE000, s19  }
0x28: {  	s21 =	sadd.s32 s19, s17  }
0x29: {  	s31 =	smul.u32 $0x204, s18;
	v3 =	vld [tilespmem:s21+$0x10]  }
0x2a: {  	v1 =	vld [tilespmem:s21+$0xFFFFFFF0]  }
0x2b: {  	s18 =	sshra.s32 s31, $0x2;
	v0 =	vld [tilespmem:s21+$0x0]  }
0x2c: {  	s18 =	sadd.s32 s18, s16;
	v2 =	vld [tilespmem:s21+$0xFFFFFFE0]  }
0x2d: {  	s19 =	sadd.s32 $0x0, s18  }
0x2e: {  	p1 =	por p2, p2;
	s20 =	simm.s32 $0x4;
	s21 =	sadd.s32 $0x40, s21;
	[tilespmem:s19+$0x3060 ss:$0x102] =	vst.msk $0xffff, v3  }
.LBB1_4:
0x2f: {  	v3 =	vld [tilespmem:s21+$0x10];
	p2 =	sne.s32 s20, $0x1FC;
	[tilespmem:s19+$0x1020 ss:$0x102] =	vst.msk $0xffff, v1;
	s22 =	smov.u32 s20;
	s20 =	sadd.s32 $0x4, s20  }
.Ltmp3:
0x30: {  	v1 =	vld [tilespmem:s21+$0xFFFFFFF0];
	[tilespmem:s19+$0x2040 ss:$0x102] =	vst.msk $0xffff, v0;
	(pc) =	sbr.rel @p2 .LBB1_4-.Ltmp3, $4  }
0x31: {  	v0 =	vld [tilespmem:s21+$0x0];
	[tilespmem:s19+$0x0 ss:$0x102] =	vst.msk $0xffff, v2  }
0x32: {  	s19 =	sshra.s32 s22, $0x2;
	v2 =	vld [tilespmem:s21+$0xFFFFFFE0]  }
0x33: {  	s19 =	sadd.s32 s19, s18  }
0x34: {  	s21 =	sadd.s32 $0x40, s21;
	[tilespmem:s19+$0x3060 ss:$0x102] =	vst.msk $0xffff, v3  }
.Ltmp4:
0x35: {  	(pc) =	sbr.rel @p1 .LBB1_3-.Ltmp4, $4  }
0x36: {  	_ = 	snop  }
0x37: {  	[tilespmem:s19+$0x1020 ss:$0x102] =	vst.msk $0xffff, v1  }
0x38: {  	[tilespmem:s19+$0x2040 ss:$0x102] =	vst.msk $0xffff, v0  }
0x39: {  	s18 =	simm.s32 $0x1;
	p2 =	por $0x0, $0x0;
	[tilespmem:s19+$0x0 ss:$0x102] =	vst.msk $0xffff, v2  }
0x3a: {  	s16 =	sshll.u32 s13, $0xC  }
0x3b: {  	s14 =	sshll.u32 s14, $0x3;
	s16 =	sand.u32 $0xFFFF8000, s16  }
0x3c: {  	s16 =	sadd.s32 s14, s16  }
0x3d: {  	s16 =	sshrl.u32 s16, $0xC  }
0x3e: {  	s17 =	smulhi.u32 $0x147AE15, s16  }
0x3f: {  	s30 =	sshll.u32 s13, $0x7  }
0x40: {  	s13 =	sand.u32 $0x380, s30;
	s14 =	sand.u32 $0xC00, s14;
	s17 =	smul.u32 $0xC8, s17  }
.Ltmp5:
0x41: {  	s13 =	sor.u32 s13, s14;
	(pc) =	sbr.rel .LBB1_7-.Ltmp5, $4  }
0x42: {  	s13 =	sshrl.u32 s13, $0x3;
	s31 =	ssub.s32 s16, s17  }
0x43: {  	s13 =	sadd.s32 s5, s13;
	s14 =	sshll.u32 s31, $0x9  }
0x44: {  	s13 =	sadd.s32 s14, s13  }
0x45: {  	[hbm4b:s13+s9] =	stream.strided.scatter [tilespmem:s15], [sflag:$0x2], $0x4000, s10, s9, $0x20;
	[tilespmem:$0x10100] =	vst v63  }
.LBB1_8:
0x46: {  	_ =	sfence.sel $0x180000  }
0x47: {  	s2 =	simm.s32 $0x1;
	[bflag:$0x0] =	sbarrier.arrive $0xFFFF  }
0x48: {  	s31 =	simm.s32 $0x2;
	[sflag:s2] =	ssyncpa.u1 $0x1  }
0x49: {  	[sflag:s31] =	ssyncpa.u1 $0x1  }
0x4a: {  	p0 =	sne.s32 s0, $0x0;
	_ =	strace $0x9000004A  }
0x4b: {  	s0 =	sadd.s32 @!p0 $0x100000, s1;
	[bflag:$0x2] =	sbarrier.arrive $0xFFFF  }
0x4c: {  	[sflag:s0] =	ssyncadd.tile.s32 @!p0 $0x1;
	_ =	shalt  }
.Lfunc_end1:
_tile_overlayer_lowered:
.L_overlay_start_2:
0x4d: {  	(tag) =	ssettag $0x2  }
0x4e: {  	s0 =	rddreg [dreg:$0x0];
	s2 =	stileid.u32  }
0x4f: {  	s1 =	rddreg [dreg:$0x1];
	p0 =	sne.s32 s2, $0x0  }
0x50: {  	s3 =	rddreg [dreg:$0x2];
	[bflag:$0x3] =	sbarrier.arrive $0xFFFF;
	s2 =	simm.s32 @!p0 $0x1C01  }
0x51: {  	[timem:s3], [sflag:s2] =	dma.local @!p0 [hbm:s0], s1  }
0x52: {  	s0 =	simm.s32 @!p0 $0x1  }
0x53: {  	_ =	swait.ge @!p0 [sflag:s0], s1  }
0x54: {  	s1 =	ssub.s32 @!p0 $0x0, s1;
	[sflag:s0] =	ssyncset.done @!p0 $0x0  }
0x55: {  	[sflag:s0] =	ssyncadd.s32 @!p0 s1  }
0x56: {  	[bflag:$0x3] =	sbarrier.arrive $0xFFFF  }
0x57: {  	_ =	shalt  }

</sc_bundles>
